<compile_context>
chip_gen: v7x
topology: tpu7x:2x2x1
jax: 0.10.2.dev20260603
libtpu: 0.0.44.dev20260713+nightly
codegen_flags: <defaults>
</compile_context>

<pallas_src>
import functools

import jax
import jax.numpy as jnp
from jax import lax
from jax.experimental import pallas as pl
from jax.experimental.pallas import tpu as pltpu
from jax.experimental.pallas import tpu_sc as plsc

N_NODES = 10000
N_EDGES = 320000
NC = 2
NS = 16
NW = NC * NS
EPW = N_EDGES // NW
CH = 125
NCH = EPW // CH
NPAD = 10240
RPT = NPAD // NS

_EPS = 1e-5


def _make_segsum(width, NB):
    mesh = plsc.VectorSubcoreMesh(core_axis_name="c", subcore_axis_name="s")

    @functools.partial(
        pl.kernel,
        mesh=mesh,
        out_type=jax.ShapeDtypeStruct((NC, NPAD, 128), jnp.float32),
        scratch_types=[
            pltpu.VMEM((NCH, CH), jnp.int32),
            pltpu.VMEM((NCH, CH), jnp.int32),
            pltpu.VMEM((NB, CH, width), jnp.float32),
            pltpu.VMEM_SHARED((NPAD, width), jnp.float32),
            pltpu.SemaphoreType.DMA((NB,)),
            pltpu.SemaphoreType.DMA((NB,)),
        ],
        compiler_params=pltpu.CompilerParams(use_tc_tiling_on_sc=False),
    )
    def seg(y_hbm, ei_hbm, z_hbm, out_hbm,
            src_v, dst_v, rows_v, acc_sh, gsem, ssem):
        c = lax.axis_index("c")
        s = lax.axis_index("s")
        w = c * NS + s
        pltpu.sync_copy(ei_hbm.at[0, w], src_v)
        pltpu.sync_copy(ei_hbm.at[1, w], dst_v)
        pltpu.sync_copy(z_hbm, acc_sh.at[pl.ds(s * RPT, RPT)])
        for k in range(NB - 1):
            pltpu.async_copy(y_hbm.at[src_v.at[k]], rows_v.at[k], gsem.at[k])
        plsc.subcore_barrier()

        def _gwait(k):
            pltpu.make_async_copy(y_hbm.at[src_v.at[0]], rows_v.at[k],
                                  gsem.at[k]).wait()

        def _swait(k):
            pltpu.make_async_copy(y_hbm.at[src_v.at[0]], rows_v.at[k],
                                  ssem.at[k]).wait()

        def body(i, carry):
            for k in range(NB):
                j = i * NB + k
                jn = j + NB - 1
                kn = (k + NB - 1) % NB

                @pl.when(jnp.logical_and(jn >= NB, jn < NCH))
                def _():
                    _swait(kn)

                @pl.when(jn < NCH)
                def _():
                    pltpu.async_copy(y_hbm.at[src_v.at[jn]], rows_v.at[kn],
                                     gsem.at[kn])

                _gwait(k)
                pltpu.async_copy(rows_v.at[k], acc_sh.at[dst_v.at[j]],
                                 ssem.at[k], add=True)
            return carry

        lax.fori_loop(0, NCH // NB, body, 0)
        for k in range(NB):
            _swait(k)
        plsc.subcore_barrier()
        pltpu.sync_copy(acc_sh.at[pl.ds(s * RPT, RPT)],
                        out_hbm.at[c, pl.ds(s * RPT, RPT), pl.ds(0, width)])

    return seg


@functools.lru_cache(maxsize=None)
def _get_segsum(width, nb):
    return _make_segsum(width, nb)


def _pre_body(x_ref, w_ref, o_ref):
    y = lax.dot_general(x_ref[...], w_ref[...], (((1,), (1,)), ((), ())),
                        preferred_element_type=jnp.float32)
    col = lax.broadcasted_iota(jnp.int32, y.shape, 1)
    o_ref[...] = y + jnp.where(col == 64, 1.0, 0.0)


def _mid_body(p_ref, x_ref, w0r_ref, b0l_ref, g0_ref, be0_ref, w1l_ref,
              h_ref, y1_ref, cnt_ref):
    S = (p_ref[0] + p_ref[1])[0:N_NODES]
    cnt = jnp.maximum(S[:, 64:65], 1.0)
    h = (S[:, 0:64] / cnt + b0l_ref[...] +
         lax.dot_general(x_ref[...], w0r_ref[...], (((1,), (1,)), ((), ())),
                         preferred_element_type=jnp.float32))
    mu = jnp.mean(h, axis=0, keepdims=True)
    var = jnp.mean((h - mu) * (h - mu), axis=0, keepdims=True)
    h = g0_ref[...] * (h - mu) / jnp.sqrt(var + _EPS) + be0_ref[...]
    h = jnp.maximum(h, 0.0)
    h_ref[...] = h
    y1_ref[...] = lax.dot_general(h, w1l_ref[...], (((1,), (1,)), ((), ())),
                                  preferred_element_type=jnp.float32)
    cnt_ref[...] = cnt


def _fin_body(q_ref, h_ref, w1r_ref, b1l_ref, g1_ref, be1_ref, cnt_ref,
              o_ref):
    S = (q_ref[0] + q_ref[1])[0:N_NODES, 0:32]
    t = (S / cnt_ref[...] + b1l_ref[...] +
         lax.dot_general(h_ref[...], w1r_ref[...], (((1,), (1,)), ((), ())),
                         preferred_element_type=jnp.float32))
    mu = jnp.mean(t, axis=0, keepdims=True)
    var = jnp.mean((t - mu) * (t - mu), axis=0, keepdims=True)
    o_ref[...] = g1_ref[...] * (t - mu) / jnp.sqrt(var + _EPS) + be1_ref[...]


def kernel(x, edge_index, W0l, b0l, W0r, gamma0, beta0,
           W1l, b1l, W1r, gamma1, beta1):
    f32 = jnp.float32
    ei = edge_index.astype(jnp.int32).reshape(2, NW, NCH, CH)
    w0l_pad = jnp.concatenate([W0l, jnp.zeros((16, 128), f32)], axis=0)
    z80 = jnp.zeros((RPT, 80), f32)
    z32 = jnp.zeros((RPT, 32), f32)

    y0 = pl.pallas_call(
        _pre_body,
        out_shape=jax.ShapeDtypeStruct((N_NODES, 80), f32),
    )(x, w0l_pad)

    p0 = _get_segsum(80, 5)(y0, ei, z80)

    h, y1, cnt = pl.pallas_call(
        _mid_body,
        out_shape=(
            jax.ShapeDtypeStruct((N_NODES, 64), f32),
            jax.ShapeDtypeStruct((N_NODES, 32), f32),
            jax.ShapeDtypeStruct((N_NODES, 1), f32),
        ),
    )(p0, x, W0r, b0l.reshape(1, 64), gamma0.reshape(1, 64),
      beta0.reshape(1, 64), W1l)

    p1 = _get_segsum(32, 10)(y1, ei, z32)

    out = pl.pallas_call(
        _fin_body,
        out_shape=jax.ShapeDtypeStruct((N_NODES, 32), f32),
    )(p1, h, W1r, b1l.reshape(1, 32), gamma1.reshape(1, 32),
      beta1.reshape(1, 32), cnt)
    return out

# --- scband reference (transcript-rebuilt; emitter-appended) ---
"""Pipeline reference for scband-graph-sage-11141145166397 (READ-ONLY COPY).

The authoritative reference and input builder live on the scoring server;
editing this copy changes nothing except your own understanding.
"""

import jax, jax.numpy as jnp
import numpy as np

N_NODES = 10000
N_EDGES = 320000


def sage_conv(x, edge_index, W_l, b_l, W_r):
    # PyG-style SAGEConv with mean aggregation:
    # out_i = W_l @ mean_{j in N(i)} x_j + b_l + W_r @ x_i
    src = edge_index[0]
    dst = edge_index[1]
    n = x.shape[0]
    msgs = jnp.take(x, src, axis=0)
    summed = jax.ops.segment_sum(msgs, dst, num_segments=n)
    counts = jax.ops.segment_sum(jnp.ones((msgs.shape[0],), dtype=x.dtype), dst, num_segments=n)
    mean_agg = summed / jnp.clip(counts, 1.0, None)[:, None]
    return mean_agg @ W_l.T + b_l + x @ W_r.T


def batch_norm(x, gamma, beta, eps=1e-5):
    mu = jnp.mean(x, axis=0)
    var = jnp.var(x, axis=0)
    return gamma * (x - mu) / jnp.sqrt(var + eps) + beta


def setup_inputs(seed: int = 0) -> dict:
    key = jax.random.key(seed)
    ks = jax.random.split(key, 12)
    x = jax.random.normal(ks[0], (N_NODES, 128), dtype=jnp.float32)
    edge_index = jax.random.randint(ks[1], (2, N_EDGES), 0, N_NODES, dtype=jnp.int64)
    s0 = 1.0 / np.sqrt(128.0)
    s1 = 1.0 / np.sqrt(64.0)
    return {
        "x": x,
        "edge_index": edge_index,
        "W0l": jax.random.uniform(ks[2], (64, 128), jnp.float32, -s0, s0),
        "b0l": jax.random.uniform(ks[3], (64,), jnp.float32, -s0, s0),
        "W0r": jax.random.uniform(ks[4], (64, 128), jnp.float32, -s0, s0),
        "gamma0": jnp.ones((64,), jnp.float32),
        "beta0": jnp.zeros((64,), jnp.float32),
        "W1l": jax.random.uniform(ks[5], (32, 64), jnp.float32, -s1, s1),
        "b1l": jax.random.uniform(ks[6], (32,), jnp.float32, -s1, s1),
        "W1r": jax.random.uniform(ks[7], (32, 64), jnp.float32, -s1, s1),
        "gamma1": jnp.ones((32,), jnp.float32),
        "beta1": jnp.zeros((32,), jnp.float32),
    }


def reference(x, edge_index, W0l, b0l, W0r, gamma0, beta0, W1l, b1l, W1r, gamma1, beta1):
    # Layer 0: SAGEConv -> BatchNorm (batch stats) -> ReLU (dropout is identity, deterministic eval)
    h = sage_conv(x, edge_index, W0l, b0l, W0r)
    h = batch_norm(h, gamma0, beta0)
    h = jax.nn.relu(h)
    # Layer 1 (last): SAGEConv -> BatchNorm
    h = sage_conv(h, edge_index, W1l, b1l, W1r)
    h = batch_norm(h, gamma1, beta1)
    return h

if __name__ == "__main__":
    import jax
    _d = setup_inputs()
    print(jax.jit(kernel)(*tuple(_d.values())))

</pallas_src>

<mosaic_0001>
#map = affine_map<(d0, d1) -> (0, 0)>
#map1 = affine_map<(d0, d1) -> (0, 0, 0, 0)>
#map2 = affine_map<(d0, d1) -> (0, 0, 0)>
module attributes {stable_mosaic.version = 14 : i64} {
  func.func @seg(%arg0: i32, %arg1: i32, %arg2: memref<10000x32xf32, #tpu.memory_space<hbm>>, %arg3: memref<2x32x80x125xi32, #tpu.memory_space<hbm>>, %arg4: memref<640x32xf32, #tpu.memory_space<hbm>>, %arg5: memref<2x10240x128xf32, #tpu.memory_space<hbm>>, %arg6: memref<80x125xi32, #tpu.memory_space<vmem>>, %arg7: memref<80x125xi32, #tpu.memory_space<vmem>>, %arg8: memref<10x125x32xf32, #tpu.memory_space<vmem>>, %arg9: memref<10240x32xf32, #tpu.memory_space<vmem_shared>>, %arg10: memref<10x!tpu.dma_semaphore, #tpu.memory_space<semaphore_mem>>, %arg11: memref<10x!tpu.dma_semaphore, #tpu.memory_space<semaphore_mem>>) attributes {dimension_semantics = [#tpu.dimension_semantics<core_parallel>, #tpu.dimension_semantics<subcore_parallel>], iteration_bounds = array<i64: 2, 16>, scalar_prefetch = 0 : i64, scratch_operands = 6 : i64, tpu.core_type = #tpu.core_type<sc_vector_subcore>, window_params = [{transform_indices = #map}, {transform_indices = #map1}, {transform_indices = #map}, {transform_indices = #map2}]} {
    %mul3A = arith.constant 16 : i32
    %mul3A_0 = arith.muli %arg0, %mul3A : i32
    %add3A = arith.addi %mul3A_0, %arg1 : i32
    %run_scoped3A = arith.constant 0 : i32
    "tpu.region"() ({
      %run_scoped3A_297 = tpu.sem_alloc : memref<!tpu.dma_semaphore, #tpu.memory_space<semaphore_mem>>
      %dma_start3A_298 = arith.constant 0 : i32
      %dma_start3A_299 = arith.constant 0 : i32
      %dma_start3A_300 = tpu.memref_slice %arg3[%run_scoped3A, %add3A, %dma_start3A_298, %dma_start3A_299] : memref<2x32x80x125xi32, #tpu.memory_space<hbm>> -> memref<1x1x80x125xi32, #tpu.memory_space<hbm>>
      %dma_start3A_301 = tpu.memref_squeeze %dma_start3A_300 : memref<1x1x80x125xi32, #tpu.memory_space<hbm>> -> memref<80x125xi32, #tpu.memory_space<hbm>>
      %dma_start3A_302 = arith.constant 0 : i32
      %dma_start3A_303 = arith.constant 0 : i32
      %dma_start3A_304 = tpu.memref_slice %arg3[%run_scoped3A, %add3A, %dma_start3A_302, %dma_start3A_303] : memref<2x32x80x125xi32, #tpu.memory_space<hbm>> -> memref<1x1x80x125xi32, #tpu.memory_space<hbm>>
      %dma_start3A_305 = tpu.memref_squeeze %dma_start3A_304 : memref<1x1x80x125xi32, #tpu.memory_space<hbm>> -> memref<80x125xi32, #tpu.memory_space<hbm>>
      tpu.enqueue_dma source(%dma_start3A_305 : memref<80x125xi32, #tpu.memory_space<hbm>>) target(%arg6 : memref<80x125xi32, #tpu.memory_space<vmem>>) target_semaphore(%run_scoped3A_297 : memref<!tpu.dma_semaphore, #tpu.memory_space<semaphore_mem>>)
      %dma_wait3A_306 = arith.constant 0 : i32
      %dma_wait3A_307 = arith.constant 0 : i32
      %dma_wait3A_308 = tpu.memref_slice %arg3[%run_scoped3A, %add3A, %dma_wait3A_306, %dma_wait3A_307] : memref<2x32x80x125xi32, #tpu.memory_space<hbm>> -> memref<1x1x80x125xi32, #tpu.memory_space<hbm>>
      %dma_wait3A_309 = tpu.memref_squeeze %dma_wait3A_308 : memref<1x1x80x125xi32, #tpu.memory_space<hbm>> -> memref<80x125xi32, #tpu.memory_space<hbm>>
      %dma_wait3A_310 = arith.constant 0 : i32
      %dma_wait3A_311 = arith.constant 0 : i32
      %dma_wait3A_312 = tpu.memref_slice %arg3[%run_scoped3A, %add3A, %dma_wait3A_310, %dma_wait3A_311] : memref<2x32x80x125xi32, #tpu.memory_space<hbm>> -> memref<1x1x80x125xi32, #tpu.memory_space<hbm>>
      %dma_wait3A_313 = tpu.memref_squeeze %dma_wait3A_312 : memref<1x1x80x125xi32, #tpu.memory_space<hbm>> -> memref<80x125xi32, #tpu.memory_space<hbm>>
      tpu.wait_dma2 semaphore(%run_scoped3A_297 : memref<!tpu.dma_semaphore, #tpu.memory_space<semaphore_mem>>) src(%dma_wait3A_313 : memref<80x125xi32, #tpu.memory_space<hbm>>) dst(%arg6 : memref<80x125xi32, #tpu.memory_space<vmem>>)
      tpu.yield
    }) : () -> ()
    %run_scoped3A_1 = arith.constant 1 : i32
    "tpu.region"() ({
      %run_scoped3A_297 = tpu.sem_alloc : memref<!tpu.dma_semaphore, #tpu.memory_space<semaphore_mem>>
      %dma_start3A_298 = arith.constant 0 : i32
      %dma_start3A_299 = arith.constant 0 : i32
      %dma_start3A_300 = tpu.memref_slice %arg3[%run_scoped3A_1, %add3A, %dma_start3A_298, %dma_start3A_299] : memref<2x32x80x125xi32, #tpu.memory_space<hbm>> -> memref<1x1x80x125xi32, #tpu.memory_space<hbm>>
      %dma_start3A_301 = tpu.memref_squeeze %dma_start3A_300 : memref<1x1x80x125xi32, #tpu.memory_space<hbm>> -> memref<80x125xi32, #tpu.memory_space<hbm>>
      %dma_start3A_302 = arith.constant 0 : i32
      %dma_start3A_303 = arith.constant 0 : i32
      %dma_start3A_304 = tpu.memref_slice %arg3[%run_scoped3A_1, %add3A, %dma_start3A_302, %dma_start3A_303] : memref<2x32x80x125xi32, #tpu.memory_space<hbm>> -> memref<1x1x80x125xi32, #tpu.memory_space<hbm>>
      %dma_start3A_305 = tpu.memref_squeeze %dma_start3A_304 : memref<1x1x80x125xi32, #tpu.memory_space<hbm>> -> memref<80x125xi32, #tpu.memory_space<hbm>>
      tpu.enqueue_dma source(%dma_start3A_305 : memref<80x125xi32, #tpu.memory_space<hbm>>) target(%arg7 : memref<80x125xi32, #tpu.memory_space<vmem>>) target_semaphore(%run_scoped3A_297 : memref<!tpu.dma_semaphore, #tpu.memory_space<semaphore_mem>>)
      %dma_wait3A_306 = arith.constant 0 : i32
      %dma_wait3A_307 = arith.constant 0 : i32
      %dma_wait3A_308 = tpu.memref_slice %arg3[%run_scoped3A_1, %add3A, %dma_wait3A_306, %dma_wait3A_307] : memref<2x32x80x125xi32, #tpu.memory_space<hbm>> -> memref<1x1x80x125xi32, #tpu.memory_space<hbm>>
      %dma_wait3A_309 = tpu.memref_squeeze %dma_wait3A_308 : memref<1x1x80x125xi32, #tpu.memory_space<hbm>> -> memref<80x125xi32, #tpu.memory_space<hbm>>
      %dma_wait3A_310 = arith.constant 0 : i32
      %dma_wait3A_311 = arith.constant 0 : i32
      %dma_wait3A_312 = tpu.memref_slice %arg3[%run_scoped3A_1, %add3A, %dma_wait3A_310, %dma_wait3A_311] : memref<2x32x80x125xi32, #tpu.memory_space<hbm>> -> memref<1x1x80x125xi32, #tpu.memory_space<hbm>>
      %dma_wait3A_313 = tpu.memref_squeeze %dma_wait3A_312 : memref<1x1x80x125xi32, #tpu.memory_space<hbm>> -> memref<80x125xi32, #tpu.memory_space<hbm>>
      tpu.wait_dma2 semaphore(%run_scoped3A_297 : memref<!tpu.dma_semaphore, #tpu.memory_space<semaphore_mem>>) src(%dma_wait3A_313 : memref<80x125xi32, #tpu.memory_space<hbm>>) dst(%arg7 : memref<80x125xi32, #tpu.memory_space<vmem>>)
      tpu.yield
    }) : () -> ()
    %mul3A_2 = arith.constant 640 : i32
    %mul3A_3 = arith.muli %arg1, %mul3A_2 : i32
    "tpu.region"() ({
      %run_scoped3A_297 = tpu.sem_alloc : memref<!tpu.dma_semaphore, #tpu.memory_space<semaphore_mem>>
      %dma_start3A_298 = arith.constant 0 : i32
      %dma_start3A_299 = tpu.memref_slice %arg9[%mul3A_3, %dma_start3A_298] : memref<10240x32xf32, #tpu.memory_space<vmem_shared>> -> memref<640x32xf32, #tpu.memory_space<vmem_shared>>
      tpu.enqueue_dma source(%arg4 : memref<640x32xf32, #tpu.memory_space<hbm>>) target(%dma_start3A_299 : memref<640x32xf32, #tpu.memory_space<vmem_shared>>) target_semaphore(%run_scoped3A_297 : memref<!tpu.dma_semaphore, #tpu.memory_space<semaphore_mem>>)
      %dma_wait3A_300 = arith.constant 0 : i32
      %dma_wait3A_301 = tpu.memref_slice %arg9[%mul3A_3, %dma_wait3A_300] : memref<10240x32xf32, #tpu.memory_space<vmem_shared>> -> memref<640x32xf32, #tpu.memory_space<vmem_shared>>
      tpu.wait_dma2 semaphore(%run_scoped3A_297 : memref<!tpu.dma_semaphore, #tpu.memory_space<semaphore_mem>>) src(%arg4 : memref<640x32xf32, #tpu.memory_space<hbm>>) dst(%dma_wait3A_301 : memref<640x32xf32, #tpu.memory_space<vmem_shared>>)
      tpu.yield
    }) : () -> ()
    %dma_start3A = arith.constant 0 : i32
    %dma_start3A_4 = arith.constant 0 : i32
    %dma_start3A_5 = arith.constant 0 : i32
    %dma_start3A_6 = arith.constant 0 : i32
    %dma_start3A_7 = arith.constant 0 : i32
    %dma_start3A_8 = tpu.memref_slice %arg8[%dma_start3A_4, %dma_start3A_6, %dma_start3A_7] : memref<10x125x32xf32, #tpu.memory_space<vmem>> -> memref<1x125x32xf32, #tpu.memory_space<vmem>>
    %dma_start3A_9 = tpu.memref_squeeze %dma_start3A_8 : memref<1x125x32xf32, #tpu.memory_space<vmem>> -> memref<125x32xf32, #tpu.memory_space<vmem>>
    %dma_start3A_10 = arith.constant 0 : i32
    %dma_start3A_11 = tpu.memref_slice %arg6[%dma_start3A, %dma_start3A_10] : memref<80x125xi32, #tpu.memory_space<vmem>> -> memref<1x125xi32, #tpu.memory_space<vmem>>
    %dma_start3A_12 = tpu.memref_squeeze %dma_start3A_11 : memref<1x125xi32, #tpu.memory_space<vmem>> -> memref<125xi32, #tpu.memory_space<vmem>>
    %dma_start3A_13 = arith.constant 0 : i32
    %dma_start3A_14 = arith.constant 0 : i32
    %dma_start3A_15 = tpu.memref_slice %arg2[%dma_start3A_13, %dma_start3A_14] : memref<10000x32xf32, #tpu.memory_space<hbm>> -> memref<10000x32xf32, #tpu.memory_space<hbm>>
    %dma_start3A_16 = tpu.memref_slice %arg10[%dma_start3A_5] : memref<10x!tpu.dma_semaphore, #tpu.memory_space<semaphore_mem>> -> memref<1x!tpu.dma_semaphore, #tpu.memory_space<semaphore_mem>>
    %dma_start3A_17 = tpu.memref_squeeze %dma_start3A_16 : memref<1x!tpu.dma_semaphore, #tpu.memory_space<semaphore_mem>> -> memref<!tpu.dma_semaphore, #tpu.memory_space<semaphore_mem>>
    tpu.enqueue_indirect_dma source(%dma_start3A_15 : memref<10000x32xf32, #tpu.memory_space<hbm>>) target(%dma_start3A_9 : memref<125x32xf32, #tpu.memory_space<vmem>>) offsets(%dma_start3A_12 : memref<125xi32, #tpu.memory_space<vmem>>) semaphore(%dma_start3A_17 : memref<!tpu.dma_semaphore, #tpu.memory_space<semaphore_mem>>)
    %dma_start3A_18 = arith.constant 1 : i32
    %dma_start3A_19 = arith.constant 1 : i32
    %dma_start3A_20 = arith.constant 1 : i32
    %dma_start3A_21 = arith.constant 0 : i32
    %dma_start3A_22 = arith.constant 0 : i32
    %dma_start3A_23 = tpu.memref_slice %arg8[%dma_start3A_19, %dma_start3A_21, %dma_start3A_22] : memref<10x125x32xf32, #tpu.memory_space<vmem>> -> memref<1x125x32xf32, #tpu.memory_space<vmem>>
    %dma_start3A_24 = tpu.memref_squeeze %dma_start3A_23 : memref<1x125x32xf32, #tpu.memory_space<vmem>> -> memref<125x32xf32, #tpu.memory_space<vmem>>
    %dma_start3A_25 = arith.constant 0 : i32
    %dma_start3A_26 = tpu.memref_slice %arg6[%dma_start3A_18, %dma_start3A_25] : memref<80x125xi32, #tpu.memory_space<vmem>> -> memref<1x125xi32, #tpu.memory_space<vmem>>
    %dma_start3A_27 = tpu.memref_squeeze %dma_start3A_26 : memref<1x125xi32, #tpu.memory_space<vmem>> -> memref<125xi32, #tpu.memory_space<vmem>>
    %dma_start3A_28 = arith.constant 0 : i32
    %dma_start3A_29 = arith.constant 0 : i32
    %dma_start3A_30 = tpu.memref_slice %arg2[%dma_start3A_28, %dma_start3A_29] : memref<10000x32xf32, #tpu.memory_space<hbm>> -> memref<10000x32xf32, #tpu.memory_space<hbm>>
    %dma_start3A_31 = tpu.memref_slice %arg10[%dma_start3A_20] : memref<10x!tpu.dma_semaphore, #tpu.memory_space<semaphore_mem>> -> memref<1x!tpu.dma_semaphore, #tpu.memory_space<semaphore_mem>>
    %dma_start3A_32 = tpu.memref_squeeze %dma_start3A_31 : memref<1x!tpu.dma_semaphore, #tpu.memory_space<semaphore_mem>> -> memref<!tpu.dma_semaphore, #tpu.memory_space<semaphore_mem>>
    tpu.enqueue_indirect_dma source(%dma_start3A_30 : memref<10000x32xf32, #tpu.memory_space<hbm>>) target(%dma_start3A_24 : memref<125x32xf32, #tpu.memory_space<vmem>>) offsets(%dma_start3A_27 : memref<125xi32, #tpu.memory_space<vmem>>) semaphore(%dma_start3A_32 : memref<!tpu.dma_semaphore, #tpu.memory_space<semaphore_mem>>)
    %dma_start3A_33 = arith.constant 2 : i32
    %dma_start3A_34 = arith.constant 2 : i32
    %dma_start3A_35 = arith.constant 2 : i32
    %dma_start3A_36 = arith.constant 0 : i32
    %dma_start3A_37 = arith.constant 0 : i32
    %dma_start3A_38 = tpu.memref_slice %arg8[%dma_start3A_34, %dma_start3A_36, %dma_start3A_37] : memref<10x125x32xf32, #tpu.memory_space<vmem>> -> memref<1x125x32xf32, #tpu.memory_space<vmem>>
    %dma_start3A_39 = tpu.memref_squeeze %dma_start3A_38 : memref<1x125x32xf32, #tpu.memory_space<vmem>> -> memref<125x32xf32, #tpu.memory_space<vmem>>
    %dma_start3A_40 = arith.constant 0 : i32
    %dma_start3A_41 = tpu.memref_slice %arg6[%dma_start3A_33, %dma_start3A_40] : memref<80x125xi32, #tpu.memory_space<vmem>> -> memref<1x125xi32, #tpu.memory_space<vmem>>
    %dma_start3A_42 = tpu.memref_squeeze %dma_start3A_41 : memref<1x125xi32, #tpu.memory_space<vmem>> -> memref<125xi32, #tpu.memory_space<vmem>>
    %dma_start3A_43 = arith.constant 0 : i32
    %dma_start3A_44 = arith.constant 0 : i32
    %dma_start3A_45 = tpu.memref_slice %arg2[%dma_start3A_43, %dma_start3A_44] : memref<10000x32xf32, #tpu.memory_space<hbm>> -> memref<10000x32xf32, #tpu.memory_space<hbm>>
    %dma_start3A_46 = tpu.memref_slice %arg10[%dma_start3A_35] : memref<10x!tpu.dma_semaphore, #tpu.memory_space<semaphore_mem>> -> memref<1x!tpu.dma_semaphore, #tpu.memory_space<semaphore_mem>>
    %dma_start3A_47 = tpu.memref_squeeze %dma_start3A_46 : memref<1x!tpu.dma_semaphore, #tpu.memory_space<semaphore_mem>> -> memref<!tpu.dma_semaphore, #tpu.memory_space<semaphore_mem>>
    tpu.enqueue_indirect_dma source(%dma_start3A_45 : memref<10000x32xf32, #tpu.memory_space<hbm>>) target(%dma_start3A_39 : memref<125x32xf32, #tpu.memory_space<vmem>>) offsets(%dma_start3A_42 : memref<125xi32, #tpu.memory_space<vmem>>) semaphore(%dma_start3A_47 : memref<!tpu.dma_semaphore, #tpu.memory_space<semaphore_mem>>)
    %dma_start3A_48 = arith.constant 3 : i32
    %dma_start3A_49 = arith.constant 3 : i32
    %dma_start3A_50 = arith.constant 3 : i32
    %dma_start3A_51 = arith.constant 0 : i32
    %dma_start3A_52 = arith.constant 0 : i32
    %dma_start3A_53 = tpu.memref_slice %arg8[%dma_start3A_49, %dma_start3A_51, %dma_start3A_52] : memref<10x125x32xf32, #tpu.memory_space<vmem>> -> memref<1x125x32xf32, #tpu.memory_space<vmem>>
    %dma_start3A_54 = tpu.memref_squeeze %dma_start3A_53 : memref<1x125x32xf32, #tpu.memory_space<vmem>> -> memref<125x32xf32, #tpu.memory_space<vmem>>
    %dma_start3A_55 = arith.constant 0 : i32
    %dma_start3A_56 = tpu.memref_slice %arg6[%dma_start3A_48, %dma_start3A_55] : memref<80x125xi32, #tpu.memory_space<vmem>> -> memref<1x125xi32, #tpu.memory_space<vmem>>
    %dma_start3A_57 = tpu.memref_squeeze %dma_start3A_56 : memref<1x125xi32, #tpu.memory_space<vmem>> -> memref<125xi32, #tpu.memory_space<vmem>>
    %dma_start3A_58 = arith.constant 0 : i32
    %dma_start3A_59 = arith.constant 0 : i32
    %dma_start3A_60 = tpu.memref_slice %arg2[%dma_start3A_58, %dma_start3A_59] : memref<10000x32xf32, #tpu.memory_space<hbm>> -> memref<10000x32xf32, #tpu.memory_space<hbm>>
    %dma_start3A_61 = tpu.memref_slice %arg10[%dma_start3A_50] : memref<10x!tpu.dma_semaphore, #tpu.memory_space<semaphore_mem>> -> memref<1x!tpu.dma_semaphore, #tpu.memory_space<semaphore_mem>>
    %dma_start3A_62 = tpu.memref_squeeze %dma_start3A_61 : memref<1x!tpu.dma_semaphore, #tpu.memory_space<semaphore_mem>> -> memref<!tpu.dma_semaphore, #tpu.memory_space<semaphore_mem>>
    tpu.enqueue_indirect_dma source(%dma_start3A_60 : memref<10000x32xf32, #tpu.memory_space<hbm>>) target(%dma_start3A_54 : memref<125x32xf32, #tpu.memory_space<vmem>>) offsets(%dma_start3A_57 : memref<125xi32, #tpu.memory_space<vmem>>) semaphore(%dma_start3A_62 : memref<!tpu.dma_semaphore, #tpu.memory_space<semaphore_mem>>)
    %dma_start3A_63 = arith.constant 4 : i32
    %dma_start3A_64 = arith.constant 4 : i32
    %dma_start3A_65 = arith.constant 4 : i32
    %dma_start3A_66 = arith.constant 0 : i32
    %dma_start3A_67 = arith.constant 0 : i32
    %dma_start3A_68 = tpu.memref_slice %arg8[%dma_start3A_64, %dma_start3A_66, %dma_start3A_67] : memref<10x125x32xf32, #tpu.memory_space<vmem>> -> memref<1x125x32xf32, #tpu.memory_space<vmem>>
    %dma_start3A_69 = tpu.memref_squeeze %dma_start3A_68 : memref<1x125x32xf32, #tpu.memory_space<vmem>> -> memref<125x32xf32, #tpu.memory_space<vmem>>
    %dma_start3A_70 = arith.constant 0 : i32
    %dma_start3A_71 = tpu.memref_slice %arg6[%dma_start3A_63, %dma_start3A_70] : memref<80x125xi32, #tpu.memory_space<vmem>> -> memref<1x125xi32, #tpu.memory_space<vmem>>
    %dma_start3A_72 = tpu.memref_squeeze %dma_start3A_71 : memref<1x125xi32, #tpu.memory_space<vmem>> -> memref<125xi32, #tpu.memory_space<vmem>>
    %dma_start3A_73 = arith.constant 0 : i32
    %dma_start3A_74 = arith.constant 0 : i32
    %dma_start3A_75 = tpu.memref_slice %arg2[%dma_start3A_73, %dma_start3A_74] : memref<10000x32xf32, #tpu.memory_space<hbm>> -> memref<10000x32xf32, #tpu.memory_space<hbm>>
    %dma_start3A_76 = tpu.memref_slice %arg10[%dma_start3A_65] : memref<10x!tpu.dma_semaphore, #tpu.memory_space<semaphore_mem>> -> memref<1x!tpu.dma_semaphore, #tpu.memory_space<semaphore_mem>>
    %dma_start3A_77 = tpu.memref_squeeze %dma_start3A_76 : memref<1x!tpu.dma_semaphore, #tpu.memory_space<semaphore_mem>> -> memref<!tpu.dma_semaphore, #tpu.memory_space<semaphore_mem>>
    tpu.enqueue_indirect_dma source(%dma_start3A_75 : memref<10000x32xf32, #tpu.memory_space<hbm>>) target(%dma_start3A_69 : memref<125x32xf32, #tpu.memory_space<vmem>>) offsets(%dma_start3A_72 : memref<125xi32, #tpu.memory_space<vmem>>) semaphore(%dma_start3A_77 : memref<!tpu.dma_semaphore, #tpu.memory_space<semaphore_mem>>)
    %dma_start3A_78 = arith.constant 5 : i32
    %dma_start3A_79 = arith.constant 5 : i32
    %dma_start3A_80 = arith.constant 5 : i32
    %dma_start3A_81 = arith.constant 0 : i32
    %dma_start3A_82 = arith.constant 0 : i32
    %dma_start3A_83 = tpu.memref_slice %arg8[%dma_start3A_79, %dma_start3A_81, %dma_start3A_82] : memref<10x125x32xf32, #tpu.memory_space<vmem>> -> memref<1x125x32xf32, #tpu.memory_space<vmem>>
    %dma_start3A_84 = tpu.memref_squeeze %dma_start3A_83 : memref<1x125x32xf32, #tpu.memory_space<vmem>> -> memref<125x32xf32, #tpu.memory_space<vmem>>
    %dma_start3A_85 = arith.constant 0 : i32
    %dma_start3A_86 = tpu.memref_slice %arg6[%dma_start3A_78, %dma_start3A_85] : memref<80x125xi32, #tpu.memory_space<vmem>> -> memref<1x125xi32, #tpu.memory_space<vmem>>
    %dma_start3A_87 = tpu.memref_squeeze %dma_start3A_86 : memref<1x125xi32, #tpu.memory_space<vmem>> -> memref<125xi32, #tpu.memory_space<vmem>>
    %dma_start3A_88 = arith.constant 0 : i32
    %dma_start3A_89 = arith.constant 0 : i32
    %dma_start3A_90 = tpu.memref_slice %arg2[%dma_start3A_88, %dma_start3A_89] : memref<10000x32xf32, #tpu.memory_space<hbm>> -> memref<10000x32xf32, #tpu.memory_space<hbm>>
    %dma_start3A_91 = tpu.memref_slice %arg10[%dma_start3A_80] : memref<10x!tpu.dma_semaphore, #tpu.memory_space<semaphore_mem>> -> memref<1x!tpu.dma_semaphore, #tpu.memory_space<semaphore_mem>>
    %dma_start3A_92 = tpu.memref_squeeze %dma_start3A_91 : memref<1x!tpu.dma_semaphore, #tpu.memory_space<semaphore_mem>> -> memref<!tpu.dma_semaphore, #tpu.memory_space<semaphore_mem>>
    tpu.enqueue_indirect_dma source(%dma_start3A_90 : memref<10000x32xf32, #tpu.memory_space<hbm>>) target(%dma_start3A_84 : memref<125x32xf32, #tpu.memory_space<vmem>>) offsets(%dma_start3A_87 : memref<125xi32, #tpu.memory_space<vmem>>) semaphore(%dma_start3A_92 : memref<!tpu.dma_semaphore, #tpu.memory_space<semaphore_mem>>)
    %dma_start3A_93 = arith.constant 6 : i32
    %dma_start3A_94 = arith.constant 6 : i32
    %dma_start3A_95 = arith.constant 6 : i32
    %dma_start3A_96 = arith.constant 0 : i32
    %dma_start3A_97 = arith.constant 0 : i32
    %dma_start3A_98 = tpu.memref_slice %arg8[%dma_start3A_94, %dma_start3A_96, %dma_start3A_97] : memref<10x125x32xf32, #tpu.memory_space<vmem>> -> memref<1x125x32xf32, #tpu.memory_space<vmem>>
    %dma_start3A_99 = tpu.memref_squeeze %dma_start3A_98 : memref<1x125x32xf32, #tpu.memory_space<vmem>> -> memref<125x32xf32, #tpu.memory_space<vmem>>
    %dma_start3A_100 = arith.constant 0 : i32
    %dma_start3A_101 = tpu.memref_slice %arg6[%dma_start3A_93, %dma_start3A_100] : memref<80x125xi32, #tpu.memory_space<vmem>> -> memref<1x125xi32, #tpu.memory_space<vmem>>
    %dma_start3A_102 = tpu.memref_squeeze %dma_start3A_101 : memref<1x125xi32, #tpu.memory_space<vmem>> -> memref<125xi32, #tpu.memory_space<vmem>>
    %dma_start3A_103 = arith.constant 0 : i32
    %dma_start3A_104 = arith.constant 0 : i32
    %dma_start3A_105 = tpu.memref_slice %arg2[%dma_start3A_103, %dma_start3A_104] : memref<10000x32xf32, #tpu.memory_space<hbm>> -> memref<10000x32xf32, #tpu.memory_space<hbm>>
    %dma_start3A_106 = tpu.memref_slice %arg10[%dma_start3A_95] : memref<10x!tpu.dma_semaphore, #tpu.memory_space<semaphore_mem>> -> memref<1x!tpu.dma_semaphore, #tpu.memory_space<semaphore_mem>>
    %dma_start3A_107 = tpu.memref_squeeze %dma_start3A_106 : memref<1x!tpu.dma_semaphore, #tpu.memory_space<semaphore_mem>> -> memref<!tpu.dma_semaphore, #tpu.memory_space<semaphore_mem>>
    tpu.enqueue_indirect_dma source(%dma_start3A_105 : memref<10000x32xf32, #tpu.memory_space<hbm>>) target(%dma_start3A_99 : memref<125x32xf32, #tpu.memory_space<vmem>>) offsets(%dma_start3A_102 : memref<125xi32, #tpu.memory_space<vmem>>) semaphore(%dma_start3A_107 : memref<!tpu.dma_semaphore, #tpu.memory_space<semaphore_mem>>)
    %dma_start3A_108 = arith.constant 7 : i32
    %dma_start3A_109 = arith.constant 7 : i32
    %dma_start3A_110 = arith.constant 7 : i32
    %dma_start3A_111 = arith.constant 0 : i32
    %dma_start3A_112 = arith.constant 0 : i32
    %dma_start3A_113 = tpu.memref_slice %arg8[%dma_start3A_109, %dma_start3A_111, %dma_start3A_112] : memref<10x125x32xf32, #tpu.memory_space<vmem>> -> memref<1x125x32xf32, #tpu.memory_space<vmem>>
    %dma_start3A_114 = tpu.memref_squeeze %dma_start3A_113 : memref<1x125x32xf32, #tpu.memory_space<vmem>> -> memref<125x32xf32, #tpu.memory_space<vmem>>
    %dma_start3A_115 = arith.constant 0 : i32
    %dma_start3A_116 = tpu.memref_slice %arg6[%dma_start3A_108, %dma_start3A_115] : memref<80x125xi32, #tpu.memory_space<vmem>> -> memref<1x125xi32, #tpu.memory_space<vmem>>
    %dma_start3A_117 = tpu.memref_squeeze %dma_start3A_116 : memref<1x125xi32, #tpu.memory_space<vmem>> -> memref<125xi32, #tpu.memory_space<vmem>>
    %dma_start3A_118 = arith.constant 0 : i32
    %dma_start3A_119 = arith.constant 0 : i32
    %dma_start3A_120 = tpu.memref_slice %arg2[%dma_start3A_118, %dma_start3A_119] : memref<10000x32xf32, #tpu.memory_space<hbm>> -> memref<10000x32xf32, #tpu.memory_space<hbm>>
    %dma_start3A_121 = tpu.memref_slice %arg10[%dma_start3A_110] : memref<10x!tpu.dma_semaphore, #tpu.memory_space<semaphore_mem>> -> memref<1x!tpu.dma_semaphore, #tpu.memory_space<semaphore_mem>>
    %dma_start3A_122 = tpu.memref_squeeze %dma_start3A_121 : memref<1x!tpu.dma_semaphore, #tpu.memory_space<semaphore_mem>> -> memref<!tpu.dma_semaphore, #tpu.memory_space<semaphore_mem>>
    tpu.enqueue_indirect_dma source(%dma_start3A_120 : memref<10000x32xf32, #tpu.memory_space<hbm>>) target(%dma_start3A_114 : memref<125x32xf32, #tpu.memory_space<vmem>>) offsets(%dma_start3A_117 : memref<125xi32, #tpu.memory_space<vmem>>) semaphore(%dma_start3A_122 : memref<!tpu.dma_semaphore, #tpu.memory_space<semaphore_mem>>)
    %dma_start3A_123 = arith.constant 8 : i32
    %dma_start3A_124 = arith.constant 8 : i32
    %dma_start3A_125 = arith.constant 8 : i32
    %dma_start3A_126 = arith.constant 0 : i32
    %dma_start3A_127 = arith.constant 0 : i32
    %dma_start3A_128 = tpu.memref_slice %arg8[%dma_start3A_124, %dma_start3A_126, %dma_start3A_127] : memref<10x125x32xf32, #tpu.memory_space<vmem>> -> memref<1x125x32xf32, #tpu.memory_space<vmem>>
    %dma_start3A_129 = tpu.memref_squeeze %dma_start3A_128 : memref<1x125x32xf32, #tpu.memory_space<vmem>> -> memref<125x32xf32, #tpu.memory_space<vmem>>
    %dma_start3A_130 = arith.constant 0 : i32
    %dma_start3A_131 = tpu.memref_slice %arg6[%dma_start3A_123, %dma_start3A_130] : memref<80x125xi32, #tpu.memory_space<vmem>> -> memref<1x125xi32, #tpu.memory_space<vmem>>
    %dma_start3A_132 = tpu.memref_squeeze %dma_start3A_131 : memref<1x125xi32, #tpu.memory_space<vmem>> -> memref<125xi32, #tpu.memory_space<vmem>>
    %dma_start3A_133 = arith.constant 0 : i32
    %dma_start3A_134 = arith.constant 0 : i32
    %dma_start3A_135 = tpu.memref_slice %arg2[%dma_start3A_133, %dma_start3A_134] : memref<10000x32xf32, #tpu.memory_space<hbm>> -> memref<10000x32xf32, #tpu.memory_space<hbm>>
    %dma_start3A_136 = tpu.memref_slice %arg10[%dma_start3A_125] : memref<10x!tpu.dma_semaphore, #tpu.memory_space<semaphore_mem>> -> memref<1x!tpu.dma_semaphore, #tpu.memory_space<semaphore_mem>>
    %dma_start3A_137 = tpu.memref_squeeze %dma_start3A_136 : memref<1x!tpu.dma_semaphore, #tpu.memory_space<semaphore_mem>> -> memref<!tpu.dma_semaphore, #tpu.memory_space<semaphore_mem>>
    tpu.enqueue_indirect_dma source(%dma_start3A_135 : memref<10000x32xf32, #tpu.memory_space<hbm>>) target(%dma_start3A_129 : memref<125x32xf32, #tpu.memory_space<vmem>>) offsets(%dma_start3A_132 : memref<125xi32, #tpu.memory_space<vmem>>) semaphore(%dma_start3A_137 : memref<!tpu.dma_semaphore, #tpu.memory_space<semaphore_mem>>)
    %barrier3A = arith.constant 0 : index
    tpu.barrier barrier_id(%barrier3A)
    %scan3A = arith.constant 0 : i32
    %scan3A_138 = arith.constant 0 : i32
    %scan3A_139 = arith.constant 8 : i32
    %scan3A_140 = arith.addi %scan3A_138, %scan3A_139 : i32
    %scan3A_141 = arith.constant 1 : i32
    scf.for %scan3A_297 = %scan3A_138 to %scan3A_140 step %scan3A_141  : i32 {
      %mul3A_298 = arith.constant 10 : i32
      %mul3A_299 = arith.muli %scan3A_297, %mul3A_298 : i32
      %add3A_300 = arith.constant 0 : i32
      %add3A_301 = arith.addi %mul3A_299, %add3A_300 : i32
      %add3A_302 = arith.constant 10 : i32
      %add3A_303 = arith.addi %add3A_301, %add3A_302 : i32
      %sub3A = arith.constant 1 : i32
      %sub3A_304 = arith.subi %add3A_303, %sub3A : i32
      %ge3A = arith.constant 10 : i32
      %ge3A_305 = arith.cmpi sge, %sub3A_304, %ge3A : i32
      %lt3A = arith.constant 80 : i32
      %lt3A_306 = arith.cmpi slt, %sub3A_304, %lt3A : i32
      %and3A = arith.andi %ge3A_305, %lt3A_306 : i1
      %convert_element_type3A = arith.extui %and3A : i1 to i32
      %cond3A = arith.constant 0 : i32
      %cond3A_307 = arith.cmpi ne, %convert_element_type3A, %cond3A : i32
      scf.if %cond3A_307 {
        %dma_wait3A_792 = arith.constant 0 : i32
        %dma_wait3A_793 = arith.constant 9 : i32
        %dma_wait3A_794 = arith.constant 9 : i32
        %dma_wait3A_795 = arith.constant 0 : i32
        %dma_wait3A_796 = arith.constant 0 : i32
        %dma_wait3A_797 = tpu.memref_slice %arg8[%dma_wait3A_793, %dma_wait3A_795, %dma_wait3A_796] : memref<10x125x32xf32, #tpu.memory_space<vmem>> -> memref<1x125x32xf32, #tpu.memory_space<vmem>>
        %dma_wait3A_798 = tpu.memref_squeeze %dma_wait3A_797 : memref<1x125x32xf32, #tpu.memory_space<vmem>> -> memref<125x32xf32, #tpu.memory_space<vmem>>
        %dma_wait3A_799 = arith.constant 0 : i32
        %dma_wait3A_800 = tpu.memref_slice %arg6[%dma_wait3A_792, %dma_wait3A_799] : memref<80x125xi32, #tpu.memory_space<vmem>> -> memref<1x125xi32, #tpu.memory_space<vmem>>
        %dma_wait3A_801 = tpu.memref_squeeze %dma_wait3A_800 : memref<1x125xi32, #tpu.memory_space<vmem>> -> memref<125xi32, #tpu.memory_space<vmem>>
        %dma_wait3A_802 = arith.constant 0 : i32
        %dma_wait3A_803 = arith.constant 0 : i32
        %dma_wait3A_804 = tpu.memref_slice %arg2[%dma_wait3A_802, %dma_wait3A_803] : memref<10000x32xf32, #tpu.memory_space<hbm>> -> memref<10000x32xf32, #tpu.memory_space<hbm>>
        %dma_wait3A_805 = tpu.memref_slice %arg11[%dma_wait3A_794] : memref<10x!tpu.dma_semaphore, #tpu.memory_space<semaphore_mem>> -> memref<1x!tpu.dma_semaphore, #tpu.memory_space<semaphore_mem>>
        %dma_wait3A_806 = tpu.memref_squeeze %dma_wait3A_805 : memref<1x!tpu.dma_semaphore, #tpu.memory_space<semaphore_mem>> -> memref<!tpu.dma_semaphore, #tpu.memory_space<semaphore_mem>>
        tpu.wait_indirect_dma semaphore(%dma_wait3A_806 : memref<!tpu.dma_semaphore, #tpu.memory_space<semaphore_mem>>) src(%dma_wait3A_804 : memref<10000x32xf32, #tpu.memory_space<hbm>>) dst(%dma_wait3A_798 : memref<125x32xf32, #tpu.memory_space<vmem>>)
      } else {
      }
      %lt3A_308 = arith.constant 80 : i32
      %lt3A_309 = arith.cmpi slt, %sub3A_304, %lt3A_308 : i32
      %convert_element_type3A_310 = arith.extui %lt3A_309 : i1 to i32
      %cond3A_311 = arith.constant 0 : i32
      %cond3A_312 = arith.cmpi ne, %convert_element_type3A_310, %cond3A_311 : i32
      scf.if %cond3A_312 {
        %dma_start3A_792 = arith.constant 9 : i32
        %dma_start3A_793 = arith.constant 9 : i32
        %dma_start3A_794 = arith.constant 0 : i32
        %dma_start3A_795 = arith.constant 0 : i32
        %dma_start3A_796 = tpu.memref_slice %arg8[%dma_start3A_792, %dma_start3A_794, %dma_start3A_795] : memref<10x125x32xf32, #tpu.memory_space<vmem>> -> memref<1x125x32xf32, #tpu.memory_space<vmem>>
        %dma_start3A_797 = tpu.memref_squeeze %dma_start3A_796 : memref<1x125x32xf32, #tpu.memory_space<vmem>> -> memref<125x32xf32, #tpu.memory_space<vmem>>
        %dma_start3A_798 = arith.constant 0 : i32
        %dma_start3A_799 = tpu.memref_slice %arg6[%sub3A_304, %dma_start3A_798] : memref<80x125xi32, #tpu.memory_space<vmem>> -> memref<1x125xi32, #tpu.memory_space<vmem>>
        %dma_start3A_800 = tpu.memref_squeeze %dma_start3A_799 : memref<1x125xi32, #tpu.memory_space<vmem>> -> memref<125xi32, #tpu.memory_space<vmem>>
        %dma_start3A_801 = arith.constant 0 : i32
        %dma_start3A_802 = arith.constant 0 : i32
        %dma_start3A_803 = tpu.memref_slice %arg2[%dma_start3A_801, %dma_start3A_802] : memref<10000x32xf32, #tpu.memory_space<hbm>> -> memref<10000x32xf32, #tpu.memory_space<hbm>>
        %dma_start3A_804 = tpu.memref_slice %arg10[%dma_start3A_793] : memref<10x!tpu.dma_semaphore, #tpu.memory_space<semaphore_mem>> -> memref<1x!tpu.dma_semaphore, #tpu.memory_space<semaphore_mem>>
        %dma_start3A_805 = tpu.memref_squeeze %dma_start3A_804 : memref<1x!tpu.dma_semaphore, #tpu.memory_space<semaphore_mem>> -> memref<!tpu.dma_semaphore, #tpu.memory_space<semaphore_mem>>
        tpu.enqueue_indirect_dma source(%dma_start3A_803 : memref<10000x32xf32, #tpu.memory_space<hbm>>) target(%dma_start3A_797 : memref<125x32xf32, #tpu.memory_space<vmem>>) offsets(%dma_start3A_800 : memref<125xi32, #tpu.memory_space<vmem>>) semaphore(%dma_start3A_805 : memref<!tpu.dma_semaphore, #tpu.memory_space<semaphore_mem>>)
      } else {
      }
      %dma_wait3A_313 = arith.constant 0 : i32
      %dma_wait3A_314 = arith.constant 0 : i32
      %dma_wait3A_315 = arith.constant 0 : i32
      %dma_wait3A_316 = arith.constant 0 : i32
      %dma_wait3A_317 = arith.constant 0 : i32
      %dma_wait3A_318 = tpu.memref_slice %arg8[%dma_wait3A_314, %dma_wait3A_316, %dma_wait3A_317] : memref<10x125x32xf32, #tpu.memory_space<vmem>> -> memref<1x125x32xf32, #tpu.memory_space<vmem>>
      %dma_wait3A_319 = tpu.memref_squeeze %dma_wait3A_318 : memref<1x125x32xf32, #tpu.memory_space<vmem>> -> memref<125x32xf32, #tpu.memory_space<vmem>>
      %dma_wait3A_320 = arith.constant 0 : i32
      %dma_wait3A_321 = tpu.memref_slice %arg6[%dma_wait3A_313, %dma_wait3A_320] : memref<80x125xi32, #tpu.memory_space<vmem>> -> memref<1x125xi32, #tpu.memory_space<vmem>>
      %dma_wait3A_322 = tpu.memref_squeeze %dma_wait3A_321 : memref<1x125xi32, #tpu.memory_space<vmem>> -> memref<125xi32, #tpu.memory_space<vmem>>
      %dma_wait3A_323 = arith.constant 0 : i32
      %dma_wait3A_324 = arith.constant 0 : i32
      %dma_wait3A_325 = tpu.memref_slice %arg2[%dma_wait3A_323, %dma_wait3A_324] : memref<10000x32xf32, #tpu.memory_space<hbm>> -> memref<10000x32xf32, #tpu.memory_space<hbm>>
      %dma_wait3A_326 = tpu.memref_slice %arg10[%dma_wait3A_315] : memref<10x!tpu.dma_semaphore, #tpu.memory_space<semaphore_mem>> -> memref<1x!tpu.dma_semaphore, #tpu.memory_space<semaphore_mem>>
      %dma_wait3A_327 = tpu.memref_squeeze %dma_wait3A_326 : memref<1x!tpu.dma_semaphore, #tpu.memory_space<semaphore_mem>> -> memref<!tpu.dma_semaphore, #tpu.memory_space<semaphore_mem>>
      tpu.wait_indirect_dma semaphore(%dma_wait3A_327 : memref<!tpu.dma_semaphore, #tpu.memory_space<semaphore_mem>>) src(%dma_wait3A_325 : memref<10000x32xf32, #tpu.memory_space<hbm>>) dst(%dma_wait3A_319 : memref<125x32xf32, #tpu.memory_space<vmem>>)
      %dma_start3A_328 = arith.constant 0 : i32
      %dma_start3A_329 = arith.constant 0 : i32
      %dma_start3A_330 = arith.constant 0 : i32
      %dma_start3A_331 = arith.constant 0 : i32
      %dma_start3A_332 = tpu.memref_slice %arg8[%dma_start3A_328, %dma_start3A_330, %dma_start3A_331] : memref<10x125x32xf32, #tpu.memory_space<vmem>> -> memref<1x125x32xf32, #tpu.memory_space<vmem>>
      %dma_start3A_333 = tpu.memref_squeeze %dma_start3A_332 : memref<1x125x32xf32, #tpu.memory_space<vmem>> -> memref<125x32xf32, #tpu.memory_space<vmem>>
      %dma_start3A_334 = arith.constant 0 : i32
      %dma_start3A_335 = tpu.memref_slice %arg7[%add3A_301, %dma_start3A_334] : memref<80x125xi32, #tpu.memory_space<vmem>> -> memref<1x125xi32, #tpu.memory_space<vmem>>
      %dma_start3A_336 = tpu.memref_squeeze %dma_start3A_335 : memref<1x125xi32, #tpu.memory_space<vmem>> -> memref<125xi32, #tpu.memory_space<vmem>>
      %dma_start3A_337 = arith.constant 0 : i32
      %dma_start3A_338 = arith.constant 0 : i32
      %dma_start3A_339 = tpu.memref_slice %arg9[%dma_start3A_337, %dma_start3A_338] : memref<10240x32xf32, #tpu.memory_space<vmem_shared>> -> memref<10240x32xf32, #tpu.memory_space<vmem_shared>>
      %dma_start3A_340 = tpu.memref_slice %arg11[%dma_start3A_329] : memref<10x!tpu.dma_semaphore, #tpu.memory_space<semaphore_mem>> -> memref<1x!tpu.dma_semaphore, #tpu.memory_space<semaphore_mem>>
      %dma_start3A_341 = tpu.memref_squeeze %dma_start3A_340 : memref<1x!tpu.dma_semaphore, #tpu.memory_space<semaphore_mem>> -> memref<!tpu.dma_semaphore, #tpu.memory_space<semaphore_mem>>
      tpu.enqueue_indirect_dma source(%dma_start3A_333 : memref<125x32xf32, #tpu.memory_space<vmem>>) target(%dma_start3A_339 : memref<10240x32xf32, #tpu.memory_space<vmem_shared>>) offsets(%dma_start3A_336 : memref<125xi32, #tpu.memory_space<vmem>>) semaphore(%dma_start3A_341 : memref<!tpu.dma_semaphore, #tpu.memory_space<semaphore_mem>>) {add = true}
      %mul3A_342 = arith.constant 10 : i32
      %mul3A_343 = arith.muli %scan3A_297, %mul3A_342 : i32
      %add3A_344 = arith.constant 1 : i32
      %add3A_345 = arith.addi %mul3A_343, %add3A_344 : i32
      %add3A_346 = arith.constant 10 : i32
      %add3A_347 = arith.addi %add3A_345, %add3A_346 : i32
      %sub3A_348 = arith.constant 1 : i32
      %sub3A_349 = arith.subi %add3A_347, %sub3A_348 : i32
      %ge3A_350 = arith.constant 10 : i32
      %ge3A_351 = arith.cmpi sge, %sub3A_349, %ge3A_350 : i32
      %lt3A_352 = arith.constant 80 : i32
      %lt3A_353 = arith.cmpi slt, %sub3A_349, %lt3A_352 : i32
      %and3A_354 = arith.andi %ge3A_351, %lt3A_353 : i1
      %convert_element_type3A_355 = arith.extui %and3A_354 : i1 to i32
      %cond3A_356 = arith.constant 0 : i32
      %cond3A_357 = arith.cmpi ne, %convert_element_type3A_355, %cond3A_356 : i32
      scf.if %cond3A_357 {
        %dma_wait3A_792 = arith.constant 0 : i32
        %dma_wait3A_793 = arith.constant 0 : i32
        %dma_wait3A_794 = arith.constant 0 : i32
        %dma_wait3A_795 = arith.constant 0 : i32
        %dma_wait3A_796 = arith.constant 0 : i32
        %dma_wait3A_797 = tpu.memref_slice %arg8[%dma_wait3A_793, %dma_wait3A_795, %dma_wait3A_796] : memref<10x125x32xf32, #tpu.memory_space<vmem>> -> memref<1x125x32xf32, #tpu.memory_space<vmem>>
        %dma_wait3A_798 = tpu.memref_squeeze %dma_wait3A_797 : memref<1x125x32xf32, #tpu.memory_space<vmem>> -> memref<125x32xf32, #tpu.memory_space<vmem>>
        %dma_wait3A_799 = arith.constant 0 : i32
        %dma_wait3A_800 = tpu.memref_slice %arg6[%dma_wait3A_792, %dma_wait3A_799] : memref<80x125xi32, #tpu.memory_space<vmem>> -> memref<1x125xi32, #tpu.memory_space<vmem>>
        %dma_wait3A_801 = tpu.memref_squeeze %dma_wait3A_800 : memref<1x125xi32, #tpu.memory_space<vmem>> -> memref<125xi32, #tpu.memory_space<vmem>>
        %dma_wait3A_802 = arith.constant 0 : i32
        %dma_wait3A_803 = arith.constant 0 : i32
        %dma_wait3A_804 = tpu.memref_slice %arg2[%dma_wait3A_802, %dma_wait3A_803] : memref<10000x32xf32, #tpu.memory_space<hbm>> -> memref<10000x32xf32, #tpu.memory_space<hbm>>
        %dma_wait3A_805 = tpu.memref_slice %arg11[%dma_wait3A_794] : memref<10x!tpu.dma_semaphore, #tpu.memory_space<semaphore_mem>> -> memref<1x!tpu.dma_semaphore, #tpu.memory_space<semaphore_mem>>
        %dma_wait3A_806 = tpu.memref_squeeze %dma_wait3A_805 : memref<1x!tpu.dma_semaphore, #tpu.memory_space<semaphore_mem>> -> memref<!tpu.dma_semaphore, #tpu.memory_space<semaphore_mem>>
        tpu.wait_indirect_dma semaphore(%dma_wait3A_806 : memref<!tpu.dma_semaphore, #tpu.memory_space<semaphore_mem>>) src(%dma_wait3A_804 : memref<10000x32xf32, #tpu.memory_space<hbm>>) dst(%dma_wait3A_798 : memref<125x32xf32, #tpu.memory_space<vmem>>)
      } else {
      }
      %lt3A_358 = arith.constant 80 : i32
      %lt3A_359 = arith.cmpi slt, %sub3A_349, %lt3A_358 : i32
      %convert_element_type3A_360 = arith.extui %lt3A_359 : i1 to i32
      %cond3A_361 = arith.constant 0 : i32
      %cond3A_362 = arith.cmpi ne, %convert_element_type3A_360, %cond3A_361 : i32
      scf.if %cond3A_362 {
        %dma_start3A_792 = arith.constant 0 : i32
        %dma_start3A_793 = arith.constant 0 : i32
        %dma_start3A_794 = arith.constant 0 : i32
        %dma_start3A_795 = arith.constant 0 : i32
        %dma_start3A_796 = tpu.memref_slice %arg8[%dma_start3A_792, %dma_start3A_794, %dma_start3A_795] : memref<10x125x32xf32, #tpu.memory_space<vmem>> -> memref<1x125x32xf32, #tpu.memory_space<vmem>>
        %dma_start3A_797 = tpu.memref_squeeze %dma_start3A_796 : memref<1x125x32xf32, #tpu.memory_space<vmem>> -> memref<125x32xf32, #tpu.memory_space<vmem>>
        %dma_start3A_798 = arith.constant 0 : i32
        %dma_start3A_799 = tpu.memref_slice %arg6[%sub3A_349, %dma_start3A_798] : memref<80x125xi32, #tpu.memory_space<vmem>> -> memref<1x125xi32, #tpu.memory_space<vmem>>
        %dma_start3A_800 = tpu.memref_squeeze %dma_start3A_799 : memref<1x125xi32, #tpu.memory_space<vmem>> -> memref<125xi32, #tpu.memory_space<vmem>>
        %dma_start3A_801 = arith.constant 0 : i32
        %dma_start3A_802 = arith.constant 0 : i32
        %dma_start3A_803 = tpu.memref_slice %arg2[%dma_start3A_801, %dma_start3A_802] : memref<10000x32xf32, #tpu.memory_space<hbm>> -> memref<10000x32xf32, #tpu.memory_space<hbm>>
        %dma_start3A_804 = tpu.memref_slice %arg10[%dma_start3A_793] : memref<10x!tpu.dma_semaphore, #tpu.memory_space<semaphore_mem>> -> memref<1x!tpu.dma_semaphore, #tpu.memory_space<semaphore_mem>>
        %dma_start3A_805 = tpu.memref_squeeze %dma_start3A_804 : memref<1x!tpu.dma_semaphore, #tpu.memory_space<semaphore_mem>> -> memref<!tpu.dma_semaphore, #tpu.memory_space<semaphore_mem>>
        tpu.enqueue_indirect_dma source(%dma_start3A_803 : memref<10000x32xf32, #tpu.memory_space<hbm>>) target(%dma_start3A_797 : memref<125x32xf32, #tpu.memory_space<vmem>>) offsets(%dma_start3A_800 : memref<125xi32, #tpu.memory_space<vmem>>) semaphore(%dma_start3A_805 : memref<!tpu.dma_semaphore, #tpu.memory_space<semaphore_mem>>)
      } else {
      }
      %dma_wait3A_363 = arith.constant 0 : i32
      %dma_wait3A_364 = arith.constant 1 : i32
      %dma_wait3A_365 = arith.constant 1 : i32
      %dma_wait3A_366 = arith.constant 0 : i32
      %dma_wait3A_367 = arith.constant 0 : i32
      %dma_wait3A_368 = tpu.memref_slice %arg8[%dma_wait3A_364, %dma_wait3A_366, %dma_wait3A_367] : memref<10x125x32xf32, #tpu.memory_space<vmem>> -> memref<1x125x32xf32, #tpu.memory_space<vmem>>
      %dma_wait3A_369 = tpu.memref_squeeze %dma_wait3A_368 : memref<1x125x32xf32, #tpu.memory_space<vmem>> -> memref<125x32xf32, #tpu.memory_space<vmem>>
      %dma_wait3A_370 = arith.constant 0 : i32
      %dma_wait3A_371 = tpu.memref_slice %arg6[%dma_wait3A_363, %dma_wait3A_370] : memref<80x125xi32, #tpu.memory_space<vmem>> -> memref<1x125xi32, #tpu.memory_space<vmem>>
      %dma_wait3A_372 = tpu.memref_squeeze %dma_wait3A_371 : memref<1x125xi32, #tpu.memory_space<vmem>> -> memref<125xi32, #tpu.memory_space<vmem>>
      %dma_wait3A_373 = arith.constant 0 : i32
      %dma_wait3A_374 = arith.constant 0 : i32
      %dma_wait3A_375 = tpu.memref_slice %arg2[%dma_wait3A_373, %dma_wait3A_374] : memref<10000x32xf32, #tpu.memory_space<hbm>> -> memref<10000x32xf32, #tpu.memory_space<hbm>>
      %dma_wait3A_376 = tpu.memref_slice %arg10[%dma_wait3A_365] : memref<10x!tpu.dma_semaphore, #tpu.memory_space<semaphore_mem>> -> memref<1x!tpu.dma_semaphore, #tpu.memory_space<semaphore_mem>>
      %dma_wait3A_377 = tpu.memref_squeeze %dma_wait3A_376 : memref<1x!tpu.dma_semaphore, #tpu.memory_space<semaphore_mem>> -> memref<!tpu.dma_semaphore, #tpu.memory_space<semaphore_mem>>
      tpu.wait_indirect_dma semaphore(%dma_wait3A_377 : memref<!tpu.dma_semaphore, #tpu.memory_space<semaphore_mem>>) src(%dma_wait3A_375 : memref<10000x32xf32, #tpu.memory_space<hbm>>) dst(%dma_wait3A_369 : memref<125x32xf32, #tpu.memory_space<vmem>>)
      %dma_start3A_378 = arith.constant 1 : i32
      %dma_start3A_379 = arith.constant 1 : i32
      %dma_start3A_380 = arith.constant 0 : i32
      %dma_start3A_381 = arith.constant 0 : i32
      %dma_start3A_382 = tpu.memref_slice %arg8[%dma_start3A_378, %dma_start3A_380, %dma_start3A_381] : memref<10x125x32xf32, #tpu.memory_space<vmem>> -> memref<1x125x32xf32, #tpu.memory_space<vmem>>
      %dma_start3A_383 = tpu.memref_squeeze %dma_start3A_382 : memref<1x125x32xf32, #tpu.memory_space<vmem>> -> memref<125x32xf32, #tpu.memory_space<vmem>>
      %dma_start3A_384 = arith.constant 0 : i32
      %dma_start3A_385 = tpu.memref_slice %arg7[%add3A_345, %dma_start3A_384] : memref<80x125xi32, #tpu.memory_space<vmem>> -> memref<1x125xi32, #tpu.memory_space<vmem>>
      %dma_start3A_386 = tpu.memref_squeeze %dma_start3A_385 : memref<1x125xi32, #tpu.memory_space<vmem>> -> memref<125xi32, #tpu.memory_space<vmem>>
      %dma_start3A_387 = arith.constant 0 : i32
      %dma_start3A_388 = arith.constant 0 : i32
      %dma_start3A_389 = tpu.memref_slice %arg9[%dma_start3A_387, %dma_start3A_388] : memref<10240x32xf32, #tpu.memory_space<vmem_shared>> -> memref<10240x32xf32, #tpu.memory_space<vmem_shared>>
      %dma_start3A_390 = tpu.memref_slice %arg11[%dma_start3A_379] : memref<10x!tpu.dma_semaphore, #tpu.memory_space<semaphore_mem>> -> memref<1x!tpu.dma_semaphore, #tpu.memory_space<semaphore_mem>>
      %dma_start3A_391 = tpu.memref_squeeze %dma_start3A_390 : memref<1x!tpu.dma_semaphore, #tpu.memory_space<semaphore_mem>> -> memref<!tpu.dma_semaphore, #tpu.memory_space<semaphore_mem>>
      tpu.enqueue_indirect_dma source(%dma_start3A_383 : memref<125x32xf32, #tpu.memory_space<vmem>>) target(%dma_start3A_389 : memref<10240x32xf32, #tpu.memory_space<vmem_shared>>) offsets(%dma_start3A_386 : memref<125xi32, #tpu.memory_space<vmem>>) semaphore(%dma_start3A_391 : memref<!tpu.dma_semaphore, #tpu.memory_space<semaphore_mem>>) {add = true}
      %mul3A_392 = arith.constant 10 : i32
      %mul3A_393 = arith.muli %scan3A_297, %mul3A_392 : i32
      %add3A_394 = arith.constant 2 : i32
      %add3A_395 = arith.addi %mul3A_393, %add3A_394 : i32
      %add3A_396 = arith.constant 10 : i32
      %add3A_397 = arith.addi %add3A_395, %add3A_396 : i32
      %sub3A_398 = arith.constant 1 : i32
      %sub3A_399 = arith.subi %add3A_397, %sub3A_398 : i32
      %ge3A_400 = arith.constant 10 : i32
      %ge3A_401 = arith.cmpi sge, %sub3A_399, %ge3A_400 : i32
      %lt3A_402 = arith.constant 80 : i32
      %lt3A_403 = arith.cmpi slt, %sub3A_399, %lt3A_402 : i32
      %and3A_404 = arith.andi %ge3A_401, %lt3A_403 : i1
      %convert_element_type3A_405 = arith.extui %and3A_404 : i1 to i32
      %cond3A_406 = arith.constant 0 : i32
      %cond3A_407 = arith.cmpi ne, %convert_element_type3A_405, %cond3A_406 : i32
      scf.if %cond3A_407 {
        %dma_wait3A_792 = arith.constant 0 : i32
        %dma_wait3A_793 = arith.constant 1 : i32
        %dma_wait3A_794 = arith.constant 1 : i32
        %dma_wait3A_795 = arith.constant 0 : i32
        %dma_wait3A_796 = arith.constant 0 : i32
        %dma_wait3A_797 = tpu.memref_slice %arg8[%dma_wait3A_793, %dma_wait3A_795, %dma_wait3A_796] : memref<10x125x32xf32, #tpu.memory_space<vmem>> -> memref<1x125x32xf32, #tpu.memory_space<vmem>>
        %dma_wait3A_798 = tpu.memref_squeeze %dma_wait3A_797 : memref<1x125x32xf32, #tpu.memory_space<vmem>> -> memref<125x32xf32, #tpu.memory_space<vmem>>
        %dma_wait3A_799 = arith.constant 0 : i32
        %dma_wait3A_800 = tpu.memref_slice %arg6[%dma_wait3A_792, %dma_wait3A_799] : memref<80x125xi32, #tpu.memory_space<vmem>> -> memref<1x125xi32, #tpu.memory_space<vmem>>
        %dma_wait3A_801 = tpu.memref_squeeze %dma_wait3A_800 : memref<1x125xi32, #tpu.memory_space<vmem>> -> memref<125xi32, #tpu.memory_space<vmem>>
        %dma_wait3A_802 = arith.constant 0 : i32
        %dma_wait3A_803 = arith.constant 0 : i32
        %dma_wait3A_804 = tpu.memref_slice %arg2[%dma_wait3A_802, %dma_wait3A_803] : memref<10000x32xf32, #tpu.memory_space<hbm>> -> memref<10000x32xf32, #tpu.memory_space<hbm>>
        %dma_wait3A_805 = tpu.memref_slice %arg11[%dma_wait3A_794] : memref<10x!tpu.dma_semaphore, #tpu.memory_space<semaphore_mem>> -> memref<1x!tpu.dma_semaphore, #tpu.memory_space<semaphore_mem>>
        %dma_wait3A_806 = tpu.memref_squeeze %dma_wait3A_805 : memref<1x!tpu.dma_semaphore, #tpu.memory_space<semaphore_mem>> -> memref<!tpu.dma_semaphore, #tpu.memory_space<semaphore_mem>>
        tpu.wait_indirect_dma semaphore(%dma_wait3A_806 : memref<!tpu.dma_semaphore, #tpu.memory_space<semaphore_mem>>) src(%dma_wait3A_804 : memref<10000x32xf32, #tpu.memory_space<hbm>>) dst(%dma_wait3A_798 : memref<125x32xf32, #tpu.memory_space<vmem>>)
      } else {
      }
      %lt3A_408 = arith.constant 80 : i32
      %lt3A_409 = arith.cmpi slt, %sub3A_399, %lt3A_408 : i32
      %convert_element_type3A_410 = arith.extui %lt3A_409 : i1 to i32
      %cond3A_411 = arith.constant 0 : i32
      %cond3A_412 = arith.cmpi ne, %convert_element_type3A_410, %cond3A_411 : i32
      scf.if %cond3A_412 {
        %dma_start3A_792 = arith.constant 1 : i32
        %dma_start3A_793 = arith.constant 1 : i32
        %dma_start3A_794 = arith.constant 0 : i32
        %dma_start3A_795 = arith.constant 0 : i32
        %dma_start3A_796 = tpu.memref_slice %arg8[%dma_start3A_792, %dma_start3A_794, %dma_start3A_795] : memref<10x125x32xf32, #tpu.memory_space<vmem>> -> memref<1x125x32xf32, #tpu.memory_space<vmem>>
        %dma_start3A_797 = tpu.memref_squeeze %dma_start3A_796 : memref<1x125x32xf32, #tpu.memory_space<vmem>> -> memref<125x32xf32, #tpu.memory_space<vmem>>
        %dma_start3A_798 = arith.constant 0 : i32
        %dma_start3A_799 = tpu.memref_slice %arg6[%sub3A_399, %dma_start3A_798] : memref<80x125xi32, #tpu.memory_space<vmem>> -> memref<1x125xi32, #tpu.memory_space<vmem>>
        %dma_start3A_800 = tpu.memref_squeeze %dma_start3A_799 : memref<1x125xi32, #tpu.memory_space<vmem>> -> memref<125xi32, #tpu.memory_space<vmem>>
        %dma_start3A_801 = arith.constant 0 : i32
        %dma_start3A_802 = arith.constant 0 : i32
        %dma_start3A_803 = tpu.memref_slice %arg2[%dma_start3A_801, %dma_start3A_802] : memref<10000x32xf32, #tpu.memory_space<hbm>> -> memref<10000x32xf32, #tpu.memory_space<hbm>>
        %dma_start3A_804 = tpu.memref_slice %arg10[%dma_start3A_793] : memref<10x!tpu.dma_semaphore, #tpu.memory_space<semaphore_mem>> -> memref<1x!tpu.dma_semaphore, #tpu.memory_space<semaphore_mem>>
        %dma_start3A_805 = tpu.memref_squeeze %dma_start3A_804 : memref<1x!tpu.dma_semaphore, #tpu.memory_space<semaphore_mem>> -> memref<!tpu.dma_semaphore, #tpu.memory_space<semaphore_mem>>
        tpu.enqueue_indirect_dma source(%dma_start3A_803 : memref<10000x32xf32, #tpu.memory_space<hbm>>) target(%dma_start3A_797 : memref<125x32xf32, #tpu.memory_space<vmem>>) offsets(%dma_start3A_800 : memref<125xi32, #tpu.memory_space<vmem>>) semaphore(%dma_start3A_805 : memref<!tpu.dma_semaphore, #tpu.memory_space<semaphore_mem>>)
      } else {
      }
      %dma_wait3A_413 = arith.constant 0 : i32
      %dma_wait3A_414 = arith.constant 2 : i32
      %dma_wait3A_415 = arith.constant 2 : i32
      %dma_wait3A_416 = arith.constant 0 : i32
      %dma_wait3A_417 = arith.constant 0 : i32
      %dma_wait3A_418 = tpu.memref_slice %arg8[%dma_wait3A_414, %dma_wait3A_416, %dma_wait3A_417] : memref<10x125x32xf32, #tpu.memory_space<vmem>> -> memref<1x125x32xf32, #tpu.memory_space<vmem>>
      %dma_wait3A_419 = tpu.memref_squeeze %dma_wait3A_418 : memref<1x125x32xf32, #tpu.memory_space<vmem>> -> memref<125x32xf32, #tpu.memory_space<vmem>>
      %dma_wait3A_420 = arith.constant 0 : i32
      %dma_wait3A_421 = tpu.memref_slice %arg6[%dma_wait3A_413, %dma_wait3A_420] : memref<80x125xi32, #tpu.memory_space<vmem>> -> memref<1x125xi32, #tpu.memory_space<vmem>>
      %dma_wait3A_422 = tpu.memref_squeeze %dma_wait3A_421 : memref<1x125xi32, #tpu.memory_space<vmem>> -> memref<125xi32, #tpu.memory_space<vmem>>
      %dma_wait3A_423 = arith.constant 0 : i32
      %dma_wait3A_424 = arith.constant 0 : i32
      %dma_wait3A_425 = tpu.memref_slice %arg2[%dma_wait3A_423, %dma_wait3A_424] : memref<10000x32xf32, #tpu.memory_space<hbm>> -> memref<10000x32xf32, #tpu.memory_space<hbm>>
      %dma_wait3A_426 = tpu.memref_slice %arg10[%dma_wait3A_415] : memref<10x!tpu.dma_semaphore, #tpu.memory_space<semaphore_mem>> -> memref<1x!tpu.dma_semaphore, #tpu.memory_space<semaphore_mem>>
      %dma_wait3A_427 = tpu.memref_squeeze %dma_wait3A_426 : memref<1x!tpu.dma_semaphore, #tpu.memory_space<semaphore_mem>> -> memref<!tpu.dma_semaphore, #tpu.memory_space<semaphore_mem>>
      tpu.wait_indirect_dma semaphore(%dma_wait3A_427 : memref<!tpu.dma_semaphore, #tpu.memory_space<semaphore_mem>>) src(%dma_wait3A_425 : memref<10000x32xf32, #tpu.memory_space<hbm>>) dst(%dma_wait3A_419 : memref<125x32xf32, #tpu.memory_space<vmem>>)
      %dma_start3A_428 = arith.constant 2 : i32
      %dma_start3A_429 = arith.constant 2 : i32
      %dma_start3A_430 = arith.constant 0 : i32
      %dma_start3A_431 = arith.constant 0 : i32
      %dma_start3A_432 = tpu.memref_slice %arg8[%dma_start3A_428, %dma_start3A_430, %dma_start3A_431] : memref<10x125x32xf32, #tpu.memory_space<vmem>> -> memref<1x125x32xf32, #tpu.memory_space<vmem>>
      %dma_start3A_433 = tpu.memref_squeeze %dma_start3A_432 : memref<1x125x32xf32, #tpu.memory_space<vmem>> -> memref<125x32xf32, #tpu.memory_space<vmem>>
      %dma_start3A_434 = arith.constant 0 : i32
      %dma_start3A_435 = tpu.memref_slice %arg7[%add3A_395, %dma_start3A_434] : memref<80x125xi32, #tpu.memory_space<vmem>> -> memref<1x125xi32, #tpu.memory_space<vmem>>
      %dma_start3A_436 = tpu.memref_squeeze %dma_start3A_435 : memref<1x125xi32, #tpu.memory_space<vmem>> -> memref<125xi32, #tpu.memory_space<vmem>>
      %dma_start3A_437 = arith.constant 0 : i32
      %dma_start3A_438 = arith.constant 0 : i32
      %dma_start3A_439 = tpu.memref_slice %arg9[%dma_start3A_437, %dma_start3A_438] : memref<10240x32xf32, #tpu.memory_space<vmem_shared>> -> memref<10240x32xf32, #tpu.memory_space<vmem_shared>>
      %dma_start3A_440 = tpu.memref_slice %arg11[%dma_start3A_429] : memref<10x!tpu.dma_semaphore, #tpu.memory_space<semaphore_mem>> -> memref<1x!tpu.dma_semaphore, #tpu.memory_space<semaphore_mem>>
      %dma_start3A_441 = tpu.memref_squeeze %dma_start3A_440 : memref<1x!tpu.dma_semaphore, #tpu.memory_space<semaphore_mem>> -> memref<!tpu.dma_semaphore, #tpu.memory_space<semaphore_mem>>
      tpu.enqueue_indirect_dma source(%dma_start3A_433 : memref<125x32xf32, #tpu.memory_space<vmem>>) target(%dma_start3A_439 : memref<10240x32xf32, #tpu.memory_space<vmem_shared>>) offsets(%dma_start3A_436 : memref<125xi32, #tpu.memory_space<vmem>>) semaphore(%dma_start3A_441 : memref<!tpu.dma_semaphore, #tpu.memory_space<semaphore_mem>>) {add = true}
      %mul3A_442 = arith.constant 10 : i32
      %mul3A_443 = arith.muli %scan3A_297, %mul3A_442 : i32
      %add3A_444 = arith.constant 3 : i32
      %add3A_445 = arith.addi %mul3A_443, %add3A_444 : i32
      %add3A_446 = arith.constant 10 : i32
      %add3A_447 = arith.addi %add3A_445, %add3A_446 : i32
      %sub3A_448 = arith.constant 1 : i32
      %sub3A_449 = arith.subi %add3A_447, %sub3A_448 : i32
      %ge3A_450 = arith.constant 10 : i32
      %ge3A_451 = arith.cmpi sge, %sub3A_449, %ge3A_450 : i32
      %lt3A_452 = arith.constant 80 : i32
      %lt3A_453 = arith.cmpi slt, %sub3A_449, %lt3A_452 : i32
      %and3A_454 = arith.andi %ge3A_451, %lt3A_453 : i1
      %convert_element_type3A_455 = arith.extui %and3A_454 : i1 to i32
      %cond3A_456 = arith.constant 0 : i32
      %cond3A_457 = arith.cmpi ne, %convert_element_type3A_455, %cond3A_456 : i32
      scf.if %cond3A_457 {
        %dma_wait3A_792 = arith.constant 0 : i32
        %dma_wait3A_793 = arith.constant 2 : i32
        %dma_wait3A_794 = arith.constant 2 : i32
        %dma_wait3A_795 = arith.constant 0 : i32
        %dma_wait3A_796 = arith.constant 0 : i32
        %dma_wait3A_797 = tpu.memref_slice %arg8[%dma_wait3A_793, %dma_wait3A_795, %dma_wait3A_796] : memref<10x125x32xf32, #tpu.memory_space<vmem>> -> memref<1x125x32xf32, #tpu.memory_space<vmem>>
        %dma_wait3A_798 = tpu.memref_squeeze %dma_wait3A_797 : memref<1x125x32xf32, #tpu.memory_space<vmem>> -> memref<125x32xf32, #tpu.memory_space<vmem>>
        %dma_wait3A_799 = arith.constant 0 : i32
        %dma_wait3A_800 = tpu.memref_slice %arg6[%dma_wait3A_792, %dma_wait3A_799] : memref<80x125xi32, #tpu.memory_space<vmem>> -> memref<1x125xi32, #tpu.memory_space<vmem>>
        %dma_wait3A_801 = tpu.memref_squeeze %dma_wait3A_800 : memref<1x125xi32, #tpu.memory_space<vmem>> -> memref<125xi32, #tpu.memory_space<vmem>>
        %dma_wait3A_802 = arith.constant 0 : i32
        %dma_wait3A_803 = arith.constant 0 : i32
        %dma_wait3A_804 = tpu.memref_slice %arg2[%dma_wait3A_802, %dma_wait3A_803] : memref<10000x32xf32, #tpu.memory_space<hbm>> -> memref<10000x32xf32, #tpu.memory_space<hbm>>
        %dma_wait3A_805 = tpu.memref_slice %arg11[%dma_wait3A_794] : memref<10x!tpu.dma_semaphore, #tpu.memory_space<semaphore_mem>> -> memref<1x!tpu.dma_semaphore, #tpu.memory_space<semaphore_mem>>
        %dma_wait3A_806 = tpu.memref_squeeze %dma_wait3A_805 : memref<1x!tpu.dma_semaphore, #tpu.memory_space<semaphore_mem>> -> memref<!tpu.dma_semaphore, #tpu.memory_space<semaphore_mem>>
        tpu.wait_indirect_dma semaphore(%dma_wait3A_806 : memref<!tpu.dma_semaphore, #tpu.memory_space<semaphore_mem>>) src(%dma_wait3A_804 : memref<10000x32xf32, #tpu.memory_space<hbm>>) dst(%dma_wait3A_798 : memref<125x32xf32, #tpu.memory_space<vmem>>)
      } else {
      }
      %lt3A_458 = arith.constant 80 : i32
      %lt3A_459 = arith.cmpi slt, %sub3A_449, %lt3A_458 : i32
      %convert_element_type3A_460 = arith.extui %lt3A_459 : i1 to i32
      %cond3A_461 = arith.constant 0 : i32
      %cond3A_462 = arith.cmpi ne, %convert_element_type3A_460, %cond3A_461 : i32
      scf.if %cond3A_462 {
        %dma_start3A_792 = arith.constant 2 : i32
        %dma_start3A_793 = arith.constant 2 : i32
        %dma_start3A_794 = arith.constant 0 : i32
        %dma_start3A_795 = arith.constant 0 : i32
        %dma_start3A_796 = tpu.memref_slice %arg8[%dma_start3A_792, %dma_start3A_794, %dma_start3A_795] : memref<10x125x32xf32, #tpu.memory_space<vmem>> -> memref<1x125x32xf32, #tpu.memory_space<vmem>>
        %dma_start3A_797 = tpu.memref_squeeze %dma_start3A_796 : memref<1x125x32xf32, #tpu.memory_space<vmem>> -> memref<125x32xf32, #tpu.memory_space<vmem>>
        %dma_start3A_798 = arith.constant 0 : i32
        %dma_start3A_799 = tpu.memref_slice %arg6[%sub3A_449, %dma_start3A_798] : memref<80x125xi32, #tpu.memory_space<vmem>> -> memref<1x125xi32, #tpu.memory_space<vmem>>
        %dma_start3A_800 = tpu.memref_squeeze %dma_start3A_799 : memref<1x125xi32, #tpu.memory_space<vmem>> -> memref<125xi32, #tpu.memory_space<vmem>>
        %dma_start3A_801 = arith.constant 0 : i32
        %dma_start3A_802 = arith.constant 0 : i32
        %dma_start3A_803 = tpu.memref_slice %arg2[%dma_start3A_801, %dma_start3A_802] : memref<10000x32xf32, #tpu.memory_space<hbm>> -> memref<10000x32xf32, #tpu.memory_space<hbm>>
        %dma_start3A_804 = tpu.memref_slice %arg10[%dma_start3A_793] : memref<10x!tpu.dma_semaphore, #tpu.memory_space<semaphore_mem>> -> memref<1x!tpu.dma_semaphore, #tpu.memory_space<semaphore_mem>>
        %dma_start3A_805 = tpu.memref_squeeze %dma_start3A_804 : memref<1x!tpu.dma_semaphore, #tpu.memory_space<semaphore_mem>> -> memref<!tpu.dma_semaphore, #tpu.memory_space<semaphore_mem>>
        tpu.enqueue_indirect_dma source(%dma_start3A_803 : memref<10000x32xf32, #tpu.memory_space<hbm>>) target(%dma_start3A_797 : memref<125x32xf32, #tpu.memory_space<vmem>>) offsets(%dma_start3A_800 : memref<125xi32, #tpu.memory_space<vmem>>) semaphore(%dma_start3A_805 : memref<!tpu.dma_semaphore, #tpu.memory_space<semaphore_mem>>)
      } else {
      }
      %dma_wait3A_463 = arith.constant 0 : i32
      %dma_wait3A_464 = arith.constant 3 : i32
      %dma_wait3A_465 = arith.constant 3 : i32
      %dma_wait3A_466 = arith.constant 0 : i32
      %dma_wait3A_467 = arith.constant 0 : i32
      %dma_wait3A_468 = tpu.memref_slice %arg8[%dma_wait3A_464, %dma_wait3A_466, %dma_wait3A_467] : memref<10x125x32xf32, #tpu.memory_space<vmem>> -> memref<1x125x32xf32, #tpu.memory_space<vmem>>
      %dma_wait3A_469 = tpu.memref_squeeze %dma_wait3A_468 : memref<1x125x32xf32, #tpu.memory_space<vmem>> -> memref<125x32xf32, #tpu.memory_space<vmem>>
      %dma_wait3A_470 = arith.constant 0 : i32
      %dma_wait3A_471 = tpu.memref_slice %arg6[%dma_wait3A_463, %dma_wait3A_470] : memref<80x125xi32, #tpu.memory_space<vmem>> -> memref<1x125xi32, #tpu.memory_space<vmem>>
      %dma_wait3A_472 = tpu.memref_squeeze %dma_wait3A_471 : memref<1x125xi32, #tpu.memory_space<vmem>> -> memref<125xi32, #tpu.memory_space<vmem>>
      %dma_wait3A_473 = arith.constant 0 : i32
      %dma_wait3A_474 = arith.constant 0 : i32
      %dma_wait3A_475 = tpu.memref_slice %arg2[%dma_wait3A_473, %dma_wait3A_474] : memref<10000x32xf32, #tpu.memory_space<hbm>> -> memref<10000x32xf32, #tpu.memory_space<hbm>>
      %dma_wait3A_476 = tpu.memref_slice %arg10[%dma_wait3A_465] : memref<10x!tpu.dma_semaphore, #tpu.memory_space<semaphore_mem>> -> memref<1x!tpu.dma_semaphore, #tpu.memory_space<semaphore_mem>>
      %dma_wait3A_477 = tpu.memref_squeeze %dma_wait3A_476 : memref<1x!tpu.dma_semaphore, #tpu.memory_space<semaphore_mem>> -> memref<!tpu.dma_semaphore, #tpu.memory_space<semaphore_mem>>
      tpu.wait_indirect_dma semaphore(%dma_wait3A_477 : memref<!tpu.dma_semaphore, #tpu.memory_space<semaphore_mem>>) src(%dma_wait3A_475 : memref<10000x32xf32, #tpu.memory_space<hbm>>) dst(%dma_wait3A_469 : memref<125x32xf32, #tpu.memory_space<vmem>>)
      %dma_start3A_478 = arith.constant 3 : i32
      %dma_start3A_479 = arith.constant 3 : i32
      %dma_start3A_480 = arith.constant 0 : i32
      %dma_start3A_481 = arith.constant 0 : i32
      %dma_start3A_482 = tpu.memref_slice %arg8[%dma_start3A_478, %dma_start3A_480, %dma_start3A_481] : memref<10x125x32xf32, #tpu.memory_space<vmem>> -> memref<1x125x32xf32, #tpu.memory_space<vmem>>
      %dma_start3A_483 = tpu.memref_squeeze %dma_start3A_482 : memref<1x125x32xf32, #tpu.memory_space<vmem>> -> memref<125x32xf32, #tpu.memory_space<vmem>>
      %dma_start3A_484 = arith.constant 0 : i32
      %dma_start3A_485 = tpu.memref_slice %arg7[%add3A_445, %dma_start3A_484] : memref<80x125xi32, #tpu.memory_space<vmem>> -> memref<1x125xi32, #tpu.memory_space<vmem>>
      %dma_start3A_486 = tpu.memref_squeeze %dma_start3A_485 : memref<1x125xi32, #tpu.memory_space<vmem>> -> memref<125xi32, #tpu.memory_space<vmem>>
      %dma_start3A_487 = arith.constant 0 : i32
      %dma_start3A_488 = arith.constant 0 : i32
      %dma_start3A_489 = tpu.memref_slice %arg9[%dma_start3A_487, %dma_start3A_488] : memref<10240x32xf32, #tpu.memory_space<vmem_shared>> -> memref<10240x32xf32, #tpu.memory_space<vmem_shared>>
      %dma_start3A_490 = tpu.memref_slice %arg11[%dma_start3A_479] : memref<10x!tpu.dma_semaphore, #tpu.memory_space<semaphore_mem>> -> memref<1x!tpu.dma_semaphore, #tpu.memory_space<semaphore_mem>>
      %dma_start3A_491 = tpu.memref_squeeze %dma_start3A_490 : memref<1x!tpu.dma_semaphore, #tpu.memory_space<semaphore_mem>> -> memref<!tpu.dma_semaphore, #tpu.memory_space<semaphore_mem>>
      tpu.enqueue_indirect_dma source(%dma_start3A_483 : memref<125x32xf32, #tpu.memory_space<vmem>>) target(%dma_start3A_489 : memref<10240x32xf32, #tpu.memory_space<vmem_shared>>) offsets(%dma_start3A_486 : memref<125xi32, #tpu.memory_space<vmem>>) semaphore(%dma_start3A_491 : memref<!tpu.dma_semaphore, #tpu.memory_space<semaphore_mem>>) {add = true}
      %mul3A_492 = arith.constant 10 : i32
      %mul3A_493 = arith.muli %scan3A_297, %mul3A_492 : i32
      %add3A_494 = arith.constant 4 : i32
      %add3A_495 = arith.addi %mul3A_493, %add3A_494 : i32
      %add3A_496 = arith.constant 10 : i32
      %add3A_497 = arith.addi %add3A_495, %add3A_496 : i32
      %sub3A_498 = arith.constant 1 : i32
      %sub3A_499 = arith.subi %add3A_497, %sub3A_498 : i32
      %ge3A_500 = arith.constant 10 : i32
      %ge3A_501 = arith.cmpi sge, %sub3A_499, %ge3A_500 : i32
      %lt3A_502 = arith.constant 80 : i32
      %lt3A_503 = arith.cmpi slt, %sub3A_499, %lt3A_502 : i32
      %and3A_504 = arith.andi %ge3A_501, %lt3A_503 : i1
      %convert_element_type3A_505 = arith.extui %and3A_504 : i1 to i32
      %cond3A_506 = arith.constant 0 : i32
      %cond3A_507 = arith.cmpi ne, %convert_element_type3A_505, %cond3A_506 : i32
      scf.if %cond3A_507 {
        %dma_wait3A_792 = arith.constant 0 : i32
        %dma_wait3A_793 = arith.constant 3 : i32
        %dma_wait3A_794 = arith.constant 3 : i32
        %dma_wait3A_795 = arith.constant 0 : i32
        %dma_wait3A_796 = arith.constant 0 : i32
        %dma_wait3A_797 = tpu.memref_slice %arg8[%dma_wait3A_793, %dma_wait3A_795, %dma_wait3A_796] : memref<10x125x32xf32, #tpu.memory_space<vmem>> -> memref<1x125x32xf32, #tpu.memory_space<vmem>>
        %dma_wait3A_798 = tpu.memref_squeeze %dma_wait3A_797 : memref<1x125x32xf32, #tpu.memory_space<vmem>> -> memref<125x32xf32, #tpu.memory_space<vmem>>
        %dma_wait3A_799 = arith.constant 0 : i32
        %dma_wait3A_800 = tpu.memref_slice %arg6[%dma_wait3A_792, %dma_wait3A_799] : memref<80x125xi32, #tpu.memory_space<vmem>> -> memref<1x125xi32, #tpu.memory_space<vmem>>
        %dma_wait3A_801 = tpu.memref_squeeze %dma_wait3A_800 : memref<1x125xi32, #tpu.memory_space<vmem>> -> memref<125xi32, #tpu.memory_space<vmem>>
        %dma_wait3A_802 = arith.constant 0 : i32
        %dma_wait3A_803 = arith.constant 0 : i32
        %dma_wait3A_804 = tpu.memref_slice %arg2[%dma_wait3A_802, %dma_wait3A_803] : memref<10000x32xf32, #tpu.memory_space<hbm>> -> memref<10000x32xf32, #tpu.memory_space<hbm>>
        %dma_wait3A_805 = tpu.memref_slice %arg11[%dma_wait3A_794] : memref<10x!tpu.dma_semaphore, #tpu.memory_space<semaphore_mem>> -> memref<1x!tpu.dma_semaphore, #tpu.memory_space<semaphore_mem>>
        %dma_wait3A_806 = tpu.memref_squeeze %dma_wait3A_805 : memref<1x!tpu.dma_semaphore, #tpu.memory_space<semaphore_mem>> -> memref<!tpu.dma_semaphore, #tpu.memory_space<semaphore_mem>>
        tpu.wait_indirect_dma semaphore(%dma_wait3A_806 : memref<!tpu.dma_semaphore, #tpu.memory_space<semaphore_mem>>) src(%dma_wait3A_804 : memref<10000x32xf32, #tpu.memory_space<hbm>>) dst(%dma_wait3A_798 : memref<125x32xf32, #tpu.memory_space<vmem>>)
      } else {
      }
      %lt3A_508 = arith.constant 80 : i32
      %lt3A_509 = arith.cmpi slt, %sub3A_499, %lt3A_508 : i32
      %convert_element_type3A_510 = arith.extui %lt3A_509 : i1 to i32
      %cond3A_511 = arith.constant 0 : i32
      %cond3A_512 = arith.cmpi ne, %convert_element_type3A_510, %cond3A_511 : i32
      scf.if %cond3A_512 {
        %dma_start3A_792 = arith.constant 3 : i32
        %dma_start3A_793 = arith.constant 3 : i32
        %dma_start3A_794 = arith.constant 0 : i32
        %dma_start3A_795 = arith.constant 0 : i32
        %dma_start3A_796 = tpu.memref_slice %arg8[%dma_start3A_792, %dma_start3A_794, %dma_start3A_795] : memref<10x125x32xf32, #tpu.memory_space<vmem>> -> memref<1x125x32xf32, #tpu.memory_space<vmem>>
        %dma_start3A_797 = tpu.memref_squeeze %dma_start3A_796 : memref<1x125x32xf32, #tpu.memory_space<vmem>> -> memref<125x32xf32, #tpu.memory_space<vmem>>
        %dma_start3A_798 = arith.constant 0 : i32
        %dma_start3A_799 = tpu.memref_slice %arg6[%sub3A_499, %dma_start3A_798] : memref<80x125xi32, #tpu.memory_space<vmem>> -> memref<1x125xi32, #tpu.memory_space<vmem>>
        %dma_start3A_800 = tpu.memref_squeeze %dma_start3A_799 : memref<1x125xi32, #tpu.memory_space<vmem>> -> memref<125xi32, #tpu.memory_space<vmem>>
        %dma_start3A_801 = arith.constant 0 : i32
        %dma_start3A_802 = arith.constant 0 : i32
        %dma_start3A_803 = tpu.memref_slice %arg2[%dma_start3A_801, %dma_start3A_802] : memref<10000x32xf32, #tpu.memory_space<hbm>> -> memref<10000x32xf32, #tpu.memory_space<hbm>>
        %dma_start3A_804 = tpu.memref_slice %arg10[%dma_start3A_793] : memref<10x!tpu.dma_semaphore, #tpu.memory_space<semaphore_mem>> -> memref<1x!tpu.dma_semaphore, #tpu.memory_space<semaphore_mem>>
        %dma_start3A_805 = tpu.memref_squeeze %dma_start3A_804 : memref<1x!tpu.dma_semaphore, #tpu.memory_space<semaphore_mem>> -> memref<!tpu.dma_semaphore, #tpu.memory_space<semaphore_mem>>
        tpu.enqueue_indirect_dma source(%dma_start3A_803 : memref<10000x32xf32, #tpu.memory_space<hbm>>) target(%dma_start3A_797 : memref<125x32xf32, #tpu.memory_space<vmem>>) offsets(%dma_start3A_800 : memref<125xi32, #tpu.memory_space<vmem>>) semaphore(%dma_start3A_805 : memref<!tpu.dma_semaphore, #tpu.memory_space<semaphore_mem>>)
      } else {
      }
      %dma_wait3A_513 = arith.constant 0 : i32
      %dma_wait3A_514 = arith.constant 4 : i32
      %dma_wait3A_515 = arith.constant 4 : i32
      %dma_wait3A_516 = arith.constant 0 : i32
      %dma_wait3A_517 = arith.constant 0 : i32
      %dma_wait3A_518 = tpu.memref_slice %arg8[%dma_wait3A_514, %dma_wait3A_516, %dma_wait3A_517] : memref<10x125x32xf32, #tpu.memory_space<vmem>> -> memref<1x125x32xf32, #tpu.memory_space<vmem>>
      %dma_wait3A_519 = tpu.memref_squeeze %dma_wait3A_518 : memref<1x125x32xf32, #tpu.memory_space<vmem>> -> memref<125x32xf32, #tpu.memory_space<vmem>>
      %dma_wait3A_520 = arith.constant 0 : i32
      %dma_wait3A_521 = tpu.memref_slice %arg6[%dma_wait3A_513, %dma_wait3A_520] : memref<80x125xi32, #tpu.memory_space<vmem>> -> memref<1x125xi32, #tpu.memory_space<vmem>>
      %dma_wait3A_522 = tpu.memref_squeeze %dma_wait3A_521 : memref<1x125xi32, #tpu.memory_space<vmem>> -> memref<125xi32, #tpu.memory_space<vmem>>
      %dma_wait3A_523 = arith.constant 0 : i32
      %dma_wait3A_524 = arith.constant 0 : i32
      %dma_wait3A_525 = tpu.memref_slice %arg2[%dma_wait3A_523, %dma_wait3A_524] : memref<10000x32xf32, #tpu.memory_space<hbm>> -> memref<10000x32xf32, #tpu.memory_space<hbm>>
      %dma_wait3A_526 = tpu.memref_slice %arg10[%dma_wait3A_515] : memref<10x!tpu.dma_semaphore, #tpu.memory_space<semaphore_mem>> -> memref<1x!tpu.dma_semaphore, #tpu.memory_space<semaphore_mem>>
      %dma_wait3A_527 = tpu.memref_squeeze %dma_wait3A_526 : memref<1x!tpu.dma_semaphore, #tpu.memory_space<semaphore_mem>> -> memref<!tpu.dma_semaphore, #tpu.memory_space<semaphore_mem>>
      tpu.wait_indirect_dma semaphore(%dma_wait3A_527 : memref<!tpu.dma_semaphore, #tpu.memory_space<semaphore_mem>>) src(%dma_wait3A_525 : memref<10000x32xf32, #tpu.memory_space<hbm>>) dst(%dma_wait3A_519 : memref<125x32xf32, #tpu.memory_space<vmem>>)
      %dma_start3A_528 = arith.constant 4 : i32
      %dma_start3A_529 = arith.constant 4 : i32
      %dma_start3A_530 = arith.constant 0 : i32
      %dma_start3A_531 = arith.constant 0 : i32
      %dma_start3A_532 = tpu.memref_slice %arg8[%dma_start3A_528, %dma_start3A_530, %dma_start3A_531] : memref<10x125x32xf32, #tpu.memory_space<vmem>> -> memref<1x125x32xf32, #tpu.memory_space<vmem>>
      %dma_start3A_533 = tpu.memref_squeeze %dma_start3A_532 : memref<1x125x32xf32, #tpu.memory_space<vmem>> -> memref<125x32xf32, #tpu.memory_space<vmem>>
      %dma_start3A_534 = arith.constant 0 : i32
      %dma_start3A_535 = tpu.memref_slice %arg7[%add3A_495, %dma_start3A_534] : memref<80x125xi32, #tpu.memory_space<vmem>> -> memref<1x125xi32, #tpu.memory_space<vmem>>
      %dma_start3A_536 = tpu.memref_squeeze %dma_start3A_535 : memref<1x125xi32, #tpu.memory_space<vmem>> -> memref<125xi32, #tpu.memory_space<vmem>>
      %dma_start3A_537 = arith.constant 0 : i32
      %dma_start3A_538 = arith.constant 0 : i32
      %dma_start3A_539 = tpu.memref_slice %arg9[%dma_start3A_537, %dma_start3A_538] : memref<10240x32xf32, #tpu.memory_space<vmem_shared>> -> memref<10240x32xf32, #tpu.memory_space<vmem_shared>>
      %dma_start3A_540 = tpu.memref_slice %arg11[%dma_start3A_529] : memref<10x!tpu.dma_semaphore, #tpu.memory_space<semaphore_mem>> -> memref<1x!tpu.dma_semaphore, #tpu.memory_space<semaphore_mem>>
      %dma_start3A_541 = tpu.memref_squeeze %dma_start3A_540 : memref<1x!tpu.dma_semaphore, #tpu.memory_space<semaphore_mem>> -> memref<!tpu.dma_semaphore, #tpu.memory_space<semaphore_mem>>
      tpu.enqueue_indirect_dma source(%dma_start3A_533 : memref<125x32xf32, #tpu.memory_space<vmem>>) target(%dma_start3A_539 : memref<10240x32xf32, #tpu.memory_space<vmem_shared>>) offsets(%dma_start3A_536 : memref<125xi32, #tpu.memory_space<vmem>>) semaphore(%dma_start3A_541 : memref<!tpu.dma_semaphore, #tpu.memory_space<semaphore_mem>>) {add = true}
      %mul3A_542 = arith.constant 10 : i32
      %mul3A_543 = arith.muli %scan3A_297, %mul3A_542 : i32
      %add3A_544 = arith.constant 5 : i32
      %add3A_545 = arith.addi %mul3A_543, %add3A_544 : i32
      %add3A_546 = arith.constant 10 : i32
      %add3A_547 = arith.addi %add3A_545, %add3A_546 : i32
      %sub3A_548 = arith.constant 1 : i32
      %sub3A_549 = arith.subi %add3A_547, %sub3A_548 : i32
      %ge3A_550 = arith.constant 10 : i32
      %ge3A_551 = arith.cmpi sge, %sub3A_549, %ge3A_550 : i32
      %lt3A_552 = arith.constant 80 : i32
      %lt3A_553 = arith.cmpi slt, %sub3A_549, %lt3A_552 : i32
      %and3A_554 = arith.andi %ge3A_551, %lt3A_553 : i1
      %convert_element_type3A_555 = arith.extui %and3A_554 : i1 to i32
      %cond3A_556 = arith.constant 0 : i32
      %cond3A_557 = arith.cmpi ne, %convert_element_type3A_555, %cond3A_556 : i32
      scf.if %cond3A_557 {
        %dma_wait3A_792 = arith.constant 0 : i32
        %dma_wait3A_793 = arith.constant 4 : i32
        %dma_wait3A_794 = arith.constant 4 : i32
        %dma_wait3A_795 = arith.constant 0 : i32
        %dma_wait3A_796 = arith.constant 0 : i32
        %dma_wait3A_797 = tpu.memref_slice %arg8[%dma_wait3A_793, %dma_wait3A_795, %dma_wait3A_796] : memref<10x125x32xf32, #tpu.memory_space<vmem>> -> memref<1x125x32xf32, #tpu.memory_space<vmem>>
        %dma_wait3A_798 = tpu.memref_squeeze %dma_wait3A_797 : memref<1x125x32xf32, #tpu.memory_space<vmem>> -> memref<125x32xf32, #tpu.memory_space<vmem>>
        %dma_wait3A_799 = arith.constant 0 : i32
        %dma_wait3A_800 = tpu.memref_slice %arg6[%dma_wait3A_792, %dma_wait3A_799] : memref<80x125xi32, #tpu.memory_space<vmem>> -> memref<1x125xi32, #tpu.memory_space<vmem>>
        %dma_wait3A_801 = tpu.memref_squeeze %dma_wait3A_800 : memref<1x125xi32, #tpu.memory_space<vmem>> -> memref<125xi32, #tpu.memory_space<vmem>>
        %dma_wait3A_802 = arith.constant 0 : i32
        %dma_wait3A_803 = arith.constant 0 : i32
        %dma_wait3A_804 = tpu.memref_slice %arg2[%dma_wait3A_802, %dma_wait3A_803] : memref<10000x32xf32, #tpu.memory_space<hbm>> -> memref<10000x32xf32, #tpu.memory_space<hbm>>
        %dma_wait3A_805 = tpu.memref_slice %arg11[%dma_wait3A_794] : memref<10x!tpu.dma_semaphore, #tpu.memory_space<semaphore_mem>> -> memref<1x!tpu.dma_semaphore, #tpu.memory_space<semaphore_mem>>
        %dma_wait3A_806 = tpu.memref_squeeze %dma_wait3A_805 : memref<1x!tpu.dma_semaphore, #tpu.memory_space<semaphore_mem>> -> memref<!tpu.dma_semaphore, #tpu.memory_space<semaphore_mem>>
        tpu.wait_indirect_dma semaphore(%dma_wait3A_806 : memref<!tpu.dma_semaphore, #tpu.memory_space<semaphore_mem>>) src(%dma_wait3A_804 : memref<10000x32xf32, #tpu.memory_space<hbm>>) dst(%dma_wait3A_798 : memref<125x32xf32, #tpu.memory_space<vmem>>)
      } else {
      }
      %lt3A_558 = arith.constant 80 : i32
      %lt3A_559 = arith.cmpi slt, %sub3A_549, %lt3A_558 : i32
      %convert_element_type3A_560 = arith.extui %lt3A_559 : i1 to i32
      %cond3A_561 = arith.constant 0 : i32
      %cond3A_562 = arith.cmpi ne, %convert_element_type3A_560, %cond3A_561 : i32
      scf.if %cond3A_562 {
        %dma_start3A_792 = arith.constant 4 : i32
        %dma_start3A_793 = arith.constant 4 : i32
        %dma_start3A_794 = arith.constant 0 : i32
        %dma_start3A_795 = arith.constant 0 : i32
        %dma_start3A_796 = tpu.memref_slice %arg8[%dma_start3A_792, %dma_start3A_794, %dma_start3A_795] : memref<10x125x32xf32, #tpu.memory_space<vmem>> -> memref<1x125x32xf32, #tpu.memory_space<vmem>>
        %dma_start3A_797 = tpu.memref_squeeze %dma_start3A_796 : memref<1x125x32xf32, #tpu.memory_space<vmem>> -> memref<125x32xf32, #tpu.memory_space<vmem>>
        %dma_start3A_798 = arith.constant 0 : i32
        %dma_start3A_799 = tpu.memref_slice %arg6[%sub3A_549, %dma_start3A_798] : memref<80x125xi32, #tpu.memory_space<vmem>> -> memref<1x125xi32, #tpu.memory_space<vmem>>
        %dma_start3A_800 = tpu.memref_squeeze %dma_start3A_799 : memref<1x125xi32, #tpu.memory_space<vmem>> -> memref<125xi32, #tpu.memory_space<vmem>>
        %dma_start3A_801 = arith.constant 0 : i32
        %dma_start3A_802 = arith.constant 0 : i32
        %dma_start3A_803 = tpu.memref_slice %arg2[%dma_start3A_801, %dma_start3A_802] : memref<10000x32xf32, #tpu.memory_space<hbm>> -> memref<10000x32xf32, #tpu.memory_space<hbm>>
        %dma_start3A_804 = tpu.memref_slice %arg10[%dma_start3A_793] : memref<10x!tpu.dma_semaphore, #tpu.memory_space<semaphore_mem>> -> memref<1x!tpu.dma_semaphore, #tpu.memory_space<semaphore_mem>>
        %dma_start3A_805 = tpu.memref_squeeze %dma_start3A_804 : memref<1x!tpu.dma_semaphore, #tpu.memory_space<semaphore_mem>> -> memref<!tpu.dma_semaphore, #tpu.memory_space<semaphore_mem>>
        tpu.enqueue_indirect_dma source(%dma_start3A_803 : memref<10000x32xf32, #tpu.memory_space<hbm>>) target(%dma_start3A_797 : memref<125x32xf32, #tpu.memory_space<vmem>>) offsets(%dma_start3A_800 : memref<125xi32, #tpu.memory_space<vmem>>) semaphore(%dma_start3A_805 : memref<!tpu.dma_semaphore, #tpu.memory_space<semaphore_mem>>)
      } else {
      }
      %dma_wait3A_563 = arith.constant 0 : i32
      %dma_wait3A_564 = arith.constant 5 : i32
      %dma_wait3A_565 = arith.constant 5 : i32
      %dma_wait3A_566 = arith.constant 0 : i32
      %dma_wait3A_567 = arith.constant 0 : i32
      %dma_wait3A_568 = tpu.memref_slice %arg8[%dma_wait3A_564, %dma_wait3A_566, %dma_wait3A_567] : memref<10x125x32xf32, #tpu.memory_space<vmem>> -> memref<1x125x32xf32, #tpu.memory_space<vmem>>
      %dma_wait3A_569 = tpu.memref_squeeze %dma_wait3A_568 : memref<1x125x32xf32, #tpu.memory_space<vmem>> -> memref<125x32xf32, #tpu.memory_space<vmem>>
      %dma_wait3A_570 = arith.constant 0 : i32
      %dma_wait3A_571 = tpu.memref_slice %arg6[%dma_wait3A_563, %dma_wait3A_570] : memref<80x125xi32, #tpu.memory_space<vmem>> -> memref<1x125xi32, #tpu.memory_space<vmem>>
      %dma_wait3A_572 = tpu.memref_squeeze %dma_wait3A_571 : memref<1x125xi32, #tpu.memory_space<vmem>> -> memref<125xi32, #tpu.memory_space<vmem>>
      %dma_wait3A_573 = arith.constant 0 : i32
      %dma_wait3A_574 = arith.constant 0 : i32
      %dma_wait3A_575 = tpu.memref_slice %arg2[%dma_wait3A_573, %dma_wait3A_574] : memref<10000x32xf32, #tpu.memory_space<hbm>> -> memref<10000x32xf32, #tpu.memory_space<hbm>>
      %dma_wait3A_576 = tpu.memref_slice %arg10[%dma_wait3A_565] : memref<10x!tpu.dma_semaphore, #tpu.memory_space<semaphore_mem>> -> memref<1x!tpu.dma_semaphore, #tpu.memory_space<semaphore_mem>>
      %dma_wait3A_577 = tpu.memref_squeeze %dma_wait3A_576 : memref<1x!tpu.dma_semaphore, #tpu.memory_space<semaphore_mem>> -> memref<!tpu.dma_semaphore, #tpu.memory_space<semaphore_mem>>
      tpu.wait_indirect_dma semaphore(%dma_wait3A_577 : memref<!tpu.dma_semaphore, #tpu.memory_space<semaphore_mem>>) src(%dma_wait3A_575 : memref<10000x32xf32, #tpu.memory_space<hbm>>) dst(%dma_wait3A_569 : memref<125x32xf32, #tpu.memory_space<vmem>>)
      %dma_start3A_578 = arith.constant 5 : i32
      %dma_start3A_579 = arith.constant 5 : i32
      %dma_start3A_580 = arith.constant 0 : i32
      %dma_start3A_581 = arith.constant 0 : i32
      %dma_start3A_582 = tpu.memref_slice %arg8[%dma_start3A_578, %dma_start3A_580, %dma_start3A_581] : memref<10x125x32xf32, #tpu.memory_space<vmem>> -> memref<1x125x32xf32, #tpu.memory_space<vmem>>
      %dma_start3A_583 = tpu.memref_squeeze %dma_start3A_582 : memref<1x125x32xf32, #tpu.memory_space<vmem>> -> memref<125x32xf32, #tpu.memory_space<vmem>>
      %dma_start3A_584 = arith.constant 0 : i32
      %dma_start3A_585 = tpu.memref_slice %arg7[%add3A_545, %dma_start3A_584] : memref<80x125xi32, #tpu.memory_space<vmem>> -> memref<1x125xi32, #tpu.memory_space<vmem>>
      %dma_start3A_586 = tpu.memref_squeeze %dma_start3A_585 : memref<1x125xi32, #tpu.memory_space<vmem>> -> memref<125xi32, #tpu.memory_space<vmem>>
      %dma_start3A_587 = arith.constant 0 : i32
      %dma_start3A_588 = arith.constant 0 : i32
      %dma_start3A_589 = tpu.memref_slice %arg9[%dma_start3A_587, %dma_start3A_588] : memref<10240x32xf32, #tpu.memory_space<vmem_shared>> -> memref<10240x32xf32, #tpu.memory_space<vmem_shared>>
      %dma_start3A_590 = tpu.memref_slice %arg11[%dma_start3A_579] : memref<10x!tpu.dma_semaphore, #tpu.memory_space<semaphore_mem>> -> memref<1x!tpu.dma_semaphore, #tpu.memory_space<semaphore_mem>>
      %dma_start3A_591 = tpu.memref_squeeze %dma_start3A_590 : memref<1x!tpu.dma_semaphore, #tpu.memory_space<semaphore_mem>> -> memref<!tpu.dma_semaphore, #tpu.memory_space<semaphore_mem>>
      tpu.enqueue_indirect_dma source(%dma_start3A_583 : memref<125x32xf32, #tpu.memory_space<vmem>>) target(%dma_start3A_589 : memref<10240x32xf32, #tpu.memory_space<vmem_shared>>) offsets(%dma_start3A_586 : memref<125xi32, #tpu.memory_space<vmem>>) semaphore(%dma_start3A_591 : memref<!tpu.dma_semaphore, #tpu.memory_space<semaphore_mem>>) {add = true}
      %mul3A_592 = arith.constant 10 : i32
      %mul3A_593 = arith.muli %scan3A_297, %mul3A_592 : i32
      %add3A_594 = arith.constant 6 : i32
      %add3A_595 = arith.addi %mul3A_593, %add3A_594 : i32
      %add3A_596 = arith.constant 10 : i32
      %add3A_597 = arith.addi %add3A_595, %add3A_596 : i32
      %sub3A_598 = arith.constant 1 : i32
      %sub3A_599 = arith.subi %add3A_597, %sub3A_598 : i32
      %ge3A_600 = arith.constant 10 : i32
      %ge3A_601 = arith.cmpi sge, %sub3A_599, %ge3A_600 : i32
      %lt3A_602 = arith.constant 80 : i32
      %lt3A_603 = arith.cmpi slt, %sub3A_599, %lt3A_602 : i32
      %and3A_604 = arith.andi %ge3A_601, %lt3A_603 : i1
      %convert_element_type3A_605 = arith.extui %and3A_604 : i1 to i32
      %cond3A_606 = arith.constant 0 : i32
      %cond3A_607 = arith.cmpi ne, %convert_element_type3A_605, %cond3A_606 : i32
      scf.if %cond3A_607 {
        %dma_wait3A_792 = arith.constant 0 : i32
        %dma_wait3A_793 = arith.constant 5 : i32
        %dma_wait3A_794 = arith.constant 5 : i32
        %dma_wait3A_795 = arith.constant 0 : i32
        %dma_wait3A_796 = arith.constant 0 : i32
        %dma_wait3A_797 = tpu.memref_slice %arg8[%dma_wait3A_793, %dma_wait3A_795, %dma_wait3A_796] : memref<10x125x32xf32, #tpu.memory_space<vmem>> -> memref<1x125x32xf32, #tpu.memory_space<vmem>>
        %dma_wait3A_798 = tpu.memref_squeeze %dma_wait3A_797 : memref<1x125x32xf32, #tpu.memory_space<vmem>> -> memref<125x32xf32, #tpu.memory_space<vmem>>
        %dma_wait3A_799 = arith.constant 0 : i32
        %dma_wait3A_800 = tpu.memref_slice %arg6[%dma_wait3A_792, %dma_wait3A_799] : memref<80x125xi32, #tpu.memory_space<vmem>> -> memref<1x125xi32, #tpu.memory_space<vmem>>
        %dma_wait3A_801 = tpu.memref_squeeze %dma_wait3A_800 : memref<1x125xi32, #tpu.memory_space<vmem>> -> memref<125xi32, #tpu.memory_space<vmem>>
        %dma_wait3A_802 = arith.constant 0 : i32
        %dma_wait3A_803 = arith.constant 0 : i32
        %dma_wait3A_804 = tpu.memref_slice %arg2[%dma_wait3A_802, %dma_wait3A_803] : memref<10000x32xf32, #tpu.memory_space<hbm>> -> memref<10000x32xf32, #tpu.memory_space<hbm>>
        %dma_wait3A_805 = tpu.memref_slice %arg11[%dma_wait3A_794] : memref<10x!tpu.dma_semaphore, #tpu.memory_space<semaphore_mem>> -> memref<1x!tpu.dma_semaphore, #tpu.memory_space<semaphore_mem>>
        %dma_wait3A_806 = tpu.memref_squeeze %dma_wait3A_805 : memref<1x!tpu.dma_semaphore, #tpu.memory_space<semaphore_mem>> -> memref<!tpu.dma_semaphore, #tpu.memory_space<semaphore_mem>>
        tpu.wait_indirect_dma semaphore(%dma_wait3A_806 : memref<!tpu.dma_semaphore, #tpu.memory_space<semaphore_mem>>) src(%dma_wait3A_804 : memref<10000x32xf32, #tpu.memory_space<hbm>>) dst(%dma_wait3A_798 : memref<125x32xf32, #tpu.memory_space<vmem>>)
      } else {
      }
      %lt3A_608 = arith.constant 80 : i32
      %lt3A_609 = arith.cmpi slt, %sub3A_599, %lt3A_608 : i32
      %convert_element_type3A_610 = arith.extui %lt3A_609 : i1 to i32
      %cond3A_611 = arith.constant 0 : i32
      %cond3A_612 = arith.cmpi ne, %convert_element_type3A_610, %cond3A_611 : i32
      scf.if %cond3A_612 {
        %dma_start3A_792 = arith.constant 5 : i32
        %dma_start3A_793 = arith.constant 5 : i32
        %dma_start3A_794 = arith.constant 0 : i32
        %dma_start3A_795 = arith.constant 0 : i32
        %dma_start3A_796 = tpu.memref_slice %arg8[%dma_start3A_792, %dma_start3A_794, %dma_start3A_795] : memref<10x125x32xf32, #tpu.memory_space<vmem>> -> memref<1x125x32xf32, #tpu.memory_space<vmem>>
        %dma_start3A_797 = tpu.memref_squeeze %dma_start3A_796 : memref<1x125x32xf32, #tpu.memory_space<vmem>> -> memref<125x32xf32, #tpu.memory_space<vmem>>
        %dma_start3A_798 = arith.constant 0 : i32
        %dma_start3A_799 = tpu.memref_slice %arg6[%sub3A_599, %dma_start3A_798] : memref<80x125xi32, #tpu.memory_space<vmem>> -> memref<1x125xi32, #tpu.memory_space<vmem>>
        %dma_start3A_800 = tpu.memref_squeeze %dma_start3A_799 : memref<1x125xi32, #tpu.memory_space<vmem>> -> memref<125xi32, #tpu.memory_space<vmem>>
        %dma_start3A_801 = arith.constant 0 : i32
        %dma_start3A_802 = arith.constant 0 : i32
        %dma_start3A_803 = tpu.memref_slice %arg2[%dma_start3A_801, %dma_start3A_802] : memref<10000x32xf32, #tpu.memory_space<hbm>> -> memref<10000x32xf32, #tpu.memory_space<hbm>>
        %dma_start3A_804 = tpu.memref_slice %arg10[%dma_start3A_793] : memref<10x!tpu.dma_semaphore, #tpu.memory_space<semaphore_mem>> -> memref<1x!tpu.dma_semaphore, #tpu.memory_space<semaphore_mem>>
        %dma_start3A_805 = tpu.memref_squeeze %dma_start3A_804 : memref<1x!tpu.dma_semaphore, #tpu.memory_space<semaphore_mem>> -> memref<!tpu.dma_semaphore, #tpu.memory_space<semaphore_mem>>
        tpu.enqueue_indirect_dma source(%dma_start3A_803 : memref<10000x32xf32, #tpu.memory_space<hbm>>) target(%dma_start3A_797 : memref<125x32xf32, #tpu.memory_space<vmem>>) offsets(%dma_start3A_800 : memref<125xi32, #tpu.memory_space<vmem>>) semaphore(%dma_start3A_805 : memref<!tpu.dma_semaphore, #tpu.memory_space<semaphore_mem>>)
      } else {
      }
      %dma_wait3A_613 = arith.constant 0 : i32
      %dma_wait3A_614 = arith.constant 6 : i32
      %dma_wait3A_615 = arith.constant 6 : i32
      %dma_wait3A_616 = arith.constant 0 : i32
      %dma_wait3A_617 = arith.constant 0 : i32
      %dma_wait3A_618 = tpu.memref_slice %arg8[%dma_wait3A_614, %dma_wait3A_616, %dma_wait3A_617] : memref<10x125x32xf32, #tpu.memory_space<vmem>> -> memref<1x125x32xf32, #tpu.memory_space<vmem>>
      %dma_wait3A_619 = tpu.memref_squeeze %dma_wait3A_618 : memref<1x125x32xf32, #tpu.memory_space<vmem>> -> memref<125x32xf32, #tpu.memory_space<vmem>>
      %dma_wait3A_620 = arith.constant 0 : i32
      %dma_wait3A_621 = tpu.memref_slice %arg6[%dma_wait3A_613, %dma_wait3A_620] : memref<80x125xi32, #tpu.memory_space<vmem>> -> memref<1x125xi32, #tpu.memory_space<vmem>>
      %dma_wait3A_622 = tpu.memref_squeeze %dma_wait3A_621 : memref<1x125xi32, #tpu.memory_space<vmem>> -> memref<125xi32, #tpu.memory_space<vmem>>
      %dma_wait3A_623 = arith.constant 0 : i32
      %dma_wait3A_624 = arith.constant 0 : i32
      %dma_wait3A_625 = tpu.memref_slice %arg2[%dma_wait3A_623, %dma_wait3A_624] : memref<10000x32xf32, #tpu.memory_space<hbm>> -> memref<10000x32xf32, #tpu.memory_space<hbm>>
      %dma_wait3A_626 = tpu.memref_slice %arg10[%dma_wait3A_615] : memref<10x!tpu.dma_semaphore, #tpu.memory_space<semaphore_mem>> -> memref<1x!tpu.dma_semaphore, #tpu.memory_space<semaphore_mem>>
      %dma_wait3A_627 = tpu.memref_squeeze %dma_wait3A_626 : memref<1x!tpu.dma_semaphore, #tpu.memory_space<semaphore_mem>> -> memref<!tpu.dma_semaphore, #tpu.memory_space<semaphore_mem>>
      tpu.wait_indirect_dma semaphore(%dma_wait3A_627 : memref<!tpu.dma_semaphore, #tpu.memory_space<semaphore_mem>>) src(%dma_wait3A_625 : memref<10000x32xf32, #tpu.memory_space<hbm>>) dst(%dma_wait3A_619 : memref<125x32xf32, #tpu.memory_space<vmem>>)
      %dma_start3A_628 = arith.constant 6 : i32
      %dma_start3A_629 = arith.constant 6 : i32
      %dma_start3A_630 = arith.constant 0 : i32
      %dma_start3A_631 = arith.constant 0 : i32
      %dma_start3A_632 = tpu.memref_slice %arg8[%dma_start3A_628, %dma_start3A_630, %dma_start3A_631] : memref<10x125x32xf32, #tpu.memory_space<vmem>> -> memref<1x125x32xf32, #tpu.memory_space<vmem>>
      %dma_start3A_633 = tpu.memref_squeeze %dma_start3A_632 : memref<1x125x32xf32, #tpu.memory_space<vmem>> -> memref<125x32xf32, #tpu.memory_space<vmem>>
      %dma_start3A_634 = arith.constant 0 : i32
      %dma_start3A_635 = tpu.memref_slice %arg7[%add3A_595, %dma_start3A_634] : memref<80x125xi32, #tpu.memory_space<vmem>> -> memref<1x125xi32, #tpu.memory_space<vmem>>
      %dma_start3A_636 = tpu.memref_squeeze %dma_start3A_635 : memref<1x125xi32, #tpu.memory_space<vmem>> -> memref<125xi32, #tpu.memory_space<vmem>>
      %dma_start3A_637 = arith.constant 0 : i32
      %dma_start3A_638 = arith.constant 0 : i32
      %dma_start3A_639 = tpu.memref_slice %arg9[%dma_start3A_637, %dma_start3A_638] : memref<10240x32xf32, #tpu.memory_space<vmem_shared>> -> memref<10240x32xf32, #tpu.memory_space<vmem_shared>>
      %dma_start3A_640 = tpu.memref_slice %arg11[%dma_start3A_629] : memref<10x!tpu.dma_semaphore, #tpu.memory_space<semaphore_mem>> -> memref<1x!tpu.dma_semaphore, #tpu.memory_space<semaphore_mem>>
      %dma_start3A_641 = tpu.memref_squeeze %dma_start3A_640 : memref<1x!tpu.dma_semaphore, #tpu.memory_space<semaphore_mem>> -> memref<!tpu.dma_semaphore, #tpu.memory_space<semaphore_mem>>
      tpu.enqueue_indirect_dma source(%dma_start3A_633 : memref<125x32xf32, #tpu.memory_space<vmem>>) target(%dma_start3A_639 : memref<10240x32xf32, #tpu.memory_space<vmem_shared>>) offsets(%dma_start3A_636 : memref<125xi32, #tpu.memory_space<vmem>>) semaphore(%dma_start3A_641 : memref<!tpu.dma_semaphore, #tpu.memory_space<semaphore_mem>>) {add = true}
      %mul3A_642 = arith.constant 10 : i32
      %mul3A_643 = arith.muli %scan3A_297, %mul3A_642 : i32
      %add3A_644 = arith.constant 7 : i32
      %add3A_645 = arith.addi %mul3A_643, %add3A_644 : i32
      %add3A_646 = arith.constant 10 : i32
      %add3A_647 = arith.addi %add3A_645, %add3A_646 : i32
      %sub3A_648 = arith.constant 1 : i32
      %sub3A_649 = arith.subi %add3A_647, %sub3A_648 : i32
      %ge3A_650 = arith.constant 10 : i32
      %ge3A_651 = arith.cmpi sge, %sub3A_649, %ge3A_650 : i32
      %lt3A_652 = arith.constant 80 : i32
      %lt3A_653 = arith.cmpi slt, %sub3A_649, %lt3A_652 : i32
      %and3A_654 = arith.andi %ge3A_651, %lt3A_653 : i1
      %convert_element_type3A_655 = arith.extui %and3A_654 : i1 to i32
      %cond3A_656 = arith.constant 0 : i32
      %cond3A_657 = arith.cmpi ne, %convert_element_type3A_655, %cond3A_656 : i32
      scf.if %cond3A_657 {
        %dma_wait3A_792 = arith.constant 0 : i32
        %dma_wait3A_793 = arith.constant 6 : i32
        %dma_wait3A_794 = arith.constant 6 : i32
        %dma_wait3A_795 = arith.constant 0 : i32
        %dma_wait3A_796 = arith.constant 0 : i32
        %dma_wait3A_797 = tpu.memref_slice %arg8[%dma_wait3A_793, %dma_wait3A_795, %dma_wait3A_796] : memref<10x125x32xf32, #tpu.memory_space<vmem>> -> memref<1x125x32xf32, #tpu.memory_space<vmem>>
        %dma_wait3A_798 = tpu.memref_squeeze %dma_wait3A_797 : memref<1x125x32xf32, #tpu.memory_space<vmem>> -> memref<125x32xf32, #tpu.memory_space<vmem>>
        %dma_wait3A_799 = arith.constant 0 : i32
        %dma_wait3A_800 = tpu.memref_slice %arg6[%dma_wait3A_792, %dma_wait3A_799] : memref<80x125xi32, #tpu.memory_space<vmem>> -> memref<1x125xi32, #tpu.memory_space<vmem>>
        %dma_wait3A_801 = tpu.memref_squeeze %dma_wait3A_800 : memref<1x125xi32, #tpu.memory_space<vmem>> -> memref<125xi32, #tpu.memory_space<vmem>>
        %dma_wait3A_802 = arith.constant 0 : i32
        %dma_wait3A_803 = arith.constant 0 : i32
        %dma_wait3A_804 = tpu.memref_slice %arg2[%dma_wait3A_802, %dma_wait3A_803] : memref<10000x32xf32, #tpu.memory_space<hbm>> -> memref<10000x32xf32, #tpu.memory_space<hbm>>
        %dma_wait3A_805 = tpu.memref_slice %arg11[%dma_wait3A_794] : memref<10x!tpu.dma_semaphore, #tpu.memory_space<semaphore_mem>> -> memref<1x!tpu.dma_semaphore, #tpu.memory_space<semaphore_mem>>
        %dma_wait3A_806 = tpu.memref_squeeze %dma_wait3A_805 : memref<1x!tpu.dma_semaphore, #tpu.memory_space<semaphore_mem>> -> memref<!tpu.dma_semaphore, #tpu.memory_space<semaphore_mem>>
        tpu.wait_indirect_dma semaphore(%dma_wait3A_806 : memref<!tpu.dma_semaphore, #tpu.memory_space<semaphore_mem>>) src(%dma_wait3A_804 : memref<10000x32xf32, #tpu.memory_space<hbm>>) dst(%dma_wait3A_798 : memref<125x32xf32, #tpu.memory_space<vmem>>)
      } else {
      }
      %lt3A_658 = arith.constant 80 : i32
      %lt3A_659 = arith.cmpi slt, %sub3A_649, %lt3A_658 : i32
      %convert_element_type3A_660 = arith.extui %lt3A_659 : i1 to i32
      %cond3A_661 = arith.constant 0 : i32
      %cond3A_662 = arith.cmpi ne, %convert_element_type3A_660, %cond3A_661 : i32
      scf.if %cond3A_662 {
        %dma_start3A_792 = arith.constant 6 : i32
        %dma_start3A_793 = arith.constant 6 : i32
        %dma_start3A_794 = arith.constant 0 : i32
        %dma_start3A_795 = arith.constant 0 : i32
        %dma_start3A_796 = tpu.memref_slice %arg8[%dma_start3A_792, %dma_start3A_794, %dma_start3A_795] : memref<10x125x32xf32, #tpu.memory_space<vmem>> -> memref<1x125x32xf32, #tpu.memory_space<vmem>>
        %dma_start3A_797 = tpu.memref_squeeze %dma_start3A_796 : memref<1x125x32xf32, #tpu.memory_space<vmem>> -> memref<125x32xf32, #tpu.memory_space<vmem>>
        %dma_start3A_798 = arith.constant 0 : i32
        %dma_start3A_799 = tpu.memref_slice %arg6[%sub3A_649, %dma_start3A_798] : memref<80x125xi32, #tpu.memory_space<vmem>> -> memref<1x125xi32, #tpu.memory_space<vmem>>
        %dma_start3A_800 = tpu.memref_squeeze %dma_start3A_799 : memref<1x125xi32, #tpu.memory_space<vmem>> -> memref<125xi32, #tpu.memory_space<vmem>>
        %dma_start3A_801 = arith.constant 0 : i32
        %dma_start3A_802 = arith.constant 0 : i32
        %dma_start3A_803 = tpu.memref_slice %arg2[%dma_start3A_801, %dma_start3A_802] : memref<10000x32xf32, #tpu.memory_space<hbm>> -> memref<10000x32xf32, #tpu.memory_space<hbm>>
        %dma_start3A_804 = tpu.memref_slice %arg10[%dma_start3A_793] : memref<10x!tpu.dma_semaphore, #tpu.memory_space<semaphore_mem>> -> memref<1x!tpu.dma_semaphore, #tpu.memory_space<semaphore_mem>>
        %dma_start3A_805 = tpu.memref_squeeze %dma_start3A_804 : memref<1x!tpu.dma_semaphore, #tpu.memory_space<semaphore_mem>> -> memref<!tpu.dma_semaphore, #tpu.memory_space<semaphore_mem>>
        tpu.enqueue_indirect_dma source(%dma_start3A_803 : memref<10000x32xf32, #tpu.memory_space<hbm>>) target(%dma_start3A_797 : memref<125x32xf32, #tpu.memory_space<vmem>>) offsets(%dma_start3A_800 : memref<125xi32, #tpu.memory_space<vmem>>) semaphore(%dma_start3A_805 : memref<!tpu.dma_semaphore, #tpu.memory_space<semaphore_mem>>)
      } else {
      }
      %dma_wait3A_663 = arith.constant 0 : i32
      %dma_wait3A_664 = arith.constant 7 : i32
      %dma_wait3A_665 = arith.constant 7 : i32
      %dma_wait3A_666 = arith.constant 0 : i32
      %dma_wait3A_667 = arith.constant 0 : i32
      %dma_wait3A_668 = tpu.memref_slice %arg8[%dma_wait3A_664, %dma_wait3A_666, %dma_wait3A_667] : memref<10x125x32xf32, #tpu.memory_space<vmem>> -> memref<1x125x32xf32, #tpu.memory_space<vmem>>
      %dma_wait3A_669 = tpu.memref_squeeze %dma_wait3A_668 : memref<1x125x32xf32, #tpu.memory_space<vmem>> -> memref<125x32xf32, #tpu.memory_space<vmem>>
      %dma_wait3A_670 = arith.constant 0 : i32
      %dma_wait3A_671 = tpu.memref_slice %arg6[%dma_wait3A_663, %dma_wait3A_670] : memref<80x125xi32, #tpu.memory_space<vmem>> -> memref<1x125xi32, #tpu.memory_space<vmem>>
      %dma_wait3A_672 = tpu.memref_squeeze %dma_wait3A_671 : memref<1x125xi32, #tpu.memory_space<vmem>> -> memref<125xi32, #tpu.memory_space<vmem>>
      %dma_wait3A_673 = arith.constant 0 : i32
      %dma_wait3A_674 = arith.constant 0 : i32
      %dma_wait3A_675 = tpu.memref_slice %arg2[%dma_wait3A_673, %dma_wait3A_674] : memref<10000x32xf32, #tpu.memory_space<hbm>> -> memref<10000x32xf32, #tpu.memory_space<hbm>>
      %dma_wait3A_676 = tpu.memref_slice %arg10[%dma_wait3A_665] : memref<10x!tpu.dma_semaphore, #tpu.memory_space<semaphore_mem>> -> memref<1x!tpu.dma_semaphore, #tpu.memory_space<semaphore_mem>>
      %dma_wait3A_677 = tpu.memref_squeeze %dma_wait3A_676 : memref<1x!tpu.dma_semaphore, #tpu.memory_space<semaphore_mem>> -> memref<!tpu.dma_semaphore, #tpu.memory_space<semaphore_mem>>
      tpu.wait_indirect_dma semaphore(%dma_wait3A_677 : memref<!tpu.dma_semaphore, #tpu.memory_space<semaphore_mem>>) src(%dma_wait3A_675 : memref<10000x32xf32, #tpu.memory_space<hbm>>) dst(%dma_wait3A_669 : memref<125x32xf32, #tpu.memory_space<vmem>>)
      %dma_start3A_678 = arith.constant 7 : i32
      %dma_start3A_679 = arith.constant 7 : i32
      %dma_start3A_680 = arith.constant 0 : i32
      %dma_start3A_681 = arith.constant 0 : i32
      %dma_start3A_682 = tpu.memref_slice %arg8[%dma_start3A_678, %dma_start3A_680, %dma_start3A_681] : memref<10x125x32xf32, #tpu.memory_space<vmem>> -> memref<1x125x32xf32, #tpu.memory_space<vmem>>
      %dma_start3A_683 = tpu.memref_squeeze %dma_start3A_682 : memref<1x125x32xf32, #tpu.memory_space<vmem>> -> memref<125x32xf32, #tpu.memory_space<vmem>>
      %dma_start3A_684 = arith.constant 0 : i32
      %dma_start3A_685 = tpu.memref_slice %arg7[%add3A_645, %dma_start3A_684] : memref<80x125xi32, #tpu.memory_space<vmem>> -> memref<1x125xi32, #tpu.memory_space<vmem>>
      %dma_start3A_686 = tpu.memref_squeeze %dma_start3A_685 : memref<1x125xi32, #tpu.memory_space<vmem>> -> memref<125xi32, #tpu.memory_space<vmem>>
      %dma_start3A_687 = arith.constant 0 : i32
      %dma_start3A_688 = arith.constant 0 : i32
      %dma_start3A_689 = tpu.memref_slice %arg9[%dma_start3A_687, %dma_start3A_688] : memref<10240x32xf32, #tpu.memory_space<vmem_shared>> -> memref<10240x32xf32, #tpu.memory_space<vmem_shared>>
      %dma_start3A_690 = tpu.memref_slice %arg11[%dma_start3A_679] : memref<10x!tpu.dma_semaphore, #tpu.memory_space<semaphore_mem>> -> memref<1x!tpu.dma_semaphore, #tpu.memory_space<semaphore_mem>>
      %dma_start3A_691 = tpu.memref_squeeze %dma_start3A_690 : memref<1x!tpu.dma_semaphore, #tpu.memory_space<semaphore_mem>> -> memref<!tpu.dma_semaphore, #tpu.memory_space<semaphore_mem>>
      tpu.enqueue_indirect_dma source(%dma_start3A_683 : memref<125x32xf32, #tpu.memory_space<vmem>>) target(%dma_start3A_689 : memref<10240x32xf32, #tpu.memory_space<vmem_shared>>) offsets(%dma_start3A_686 : memref<125xi32, #tpu.memory_space<vmem>>) semaphore(%dma_start3A_691 : memref<!tpu.dma_semaphore, #tpu.memory_space<semaphore_mem>>) {add = true}
      %mul3A_692 = arith.constant 10 : i32
      %mul3A_693 = arith.muli %scan3A_297, %mul3A_692 : i32
      %add3A_694 = arith.constant 8 : i32
      %add3A_695 = arith.addi %mul3A_693, %add3A_694 : i32
      %add3A_696 = arith.constant 10 : i32
      %add3A_697 = arith.addi %add3A_695, %add3A_696 : i32
      %sub3A_698 = arith.constant 1 : i32
      %sub3A_699 = arith.subi %add3A_697, %sub3A_698 : i32
      %ge3A_700 = arith.constant 10 : i32
      %ge3A_701 = arith.cmpi sge, %sub3A_699, %ge3A_700 : i32
      %lt3A_702 = arith.constant 80 : i32
      %lt3A_703 = arith.cmpi slt, %sub3A_699, %lt3A_702 : i32
      %and3A_704 = arith.andi %ge3A_701, %lt3A_703 : i1
      %convert_element_type3A_705 = arith.extui %and3A_704 : i1 to i32
      %cond3A_706 = arith.constant 0 : i32
      %cond3A_707 = arith.cmpi ne, %convert_element_type3A_705, %cond3A_706 : i32
      scf.if %cond3A_707 {
        %dma_wait3A_792 = arith.constant 0 : i32
        %dma_wait3A_793 = arith.constant 7 : i32
        %dma_wait3A_794 = arith.constant 7 : i32
        %dma_wait3A_795 = arith.constant 0 : i32
        %dma_wait3A_796 = arith.constant 0 : i32
        %dma_wait3A_797 = tpu.memref_slice %arg8[%dma_wait3A_793, %dma_wait3A_795, %dma_wait3A_796] : memref<10x125x32xf32, #tpu.memory_space<vmem>> -> memref<1x125x32xf32, #tpu.memory_space<vmem>>
        %dma_wait3A_798 = tpu.memref_squeeze %dma_wait3A_797 : memref<1x125x32xf32, #tpu.memory_space<vmem>> -> memref<125x32xf32, #tpu.memory_space<vmem>>
        %dma_wait3A_799 = arith.constant 0 : i32
        %dma_wait3A_800 = tpu.memref_slice %arg6[%dma_wait3A_792, %dma_wait3A_799] : memref<80x125xi32, #tpu.memory_space<vmem>> -> memref<1x125xi32, #tpu.memory_space<vmem>>
        %dma_wait3A_801 = tpu.memref_squeeze %dma_wait3A_800 : memref<1x125xi32, #tpu.memory_space<vmem>> -> memref<125xi32, #tpu.memory_space<vmem>>
        %dma_wait3A_802 = arith.constant 0 : i32
        %dma_wait3A_803 = arith.constant 0 : i32
        %dma_wait3A_804 = tpu.memref_slice %arg2[%dma_wait3A_802, %dma_wait3A_803] : memref<10000x32xf32, #tpu.memory_space<hbm>> -> memref<10000x32xf32, #tpu.memory_space<hbm>>
        %dma_wait3A_805 = tpu.memref_slice %arg11[%dma_wait3A_794] : memref<10x!tpu.dma_semaphore, #tpu.memory_space<semaphore_mem>> -> memref<1x!tpu.dma_semaphore, #tpu.memory_space<semaphore_mem>>
        %dma_wait3A_806 = tpu.memref_squeeze %dma_wait3A_805 : memref<1x!tpu.dma_semaphore, #tpu.memory_space<semaphore_mem>> -> memref<!tpu.dma_semaphore, #tpu.memory_space<semaphore_mem>>
        tpu.wait_indirect_dma semaphore(%dma_wait3A_806 : memref<!tpu.dma_semaphore, #tpu.memory_space<semaphore_mem>>) src(%dma_wait3A_804 : memref<10000x32xf32, #tpu.memory_space<hbm>>) dst(%dma_wait3A_798 : memref<125x32xf32, #tpu.memory_space<vmem>>)
      } else {
      }
      %lt3A_708 = arith.constant 80 : i32
      %lt3A_709 = arith.cmpi slt, %sub3A_699, %lt3A_708 : i32
      %convert_element_type3A_710 = arith.extui %lt3A_709 : i1 to i32
      %cond3A_711 = arith.constant 0 : i32
      %cond3A_712 = arith.cmpi ne, %convert_element_type3A_710, %cond3A_711 : i32
      scf.if %cond3A_712 {
        %dma_start3A_792 = arith.constant 7 : i32
        %dma_start3A_793 = arith.constant 7 : i32
        %dma_start3A_794 = arith.constant 0 : i32
        %dma_start3A_795 = arith.constant 0 : i32
        %dma_start3A_796 = tpu.memref_slice %arg8[%dma_start3A_792, %dma_start3A_794, %dma_start3A_795] : memref<10x125x32xf32, #tpu.memory_space<vmem>> -> memref<1x125x32xf32, #tpu.memory_space<vmem>>
        %dma_start3A_797 = tpu.memref_squeeze %dma_start3A_796 : memref<1x125x32xf32, #tpu.memory_space<vmem>> -> memref<125x32xf32, #tpu.memory_space<vmem>>
        %dma_start3A_798 = arith.constant 0 : i32
        %dma_start3A_799 = tpu.memref_slice %arg6[%sub3A_699, %dma_start3A_798] : memref<80x125xi32, #tpu.memory_space<vmem>> -> memref<1x125xi32, #tpu.memory_space<vmem>>
        %dma_start3A_800 = tpu.memref_squeeze %dma_start3A_799 : memref<1x125xi32, #tpu.memory_space<vmem>> -> memref<125xi32, #tpu.memory_space<vmem>>
        %dma_start3A_801 = arith.constant 0 : i32
        %dma_start3A_802 = arith.constant 0 : i32
        %dma_start3A_803 = tpu.memref_slice %arg2[%dma_start3A_801, %dma_start3A_802] : memref<10000x32xf32, #tpu.memory_space<hbm>> -> memref<10000x32xf32, #tpu.memory_space<hbm>>
        %dma_start3A_804 = tpu.memref_slice %arg10[%dma_start3A_793] : memref<10x!tpu.dma_semaphore, #tpu.memory_space<semaphore_mem>> -> memref<1x!tpu.dma_semaphore, #tpu.memory_space<semaphore_mem>>
        %dma_start3A_805 = tpu.memref_squeeze %dma_start3A_804 : memref<1x!tpu.dma_semaphore, #tpu.memory_space<semaphore_mem>> -> memref<!tpu.dma_semaphore, #tpu.memory_space<semaphore_mem>>
        tpu.enqueue_indirect_dma source(%dma_start3A_803 : memref<10000x32xf32, #tpu.memory_space<hbm>>) target(%dma_start3A_797 : memref<125x32xf32, #tpu.memory_space<vmem>>) offsets(%dma_start3A_800 : memref<125xi32, #tpu.memory_space<vmem>>) semaphore(%dma_start3A_805 : memref<!tpu.dma_semaphore, #tpu.memory_space<semaphore_mem>>)
      } else {
      }
      %dma_wait3A_713 = arith.constant 0 : i32
      %dma_wait3A_714 = arith.constant 8 : i32
      %dma_wait3A_715 = arith.constant 8 : i32
      %dma_wait3A_716 = arith.constant 0 : i32
      %dma_wait3A_717 = arith.constant 0 : i32
      %dma_wait3A_718 = tpu.memref_slice %arg8[%dma_wait3A_714, %dma_wait3A_716, %dma_wait3A_717] : memref<10x125x32xf32, #tpu.memory_space<vmem>> -> memref<1x125x32xf32, #tpu.memory_space<vmem>>
      %dma_wait3A_719 = tpu.memref_squeeze %dma_wait3A_718 : memref<1x125x32xf32, #tpu.memory_space<vmem>> -> memref<125x32xf32, #tpu.memory_space<vmem>>
      %dma_wait3A_720 = arith.constant 0 : i32
      %dma_wait3A_721 = tpu.memref_slice %arg6[%dma_wait3A_713, %dma_wait3A_720] : memref<80x125xi32, #tpu.memory_space<vmem>> -> memref<1x125xi32, #tpu.memory_space<vmem>>
      %dma_wait3A_722 = tpu.memref_squeeze %dma_wait3A_721 : memref<1x125xi32, #tpu.memory_space<vmem>> -> memref<125xi32, #tpu.memory_space<vmem>>
      %dma_wait3A_723 = arith.constant 0 : i32
      %dma_wait3A_724 = arith.constant 0 : i32
      %dma_wait3A_725 = tpu.memref_slice %arg2[%dma_wait3A_723, %dma_wait3A_724] : memref<10000x32xf32, #tpu.memory_space<hbm>> -> memref<10000x32xf32, #tpu.memory_space<hbm>>
      %dma_wait3A_726 = tpu.memref_slice %arg10[%dma_wait3A_715] : memref<10x!tpu.dma_semaphore, #tpu.memory_space<semaphore_mem>> -> memref<1x!tpu.dma_semaphore, #tpu.memory_space<semaphore_mem>>
      %dma_wait3A_727 = tpu.memref_squeeze %dma_wait3A_726 : memref<1x!tpu.dma_semaphore, #tpu.memory_space<semaphore_mem>> -> memref<!tpu.dma_semaphore, #tpu.memory_space<semaphore_mem>>
      tpu.wait_indirect_dma semaphore(%dma_wait3A_727 : memref<!tpu.dma_semaphore, #tpu.memory_space<semaphore_mem>>) src(%dma_wait3A_725 : memref<10000x32xf32, #tpu.memory_space<hbm>>) dst(%dma_wait3A_719 : memref<125x32xf32, #tpu.memory_space<vmem>>)
      %dma_start3A_728 = arith.constant 8 : i32
      %dma_start3A_729 = arith.constant 8 : i32
      %dma_start3A_730 = arith.constant 0 : i32
      %dma_start3A_731 = arith.constant 0 : i32
      %dma_start3A_732 = tpu.memref_slice %arg8[%dma_start3A_728, %dma_start3A_730, %dma_start3A_731] : memref<10x125x32xf32, #tpu.memory_space<vmem>> -> memref<1x125x32xf32, #tpu.memory_space<vmem>>
      %dma_start3A_733 = tpu.memref_squeeze %dma_start3A_732 : memref<1x125x32xf32, #tpu.memory_space<vmem>> -> memref<125x32xf32, #tpu.memory_space<vmem>>
      %dma_start3A_734 = arith.constant 0 : i32
      %dma_start3A_735 = tpu.memref_slice %arg7[%add3A_695, %dma_start3A_734] : memref<80x125xi32, #tpu.memory_space<vmem>> -> memref<1x125xi32, #tpu.memory_space<vmem>>
      %dma_start3A_736 = tpu.memref_squeeze %dma_start3A_735 : memref<1x125xi32, #tpu.memory_space<vmem>> -> memref<125xi32, #tpu.memory_space<vmem>>
      %dma_start3A_737 = arith.constant 0 : i32
      %dma_start3A_738 = arith.constant 0 : i32
      %dma_start3A_739 = tpu.memref_slice %arg9[%dma_start3A_737, %dma_start3A_738] : memref<10240x32xf32, #tpu.memory_space<vmem_shared>> -> memref<10240x32xf32, #tpu.memory_space<vmem_shared>>
      %dma_start3A_740 = tpu.memref_slice %arg11[%dma_start3A_729] : memref<10x!tpu.dma_semaphore, #tpu.memory_space<semaphore_mem>> -> memref<1x!tpu.dma_semaphore, #tpu.memory_space<semaphore_mem>>
      %dma_start3A_741 = tpu.memref_squeeze %dma_start3A_740 : memref<1x!tpu.dma_semaphore, #tpu.memory_space<semaphore_mem>> -> memref<!tpu.dma_semaphore, #tpu.memory_space<semaphore_mem>>
      tpu.enqueue_indirect_dma source(%dma_start3A_733 : memref<125x32xf32, #tpu.memory_space<vmem>>) target(%dma_start3A_739 : memref<10240x32xf32, #tpu.memory_space<vmem_shared>>) offsets(%dma_start3A_736 : memref<125xi32, #tpu.memory_space<vmem>>) semaphore(%dma_start3A_741 : memref<!tpu.dma_semaphore, #tpu.memory_space<semaphore_mem>>) {add = true}
      %mul3A_742 = arith.constant 10 : i32
      %mul3A_743 = arith.muli %scan3A_297, %mul3A_742 : i32
      %add3A_744 = arith.constant 9 : i32
      %add3A_745 = arith.addi %mul3A_743, %add3A_744 : i32
      %add3A_746 = arith.constant 10 : i32
      %add3A_747 = arith.addi %add3A_745, %add3A_746 : i32
      %sub3A_748 = arith.constant 1 : i32
      %sub3A_749 = arith.subi %add3A_747, %sub3A_748 : i32
      %ge3A_750 = arith.constant 10 : i32
      %ge3A_751 = arith.cmpi sge, %sub3A_749, %ge3A_750 : i32
      %lt3A_752 = arith.constant 80 : i32
      %lt3A_753 = arith.cmpi slt, %sub3A_749, %lt3A_752 : i32
      %and3A_754 = arith.andi %ge3A_751, %lt3A_753 : i1
      %convert_element_type3A_755 = arith.extui %and3A_754 : i1 to i32
      %cond3A_756 = arith.constant 0 : i32
      %cond3A_757 = arith.cmpi ne, %convert_element_type3A_755, %cond3A_756 : i32
      scf.if %cond3A_757 {
        %dma_wait3A_792 = arith.constant 0 : i32
        %dma_wait3A_793 = arith.constant 8 : i32
        %dma_wait3A_794 = arith.constant 8 : i32
        %dma_wait3A_795 = arith.constant 0 : i32
        %dma_wait3A_796 = arith.constant 0 : i32
        %dma_wait3A_797 = tpu.memref_slice %arg8[%dma_wait3A_793, %dma_wait3A_795, %dma_wait3A_796] : memref<10x125x32xf32, #tpu.memory_space<vmem>> -> memref<1x125x32xf32, #tpu.memory_space<vmem>>
        %dma_wait3A_798 = tpu.memref_squeeze %dma_wait3A_797 : memref<1x125x32xf32, #tpu.memory_space<vmem>> -> memref<125x32xf32, #tpu.memory_space<vmem>>
        %dma_wait3A_799 = arith.constant 0 : i32
        %dma_wait3A_800 = tpu.memref_slice %arg6[%dma_wait3A_792, %dma_wait3A_799] : memref<80x125xi32, #tpu.memory_space<vmem>> -> memref<1x125xi32, #tpu.memory_space<vmem>>
        %dma_wait3A_801 = tpu.memref_squeeze %dma_wait3A_800 : memref<1x125xi32, #tpu.memory_space<vmem>> -> memref<125xi32, #tpu.memory_space<vmem>>
        %dma_wait3A_802 = arith.constant 0 : i32
        %dma_wait3A_803 = arith.constant 0 : i32
        %dma_wait3A_804 = tpu.memref_slice %arg2[%dma_wait3A_802, %dma_wait3A_803] : memref<10000x32xf32, #tpu.memory_space<hbm>> -> memref<10000x32xf32, #tpu.memory_space<hbm>>
        %dma_wait3A_805 = tpu.memref_slice %arg11[%dma_wait3A_794] : memref<10x!tpu.dma_semaphore, #tpu.memory_space<semaphore_mem>> -> memref<1x!tpu.dma_semaphore, #tpu.memory_space<semaphore_mem>>
        %dma_wait3A_806 = tpu.memref_squeeze %dma_wait3A_805 : memref<1x!tpu.dma_semaphore, #tpu.memory_space<semaphore_mem>> -> memref<!tpu.dma_semaphore, #tpu.memory_space<semaphore_mem>>
        tpu.wait_indirect_dma semaphore(%dma_wait3A_806 : memref<!tpu.dma_semaphore, #tpu.memory_space<semaphore_mem>>) src(%dma_wait3A_804 : memref<10000x32xf32, #tpu.memory_space<hbm>>) dst(%dma_wait3A_798 : memref<125x32xf32, #tpu.memory_space<vmem>>)
      } else {
      }
      %lt3A_758 = arith.constant 80 : i32
      %lt3A_759 = arith.cmpi slt, %sub3A_749, %lt3A_758 : i32
      %convert_element_type3A_760 = arith.extui %lt3A_759 : i1 to i32
      %cond3A_761 = arith.constant 0 : i32
      %cond3A_762 = arith.cmpi ne, %convert_element_type3A_760, %cond3A_761 : i32
      scf.if %cond3A_762 {
        %dma_start3A_792 = arith.constant 8 : i32
        %dma_start3A_793 = arith.constant 8 : i32
        %dma_start3A_794 = arith.constant 0 : i32
        %dma_start3A_795 = arith.constant 0 : i32
        %dma_start3A_796 = tpu.memref_slice %arg8[%dma_start3A_792, %dma_start3A_794, %dma_start3A_795] : memref<10x125x32xf32, #tpu.memory_space<vmem>> -> memref<1x125x32xf32, #tpu.memory_space<vmem>>
        %dma_start3A_797 = tpu.memref_squeeze %dma_start3A_796 : memref<1x125x32xf32, #tpu.memory_space<vmem>> -> memref<125x32xf32, #tpu.memory_space<vmem>>
        %dma_start3A_798 = arith.constant 0 : i32
        %dma_start3A_799 = tpu.memref_slice %arg6[%sub3A_749, %dma_start3A_798] : memref<80x125xi32, #tpu.memory_space<vmem>> -> memref<1x125xi32, #tpu.memory_space<vmem>>
        %dma_start3A_800 = tpu.memref_squeeze %dma_start3A_799 : memref<1x125xi32, #tpu.memory_space<vmem>> -> memref<125xi32, #tpu.memory_space<vmem>>
        %dma_start3A_801 = arith.constant 0 : i32
        %dma_start3A_802 = arith.constant 0 : i32
        %dma_start3A_803 = tpu.memref_slice %arg2[%dma_start3A_801, %dma_start3A_802] : memref<10000x32xf32, #tpu.memory_space<hbm>> -> memref<10000x32xf32, #tpu.memory_space<hbm>>
        %dma_start3A_804 = tpu.memref_slice %arg10[%dma_start3A_793] : memref<10x!tpu.dma_semaphore, #tpu.memory_space<semaphore_mem>> -> memref<1x!tpu.dma_semaphore, #tpu.memory_space<semaphore_mem>>
        %dma_start3A_805 = tpu.memref_squeeze %dma_start3A_804 : memref<1x!tpu.dma_semaphore, #tpu.memory_space<semaphore_mem>> -> memref<!tpu.dma_semaphore, #tpu.memory_space<semaphore_mem>>
        tpu.enqueue_indirect_dma source(%dma_start3A_803 : memref<10000x32xf32, #tpu.memory_space<hbm>>) target(%dma_start3A_797 : memref<125x32xf32, #tpu.memory_space<vmem>>) offsets(%dma_start3A_800 : memref<125xi32, #tpu.memory_space<vmem>>) semaphore(%dma_start3A_805 : memref<!tpu.dma_semaphore, #tpu.memory_space<semaphore_mem>>)
      } else {
      }
      %dma_wait3A_763 = arith.constant 0 : i32
      %dma_wait3A_764 = arith.constant 9 : i32
      %dma_wait3A_765 = arith.constant 9 : i32
      %dma_wait3A_766 = arith.constant 0 : i32
      %dma_wait3A_767 = arith.constant 0 : i32
      %dma_wait3A_768 = tpu.memref_slice %arg8[%dma_wait3A_764, %dma_wait3A_766, %dma_wait3A_767] : memref<10x125x32xf32, #tpu.memory_space<vmem>> -> memref<1x125x32xf32, #tpu.memory_space<vmem>>
      %dma_wait3A_769 = tpu.memref_squeeze %dma_wait3A_768 : memref<1x125x32xf32, #tpu.memory_space<vmem>> -> memref<125x32xf32, #tpu.memory_space<vmem>>
      %dma_wait3A_770 = arith.constant 0 : i32
      %dma_wait3A_771 = tpu.memref_slice %arg6[%dma_wait3A_763, %dma_wait3A_770] : memref<80x125xi32, #tpu.memory_space<vmem>> -> memref<1x125xi32, #tpu.memory_space<vmem>>
      %dma_wait3A_772 = tpu.memref_squeeze %dma_wait3A_771 : memref<1x125xi32, #tpu.memory_space<vmem>> -> memref<125xi32, #tpu.memory_space<vmem>>
      %dma_wait3A_773 = arith.constant 0 : i32
      %dma_wait3A_774 = arith.constant 0 : i32
      %dma_wait3A_775 = tpu.memref_slice %arg2[%dma_wait3A_773, %dma_wait3A_774] : memref<10000x32xf32, #tpu.memory_space<hbm>> -> memref<10000x32xf32, #tpu.memory_space<hbm>>
      %dma_wait3A_776 = tpu.memref_slice %arg10[%dma_wait3A_765] : memref<10x!tpu.dma_semaphore, #tpu.memory_space<semaphore_mem>> -> memref<1x!tpu.dma_semaphore, #tpu.memory_space<semaphore_mem>>
      %dma_wait3A_777 = tpu.memref_squeeze %dma_wait3A_776 : memref<1x!tpu.dma_semaphore, #tpu.memory_space<semaphore_mem>> -> memref<!tpu.dma_semaphore, #tpu.memory_space<semaphore_mem>>
      tpu.wait_indirect_dma semaphore(%dma_wait3A_777 : memref<!tpu.dma_semaphore, #tpu.memory_space<semaphore_mem>>) src(%dma_wait3A_775 : memref<10000x32xf32, #tpu.memory_space<hbm>>) dst(%dma_wait3A_769 : memref<125x32xf32, #tpu.memory_space<vmem>>)
      %dma_start3A_778 = arith.constant 9 : i32
      %dma_start3A_779 = arith.constant 9 : i32
      %dma_start3A_780 = arith.constant 0 : i32
      %dma_start3A_781 = arith.constant 0 : i32
      %dma_start3A_782 = tpu.memref_slice %arg8[%dma_start3A_778, %dma_start3A_780, %dma_start3A_781] : memref<10x125x32xf32, #tpu.memory_space<vmem>> -> memref<1x125x32xf32, #tpu.memory_space<vmem>>
      %dma_start3A_783 = tpu.memref_squeeze %dma_start3A_782 : memref<1x125x32xf32, #tpu.memory_space<vmem>> -> memref<125x32xf32, #tpu.memory_space<vmem>>
      %dma_start3A_784 = arith.constant 0 : i32
      %dma_start3A_785 = tpu.memref_slice %arg7[%add3A_745, %dma_start3A_784] : memref<80x125xi32, #tpu.memory_space<vmem>> -> memref<1x125xi32, #tpu.memory_space<vmem>>
      %dma_start3A_786 = tpu.memref_squeeze %dma_start3A_785 : memref<1x125xi32, #tpu.memory_space<vmem>> -> memref<125xi32, #tpu.memory_space<vmem>>
      %dma_start3A_787 = arith.constant 0 : i32
      %dma_start3A_788 = arith.constant 0 : i32
      %dma_start3A_789 = tpu.memref_slice %arg9[%dma_start3A_787, %dma_start3A_788] : memref<10240x32xf32, #tpu.memory_space<vmem_shared>> -> memref<10240x32xf32, #tpu.memory_space<vmem_shared>>
      %dma_start3A_790 = tpu.memref_slice %arg11[%dma_start3A_779] : memref<10x!tpu.dma_semaphore, #tpu.memory_space<semaphore_mem>> -> memref<1x!tpu.dma_semaphore, #tpu.memory_space<semaphore_mem>>
      %dma_start3A_791 = tpu.memref_squeeze %dma_start3A_790 : memref<1x!tpu.dma_semaphore, #tpu.memory_space<semaphore_mem>> -> memref<!tpu.dma_semaphore, #tpu.memory_space<semaphore_mem>>
      tpu.enqueue_indirect_dma source(%dma_start3A_783 : memref<125x32xf32, #tpu.memory_space<vmem>>) target(%dma_start3A_789 : memref<10240x32xf32, #tpu.memory_space<vmem_shared>>) offsets(%dma_start3A_786 : memref<125xi32, #tpu.memory_space<vmem>>) semaphore(%dma_start3A_791 : memref<!tpu.dma_semaphore, #tpu.memory_space<semaphore_mem>>) {add = true}
    }
    %scan3A_142 = arith.constant 8 : i32
    %dma_wait3A = arith.constant 0 : i32
    %dma_wait3A_143 = arith.constant 0 : i32
    %dma_wait3A_144 = arith.constant 0 : i32
    %dma_wait3A_145 = arith.constant 0 : i32
    %dma_wait3A_146 = arith.constant 0 : i32
    %dma_wait3A_147 = tpu.memref_slice %arg8[%dma_wait3A_143, %dma_wait3A_145, %dma_wait3A_146] : memref<10x125x32xf32, #tpu.memory_space<vmem>> -> memref<1x125x32xf32, #tpu.memory_space<vmem>>
    %dma_wait3A_148 = tpu.memref_squeeze %dma_wait3A_147 : memref<1x125x32xf32, #tpu.memory_space<vmem>> -> memref<125x32xf32, #tpu.memory_space<vmem>>
    %dma_wait3A_149 = arith.constant 0 : i32
    %dma_wait3A_150 = tpu.memref_slice %arg6[%dma_wait3A, %dma_wait3A_149] : memref<80x125xi32, #tpu.memory_space<vmem>> -> memref<1x125xi32, #tpu.memory_space<vmem>>
    %dma_wait3A_151 = tpu.memref_squeeze %dma_wait3A_150 : memref<1x125xi32, #tpu.memory_space<vmem>> -> memref<125xi32, #tpu.memory_space<vmem>>
    %dma_wait3A_152 = arith.constant 0 : i32
    %dma_wait3A_153 = arith.constant 0 : i32
    %dma_wait3A_154 = tpu.memref_slice %arg2[%dma_wait3A_152, %dma_wait3A_153] : memref<10000x32xf32, #tpu.memory_space<hbm>> -> memref<10000x32xf32, #tpu.memory_space<hbm>>
    %dma_wait3A_155 = tpu.memref_slice %arg11[%dma_wait3A_144] : memref<10x!tpu.dma_semaphore, #tpu.memory_space<semaphore_mem>> -> memref<1x!tpu.dma_semaphore, #tpu.memory_space<semaphore_mem>>
    %dma_wait3A_156 = tpu.memref_squeeze %dma_wait3A_155 : memref<1x!tpu.dma_semaphore, #tpu.memory_space<semaphore_mem>> -> memref<!tpu.dma_semaphore, #tpu.memory_space<semaphore_mem>>
    tpu.wait_indirect_dma semaphore(%dma_wait3A_156 : memref<!tpu.dma_semaphore, #tpu.memory_space<semaphore_mem>>) src(%dma_wait3A_154 : memref<10000x32xf32, #tpu.memory_space<hbm>>) dst(%dma_wait3A_148 : memref<125x32xf32, #tpu.memory_space<vmem>>)
    %dma_wait3A_157 = arith.constant 0 : i32
    %dma_wait3A_158 = arith.constant 1 : i32
    %dma_wait3A_159 = arith.constant 1 : i32
    %dma_wait3A_160 = arith.constant 0 : i32
    %dma_wait3A_161 = arith.constant 0 : i32
    %dma_wait3A_162 = tpu.memref_slice %arg8[%dma_wait3A_158, %dma_wait3A_160, %dma_wait3A_161] : memref<10x125x32xf32, #tpu.memory_space<vmem>> -> memref<1x125x32xf32, #tpu.memory_space<vmem>>
    %dma_wait3A_163 = tpu.memref_squeeze %dma_wait3A_162 : memref<1x125x32xf32, #tpu.memory_space<vmem>> -> memref<125x32xf32, #tpu.memory_space<vmem>>
    %dma_wait3A_164 = arith.constant 0 : i32
    %dma_wait3A_165 = tpu.memref_slice %arg6[%dma_wait3A_157, %dma_wait3A_164] : memref<80x125xi32, #tpu.memory_space<vmem>> -> memref<1x125xi32, #tpu.memory_space<vmem>>
    %dma_wait3A_166 = tpu.memref_squeeze %dma_wait3A_165 : memref<1x125xi32, #tpu.memory_space<vmem>> -> memref<125xi32, #tpu.memory_space<vmem>>
    %dma_wait3A_167 = arith.constant 0 : i32
    %dma_wait3A_168 = arith.constant 0 : i32
    %dma_wait3A_169 = tpu.memref_slice %arg2[%dma_wait3A_167, %dma_wait3A_168] : memref<10000x32xf32, #tpu.memory_space<hbm>> -> memref<10000x32xf32, #tpu.memory_space<hbm>>
    %dma_wait3A_170 = tpu.memref_slice %arg11[%dma_wait3A_159] : memref<10x!tpu.dma_semaphore, #tpu.memory_space<semaphore_mem>> -> memref<1x!tpu.dma_semaphore, #tpu.memory_space<semaphore_mem>>
    %dma_wait3A_171 = tpu.memref_squeeze %dma_wait3A_170 : memref<1x!tpu.dma_semaphore, #tpu.memory_space<semaphore_mem>> -> memref<!tpu.dma_semaphore, #tpu.memory_space<semaphore_mem>>
    tpu.wait_indirect_dma semaphore(%dma_wait3A_171 : memref<!tpu.dma_semaphore, #tpu.memory_space<semaphore_mem>>) src(%dma_wait3A_169 : memref<10000x32xf32, #tpu.memory_space<hbm>>) dst(%dma_wait3A_163 : memref<125x32xf32, #tpu.memory_space<vmem>>)
    %dma_wait3A_172 = arith.constant 0 : i32
    %dma_wait3A_173 = arith.constant 2 : i32
    %dma_wait3A_174 = arith.constant 2 : i32
    %dma_wait3A_175 = arith.constant 0 : i32
    %dma_wait3A_176 = arith.constant 0 : i32
    %dma_wait3A_177 = tpu.memref_slice %arg8[%dma_wait3A_173, %dma_wait3A_175, %dma_wait3A_176] : memref<10x125x32xf32, #tpu.memory_space<vmem>> -> memref<1x125x32xf32, #tpu.memory_space<vmem>>
    %dma_wait3A_178 = tpu.memref_squeeze %dma_wait3A_177 : memref<1x125x32xf32, #tpu.memory_space<vmem>> -> memref<125x32xf32, #tpu.memory_space<vmem>>
    %dma_wait3A_179 = arith.constant 0 : i32
    %dma_wait3A_180 = tpu.memref_slice %arg6[%dma_wait3A_172, %dma_wait3A_179] : memref<80x125xi32, #tpu.memory_space<vmem>> -> memref<1x125xi32, #tpu.memory_space<vmem>>
    %dma_wait3A_181 = tpu.memref_squeeze %dma_wait3A_180 : memref<1x125xi32, #tpu.memory_space<vmem>> -> memref<125xi32, #tpu.memory_space<vmem>>
    %dma_wait3A_182 = arith.constant 0 : i32
    %dma_wait3A_183 = arith.constant 0 : i32
    %dma_wait3A_184 = tpu.memref_slice %arg2[%dma_wait3A_182, %dma_wait3A_183] : memref<10000x32xf32, #tpu.memory_space<hbm>> -> memref<10000x32xf32, #tpu.memory_space<hbm>>
    %dma_wait3A_185 = tpu.memref_slice %arg11[%dma_wait3A_174] : memref<10x!tpu.dma_semaphore, #tpu.memory_space<semaphore_mem>> -> memref<1x!tpu.dma_semaphore, #tpu.memory_space<semaphore_mem>>
    %dma_wait3A_186 = tpu.memref_squeeze %dma_wait3A_185 : memref<1x!tpu.dma_semaphore, #tpu.memory_space<semaphore_mem>> -> memref<!tpu.dma_semaphore, #tpu.memory_space<semaphore_mem>>
    tpu.wait_indirect_dma semaphore(%dma_wait3A_186 : memref<!tpu.dma_semaphore, #tpu.memory_space<semaphore_mem>>) src(%dma_wait3A_184 : memref<10000x32xf32, #tpu.memory_space<hbm>>) dst(%dma_wait3A_178 : memref<125x32xf32, #tpu.memory_space<vmem>>)
    %dma_wait3A_187 = arith.constant 0 : i32
    %dma_wait3A_188 = arith.constant 3 : i32
    %dma_wait3A_189 = arith.constant 3 : i32
    %dma_wait3A_190 = arith.constant 0 : i32
    %dma_wait3A_191 = arith.constant 0 : i32
    %dma_wait3A_192 = tpu.memref_slice %arg8[%dma_wait3A_188, %dma_wait3A_190, %dma_wait3A_191] : memref<10x125x32xf32, #tpu.memory_space<vmem>> -> memref<1x125x32xf32, #tpu.memory_space<vmem>>
    %dma_wait3A_193 = tpu.memref_squeeze %dma_wait3A_192 : memref<1x125x32xf32, #tpu.memory_space<vmem>> -> memref<125x32xf32, #tpu.memory_space<vmem>>
    %dma_wait3A_194 = arith.constant 0 : i32
    %dma_wait3A_195 = tpu.memref_slice %arg6[%dma_wait3A_187, %dma_wait3A_194] : memref<80x125xi32, #tpu.memory_space<vmem>> -> memref<1x125xi32, #tpu.memory_space<vmem>>
    %dma_wait3A_196 = tpu.memref_squeeze %dma_wait3A_195 : memref<1x125xi32, #tpu.memory_space<vmem>> -> memref<125xi32, #tpu.memory_space<vmem>>
    %dma_wait3A_197 = arith.constant 0 : i32
    %dma_wait3A_198 = arith.constant 0 : i32
    %dma_wait3A_199 = tpu.memref_slice %arg2[%dma_wait3A_197, %dma_wait3A_198] : memref<10000x32xf32, #tpu.memory_space<hbm>> -> memref<10000x32xf32, #tpu.memory_space<hbm>>
    %dma_wait3A_200 = tpu.memref_slice %arg11[%dma_wait3A_189] : memref<10x!tpu.dma_semaphore, #tpu.memory_space<semaphore_mem>> -> memref<1x!tpu.dma_semaphore, #tpu.memory_space<semaphore_mem>>
    %dma_wait3A_201 = tpu.memref_squeeze %dma_wait3A_200 : memref<1x!tpu.dma_semaphore, #tpu.memory_space<semaphore_mem>> -> memref<!tpu.dma_semaphore, #tpu.memory_space<semaphore_mem>>
    tpu.wait_indirect_dma semaphore(%dma_wait3A_201 : memref<!tpu.dma_semaphore, #tpu.memory_space<semaphore_mem>>) src(%dma_wait3A_199 : memref<10000x32xf32, #tpu.memory_space<hbm>>) dst(%dma_wait3A_193 : memref<125x32xf32, #tpu.memory_space<vmem>>)
    %dma_wait3A_202 = arith.constant 0 : i32
    %dma_wait3A_203 = arith.constant 4 : i32
    %dma_wait3A_204 = arith.constant 4 : i32
    %dma_wait3A_205 = arith.constant 0 : i32
    %dma_wait3A_206 = arith.constant 0 : i32
    %dma_wait3A_207 = tpu.memref_slice %arg8[%dma_wait3A_203, %dma_wait3A_205, %dma_wait3A_206] : memref<10x125x32xf32, #tpu.memory_space<vmem>> -> memref<1x125x32xf32, #tpu.memory_space<vmem>>
    %dma_wait3A_208 = tpu.memref_squeeze %dma_wait3A_207 : memref<1x125x32xf32, #tpu.memory_space<vmem>> -> memref<125x32xf32, #tpu.memory_space<vmem>>
    %dma_wait3A_209 = arith.constant 0 : i32
    %dma_wait3A_210 = tpu.memref_slice %arg6[%dma_wait3A_202, %dma_wait3A_209] : memref<80x125xi32, #tpu.memory_space<vmem>> -> memref<1x125xi32, #tpu.memory_space<vmem>>
    %dma_wait3A_211 = tpu.memref_squeeze %dma_wait3A_210 : memref<1x125xi32, #tpu.memory_space<vmem>> -> memref<125xi32, #tpu.memory_space<vmem>>
    %dma_wait3A_212 = arith.constant 0 : i32
    %dma_wait3A_213 = arith.constant 0 : i32
    %dma_wait3A_214 = tpu.memref_slice %arg2[%dma_wait3A_212, %dma_wait3A_213] : memref<10000x32xf32, #tpu.memory_space<hbm>> -> memref<10000x32xf32, #tpu.memory_space<hbm>>
    %dma_wait3A_215 = tpu.memref_slice %arg11[%dma_wait3A_204] : memref<10x!tpu.dma_semaphore, #tpu.memory_space<semaphore_mem>> -> memref<1x!tpu.dma_semaphore, #tpu.memory_space<semaphore_mem>>
    %dma_wait3A_216 = tpu.memref_squeeze %dma_wait3A_215 : memref<1x!tpu.dma_semaphore, #tpu.memory_space<semaphore_mem>> -> memref<!tpu.dma_semaphore, #tpu.memory_space<semaphore_mem>>
    tpu.wait_indirect_dma semaphore(%dma_wait3A_216 : memref<!tpu.dma_semaphore, #tpu.memory_space<semaphore_mem>>) src(%dma_wait3A_214 : memref<10000x32xf32, #tpu.memory_space<hbm>>) dst(%dma_wait3A_208 : memref<125x32xf32, #tpu.memory_space<vmem>>)
    %dma_wait3A_217 = arith.constant 0 : i32
    %dma_wait3A_218 = arith.constant 5 : i32
    %dma_wait3A_219 = arith.constant 5 : i32
    %dma_wait3A_220 = arith.constant 0 : i32
    %dma_wait3A_221 = arith.constant 0 : i32
    %dma_wait3A_222 = tpu.memref_slice %arg8[%dma_wait3A_218, %dma_wait3A_220, %dma_wait3A_221] : memref<10x125x32xf32, #tpu.memory_space<vmem>> -> memref<1x125x32xf32, #tpu.memory_space<vmem>>
    %dma_wait3A_223 = tpu.memref_squeeze %dma_wait3A_222 : memref<1x125x32xf32, #tpu.memory_space<vmem>> -> memref<125x32xf32, #tpu.memory_space<vmem>>
    %dma_wait3A_224 = arith.constant 0 : i32
    %dma_wait3A_225 = tpu.memref_slice %arg6[%dma_wait3A_217, %dma_wait3A_224] : memref<80x125xi32, #tpu.memory_space<vmem>> -> memref<1x125xi32, #tpu.memory_space<vmem>>
    %dma_wait3A_226 = tpu.memref_squeeze %dma_wait3A_225 : memref<1x125xi32, #tpu.memory_space<vmem>> -> memref<125xi32, #tpu.memory_space<vmem>>
    %dma_wait3A_227 = arith.constant 0 : i32
    %dma_wait3A_228 = arith.constant 0 : i32
    %dma_wait3A_229 = tpu.memref_slice %arg2[%dma_wait3A_227, %dma_wait3A_228] : memref<10000x32xf32, #tpu.memory_space<hbm>> -> memref<10000x32xf32, #tpu.memory_space<hbm>>
    %dma_wait3A_230 = tpu.memref_slice %arg11[%dma_wait3A_219] : memref<10x!tpu.dma_semaphore, #tpu.memory_space<semaphore_mem>> -> memref<1x!tpu.dma_semaphore, #tpu.memory_space<semaphore_mem>>
    %dma_wait3A_231 = tpu.memref_squeeze %dma_wait3A_230 : memref<1x!tpu.dma_semaphore, #tpu.memory_space<semaphore_mem>> -> memref<!tpu.dma_semaphore, #tpu.memory_space<semaphore_mem>>
    tpu.wait_indirect_dma semaphore(%dma_wait3A_231 : memref<!tpu.dma_semaphore, #tpu.memory_space<semaphore_mem>>) src(%dma_wait3A_229 : memref<10000x32xf32, #tpu.memory_space<hbm>>) dst(%dma_wait3A_223 : memref<125x32xf32, #tpu.memory_space<vmem>>)
    %dma_wait3A_232 = arith.constant 0 : i32
    %dma_wait3A_233 = arith.constant 6 : i32
    %dma_wait3A_234 = arith.constant 6 : i32
    %dma_wait3A_235 = arith.constant 0 : i32
    %dma_wait3A_236 = arith.constant 0 : i32
    %dma_wait3A_237 = tpu.memref_slice %arg8[%dma_wait3A_233, %dma_wait3A_235, %dma_wait3A_236] : memref<10x125x32xf32, #tpu.memory_space<vmem>> -> memref<1x125x32xf32, #tpu.memory_space<vmem>>
    %dma_wait3A_238 = tpu.memref_squeeze %dma_wait3A_237 : memref<1x125x32xf32, #tpu.memory_space<vmem>> -> memref<125x32xf32, #tpu.memory_space<vmem>>
    %dma_wait3A_239 = arith.constant 0 : i32
    %dma_wait3A_240 = tpu.memref_slice %arg6[%dma_wait3A_232, %dma_wait3A_239] : memref<80x125xi32, #tpu.memory_space<vmem>> -> memref<1x125xi32, #tpu.memory_space<vmem>>
    %dma_wait3A_241 = tpu.memref_squeeze %dma_wait3A_240 : memref<1x125xi32, #tpu.memory_space<vmem>> -> memref<125xi32, #tpu.memory_space<vmem>>
    %dma_wait3A_242 = arith.constant 0 : i32
    %dma_wait3A_243 = arith.constant 0 : i32
    %dma_wait3A_244 = tpu.memref_slice %arg2[%dma_wait3A_242, %dma_wait3A_243] : memref<10000x32xf32, #tpu.memory_space<hbm>> -> memref<10000x32xf32, #tpu.memory_space<hbm>>
    %dma_wait3A_245 = tpu.memref_slice %arg11[%dma_wait3A_234] : memref<10x!tpu.dma_semaphore, #tpu.memory_space<semaphore_mem>> -> memref<1x!tpu.dma_semaphore, #tpu.memory_space<semaphore_mem>>
    %dma_wait3A_246 = tpu.memref_squeeze %dma_wait3A_245 : memref<1x!tpu.dma_semaphore, #tpu.memory_space<semaphore_mem>> -> memref<!tpu.dma_semaphore, #tpu.memory_space<semaphore_mem>>
    tpu.wait_indirect_dma semaphore(%dma_wait3A_246 : memref<!tpu.dma_semaphore, #tpu.memory_space<semaphore_mem>>) src(%dma_wait3A_244 : memref<10000x32xf32, #tpu.memory_space<hbm>>) dst(%dma_wait3A_238 : memref<125x32xf32, #tpu.memory_space<vmem>>)
    %dma_wait3A_247 = arith.constant 0 : i32
    %dma_wait3A_248 = arith.constant 7 : i32
    %dma_wait3A_249 = arith.constant 7 : i32
    %dma_wait3A_250 = arith.constant 0 : i32
    %dma_wait3A_251 = arith.constant 0 : i32
    %dma_wait3A_252 = tpu.memref_slice %arg8[%dma_wait3A_248, %dma_wait3A_250, %dma_wait3A_251] : memref<10x125x32xf32, #tpu.memory_space<vmem>> -> memref<1x125x32xf32, #tpu.memory_space<vmem>>
    %dma_wait3A_253 = tpu.memref_squeeze %dma_wait3A_252 : memref<1x125x32xf32, #tpu.memory_space<vmem>> -> memref<125x32xf32, #tpu.memory_space<vmem>>
    %dma_wait3A_254 = arith.constant 0 : i32
    %dma_wait3A_255 = tpu.memref_slice %arg6[%dma_wait3A_247, %dma_wait3A_254] : memref<80x125xi32, #tpu.memory_space<vmem>> -> memref<1x125xi32, #tpu.memory_space<vmem>>
    %dma_wait3A_256 = tpu.memref_squeeze %dma_wait3A_255 : memref<1x125xi32, #tpu.memory_space<vmem>> -> memref<125xi32, #tpu.memory_space<vmem>>
    %dma_wait3A_257 = arith.constant 0 : i32
    %dma_wait3A_258 = arith.constant 0 : i32
    %dma_wait3A_259 = tpu.memref_slice %arg2[%dma_wait3A_257, %dma_wait3A_258] : memref<10000x32xf32, #tpu.memory_space<hbm>> -> memref<10000x32xf32, #tpu.memory_space<hbm>>
    %dma_wait3A_260 = tpu.memref_slice %arg11[%dma_wait3A_249] : memref<10x!tpu.dma_semaphore, #tpu.memory_space<semaphore_mem>> -> memref<1x!tpu.dma_semaphore, #tpu.memory_space<semaphore_mem>>
    %dma_wait3A_261 = tpu.memref_squeeze %dma_wait3A_260 : memref<1x!tpu.dma_semaphore, #tpu.memory_space<semaphore_mem>> -> memref<!tpu.dma_semaphore, #tpu.memory_space<semaphore_mem>>
    tpu.wait_indirect_dma semaphore(%dma_wait3A_261 : memref<!tpu.dma_semaphore, #tpu.memory_space<semaphore_mem>>) src(%dma_wait3A_259 : memref<10000x32xf32, #tpu.memory_space<hbm>>) dst(%dma_wait3A_253 : memref<125x32xf32, #tpu.memory_space<vmem>>)
    %dma_wait3A_262 = arith.constant 0 : i32
    %dma_wait3A_263 = arith.constant 8 : i32
    %dma_wait3A_264 = arith.constant 8 : i32
    %dma_wait3A_265 = arith.constant 0 : i32
    %dma_wait3A_266 = arith.constant 0 : i32
    %dma_wait3A_267 = tpu.memref_slice %arg8[%dma_wait3A_263, %dma_wait3A_265, %dma_wait3A_266] : memref<10x125x32xf32, #tpu.memory_space<vmem>> -> memref<1x125x32xf32, #tpu.memory_space<vmem>>
    %dma_wait3A_268 = tpu.memref_squeeze %dma_wait3A_267 : memref<1x125x32xf32, #tpu.memory_space<vmem>> -> memref<125x32xf32, #tpu.memory_space<vmem>>
    %dma_wait3A_269 = arith.constant 0 : i32
    %dma_wait3A_270 = tpu.memref_slice %arg6[%dma_wait3A_262, %dma_wait3A_269] : memref<80x125xi32, #tpu.memory_space<vmem>> -> memref<1x125xi32, #tpu.memory_space<vmem>>
    %dma_wait3A_271 = tpu.memref_squeeze %dma_wait3A_270 : memref<1x125xi32, #tpu.memory_space<vmem>> -> memref<125xi32, #tpu.memory_space<vmem>>
    %dma_wait3A_272 = arith.constant 0 : i32
    %dma_wait3A_273 = arith.constant 0 : i32
    %dma_wait3A_274 = tpu.memref_slice %arg2[%dma_wait3A_272, %dma_wait3A_273] : memref<10000x32xf32, #tpu.memory_space<hbm>> -> memref<10000x32xf32, #tpu.memory_space<hbm>>
    %dma_wait3A_275 = tpu.memref_slice %arg11[%dma_wait3A_264] : memref<10x!tpu.dma_semaphore, #tpu.memory_space<semaphore_mem>> -> memref<1x!tpu.dma_semaphore, #tpu.memory_space<semaphore_mem>>
    %dma_wait3A_276 = tpu.memref_squeeze %dma_wait3A_275 : memref<1x!tpu.dma_semaphore, #tpu.memory_space<semaphore_mem>> -> memref<!tpu.dma_semaphore, #tpu.memory_space<semaphore_mem>>
    tpu.wait_indirect_dma semaphore(%dma_wait3A_276 : memref<!tpu.dma_semaphore, #tpu.memory_space<semaphore_mem>>) src(%dma_wait3A_274 : memref<10000x32xf32, #tpu.memory_space<hbm>>) dst(%dma_wait3A_268 : memref<125x32xf32, #tpu.memory_space<vmem>>)
    %dma_wait3A_277 = arith.constant 0 : i32
    %dma_wait3A_278 = arith.constant 9 : i32
    %dma_wait3A_279 = arith.constant 9 : i32
    %dma_wait3A_280 = arith.constant 0 : i32
    %dma_wait3A_281 = arith.constant 0 : i32
    %dma_wait3A_282 = tpu.memref_slice %arg8[%dma_wait3A_278, %dma_wait3A_280, %dma_wait3A_281] : memref<10x125x32xf32, #tpu.memory_space<vmem>> -> memref<1x125x32xf32, #tpu.memory_space<vmem>>
    %dma_wait3A_283 = tpu.memref_squeeze %dma_wait3A_282 : memref<1x125x32xf32, #tpu.memory_space<vmem>> -> memref<125x32xf32, #tpu.memory_space<vmem>>
    %dma_wait3A_284 = arith.constant 0 : i32
    %dma_wait3A_285 = tpu.memref_slice %arg6[%dma_wait3A_277, %dma_wait3A_284] : memref<80x125xi32, #tpu.memory_space<vmem>> -> memref<1x125xi32, #tpu.memory_space<vmem>>
    %dma_wait3A_286 = tpu.memref_squeeze %dma_wait3A_285 : memref<1x125xi32, #tpu.memory_space<vmem>> -> memref<125xi32, #tpu.memory_space<vmem>>
    %dma_wait3A_287 = arith.constant 0 : i32
    %dma_wait3A_288 = arith.constant 0 : i32
    %dma_wait3A_289 = tpu.memref_slice %arg2[%dma_wait3A_287, %dma_wait3A_288] : memref<10000x32xf32, #tpu.memory_space<hbm>> -> memref<10000x32xf32, #tpu.memory_space<hbm>>
    %dma_wait3A_290 = tpu.memref_slice %arg11[%dma_wait3A_279] : memref<10x!tpu.dma_semaphore, #tpu.memory_space<semaphore_mem>> -> memref<1x!tpu.dma_semaphore, #tpu.memory_space<semaphore_mem>>
    %dma_wait3A_291 = tpu.memref_squeeze %dma_wait3A_290 : memref<1x!tpu.dma_semaphore, #tpu.memory_space<semaphore_mem>> -> memref<!tpu.dma_semaphore, #tpu.memory_space<semaphore_mem>>
    tpu.wait_indirect_dma semaphore(%dma_wait3A_291 : memref<!tpu.dma_semaphore, #tpu.memory_space<semaphore_mem>>) src(%dma_wait3A_289 : memref<10000x32xf32, #tpu.memory_space<hbm>>) dst(%dma_wait3A_283 : memref<125x32xf32, #tpu.memory_space<vmem>>)
    %barrier3A_292 = arith.constant 0 : index
    tpu.barrier barrier_id(%barrier3A_292)
    %mul3A_293 = arith.constant 640 : i32
    %mul3A_294 = arith.muli %arg1, %mul3A_293 : i32
    %mul3A_295 = arith.constant 640 : i32
    %mul3A_296 = arith.muli %arg1, %mul3A_295 : i32
    "tpu.region"() ({
      %run_scoped3A_297 = tpu.sem_alloc : memref<!tpu.dma_semaphore, #tpu.memory_space<semaphore_mem>>
      %dma_start3A_298 = arith.constant 0 : i32
      %dma_start3A_299 = tpu.memref_slice %arg5[%arg0, %mul3A_296, %dma_start3A_298] : memref<2x10240x128xf32, #tpu.memory_space<hbm>> -> memref<1x640x32xf32, #tpu.memory_space<hbm>>
      %dma_start3A_300 = tpu.memref_squeeze %dma_start3A_299 : memref<1x640x32xf32, #tpu.memory_space<hbm>> -> memref<640x32xf32, #tpu.memory_space<hbm>>
      %dma_start3A_301 = arith.constant 0 : i32
      %dma_start3A_302 = tpu.memref_slice %arg9[%mul3A_294, %dma_start3A_301] : memref<10240x32xf32, #tpu.memory_space<vmem_shared>> -> memref<640x32xf32, #tpu.memory_space<vmem_shared>>
      tpu.enqueue_dma source(%dma_start3A_302 : memref<640x32xf32, #tpu.memory_space<vmem_shared>>) target(%dma_start3A_300 : memref<640x32xf32, #tpu.memory_space<hbm>>) target_semaphore(%run_scoped3A_297 : memref<!tpu.dma_semaphore, #tpu.memory_space<semaphore_mem>>)
      %dma_wait3A_303 = arith.constant 0 : i32
      %dma_wait3A_304 = tpu.memref_slice %arg5[%arg0, %mul3A_296, %dma_wait3A_303] : memref<2x10240x128xf32, #tpu.memory_space<hbm>> -> memref<1x640x32xf32, #tpu.memory_space<hbm>>
      %dma_wait3A_305 = tpu.memref_squeeze %dma_wait3A_304 : memref<1x640x32xf32, #tpu.memory_space<hbm>> -> memref<640x32xf32, #tpu.memory_space<hbm>>
      %dma_wait3A_306 = arith.constant 0 : i32
      %dma_wait3A_307 = tpu.memref_slice %arg9[%mul3A_294, %dma_wait3A_306] : memref<10240x32xf32, #tpu.memory_space<vmem_shared>> -> memref<640x32xf32, #tpu.memory_space<vmem_shared>>
      tpu.wait_dma2 semaphore(%run_scoped3A_297 : memref<!tpu.dma_semaphore, #tpu.memory_space<semaphore_mem>>) src(%dma_wait3A_307 : memref<640x32xf32, #tpu.memory_space<vmem_shared>>) dst(%dma_wait3A_305 : memref<640x32xf32, #tpu.memory_space<hbm>>)
      tpu.yield
    }) : () -> ()
    return
  }
}

#map = affine_map<(d0, d1) -> (0, 0)>
#map1 = affine_map<(d0, d1) -> (0, 0, 0, 0)>
#map2 = affine_map<(d0, d1) -> (0, 0, 0)>
module attributes {stable_mosaic.version = 14 : i64} {
  func.func @seg(%arg0: i32, %arg1: i32, %arg2: memref<10000x80xf32, #tpu.memory_space<hbm>>, %arg3: memref<2x32x80x125xi32, #tpu.memory_space<hbm>>, %arg4: memref<640x80xf32, #tpu.memory_space<hbm>>, %arg5: memref<2x10240x128xf32, #tpu.memory_space<hbm>>, %arg6: memref<80x125xi32, #tpu.memory_space<vmem>>, %arg7: memref<80x125xi32, #tpu.memory_space<vmem>>, %arg8: memref<5x125x80xf32, #tpu.memory_space<vmem>>, %arg9: memref<10240x80xf32, #tpu.memory_space<vmem_shared>>, %arg10: memref<5x!tpu.dma_semaphore, #tpu.memory_space<semaphore_mem>>, %arg11: memref<5x!tpu.dma_semaphore, #tpu.memory_space<semaphore_mem>>) attributes {dimension_semantics = [#tpu.dimension_semantics<core_parallel>, #tpu.dimension_semantics<subcore_parallel>], iteration_bounds = array<i64: 2, 16>, scalar_prefetch = 0 : i64, scratch_operands = 6 : i64, tpu.core_type = #tpu.core_type<sc_vector_subcore>, window_params = [{transform_indices = #map}, {transform_indices = #map1}, {transform_indices = #map}, {transform_indices = #map2}]} {
    %mul3A = arith.constant 16 : i32
    %mul3A_0 = arith.muli %arg0, %mul3A : i32
    %add3A = arith.addi %mul3A_0, %arg1 : i32
    %run_scoped3A = arith.constant 0 : i32
    "tpu.region"() ({
      %run_scoped3A_147 = tpu.sem_alloc : memref<!tpu.dma_semaphore, #tpu.memory_space<semaphore_mem>>
      %dma_start3A_148 = arith.constant 0 : i32
      %dma_start3A_149 = arith.constant 0 : i32
      %dma_start3A_150 = tpu.memref_slice %arg3[%run_scoped3A, %add3A, %dma_start3A_148, %dma_start3A_149] : memref<2x32x80x125xi32, #tpu.memory_space<hbm>> -> memref<1x1x80x125xi32, #tpu.memory_space<hbm>>
      %dma_start3A_151 = tpu.memref_squeeze %dma_start3A_150 : memref<1x1x80x125xi32, #tpu.memory_space<hbm>> -> memref<80x125xi32, #tpu.memory_space<hbm>>
      %dma_start3A_152 = arith.constant 0 : i32
      %dma_start3A_153 = arith.constant 0 : i32
      %dma_start3A_154 = tpu.memref_slice %arg3[%run_scoped3A, %add3A, %dma_start3A_152, %dma_start3A_153] : memref<2x32x80x125xi32, #tpu.memory_space<hbm>> -> memref<1x1x80x125xi32, #tpu.memory_space<hbm>>
      %dma_start3A_155 = tpu.memref_squeeze %dma_start3A_154 : memref<1x1x80x125xi32, #tpu.memory_space<hbm>> -> memref<80x125xi32, #tpu.memory_space<hbm>>
      tpu.enqueue_dma source(%dma_start3A_155 : memref<80x125xi32, #tpu.memory_space<hbm>>) target(%arg6 : memref<80x125xi32, #tpu.memory_space<vmem>>) target_semaphore(%run_scoped3A_147 : memref<!tpu.dma_semaphore, #tpu.memory_space<semaphore_mem>>)
      %dma_wait3A_156 = arith.constant 0 : i32
      %dma_wait3A_157 = arith.constant 0 : i32
      %dma_wait3A_158 = tpu.memref_slice %arg3[%run_scoped3A, %add3A, %dma_wait3A_156, %dma_wait3A_157] : memref<2x32x80x125xi32, #tpu.memory_space<hbm>> -> memref<1x1x80x125xi32, #tpu.memory_space<hbm>>
      %dma_wait3A_159 = tpu.memref_squeeze %dma_wait3A_158 : memref<1x1x80x125xi32, #tpu.memory_space<hbm>> -> memref<80x125xi32, #tpu.memory_space<hbm>>
      %dma_wait3A_160 = arith.constant 0 : i32
      %dma_wait3A_161 = arith.constant 0 : i32
      %dma_wait3A_162 = tpu.memref_slice %arg3[%run_scoped3A, %add3A, %dma_wait3A_160, %dma_wait3A_161] : memref<2x32x80x125xi32, #tpu.memory_space<hbm>> -> memref<1x1x80x125xi32, #tpu.memory_space<hbm>>
      %dma_wait3A_163 = tpu.memref_squeeze %dma_wait3A_162 : memref<1x1x80x125xi32, #tpu.memory_space<hbm>> -> memref<80x125xi32, #tpu.memory_space<hbm>>
      tpu.wait_dma2 semaphore(%run_scoped3A_147 : memref<!tpu.dma_semaphore, #tpu.memory_space<semaphore_mem>>) src(%dma_wait3A_163 : memref<80x125xi32, #tpu.memory_space<hbm>>) dst(%arg6 : memref<80x125xi32, #tpu.memory_space<vmem>>)
      tpu.yield
    }) : () -> ()
    %run_scoped3A_1 = arith.constant 1 : i32
    "tpu.region"() ({
      %run_scoped3A_147 = tpu.sem_alloc : memref<!tpu.dma_semaphore, #tpu.memory_space<semaphore_mem>>
      %dma_start3A_148 = arith.constant 0 : i32
      %dma_start3A_149 = arith.constant 0 : i32
      %dma_start3A_150 = tpu.memref_slice %arg3[%run_scoped3A_1, %add3A, %dma_start3A_148, %dma_start3A_149] : memref<2x32x80x125xi32, #tpu.memory_space<hbm>> -> memref<1x1x80x125xi32, #tpu.memory_space<hbm>>
      %dma_start3A_151 = tpu.memref_squeeze %dma_start3A_150 : memref<1x1x80x125xi32, #tpu.memory_space<hbm>> -> memref<80x125xi32, #tpu.memory_space<hbm>>
      %dma_start3A_152 = arith.constant 0 : i32
      %dma_start3A_153 = arith.constant 0 : i32
      %dma_start3A_154 = tpu.memref_slice %arg3[%run_scoped3A_1, %add3A, %dma_start3A_152, %dma_start3A_153] : memref<2x32x80x125xi32, #tpu.memory_space<hbm>> -> memref<1x1x80x125xi32, #tpu.memory_space<hbm>>
      %dma_start3A_155 = tpu.memref_squeeze %dma_start3A_154 : memref<1x1x80x125xi32, #tpu.memory_space<hbm>> -> memref<80x125xi32, #tpu.memory_space<hbm>>
      tpu.enqueue_dma source(%dma_start3A_155 : memref<80x125xi32, #tpu.memory_space<hbm>>) target(%arg7 : memref<80x125xi32, #tpu.memory_space<vmem>>) target_semaphore(%run_scoped3A_147 : memref<!tpu.dma_semaphore, #tpu.memory_space<semaphore_mem>>)
      %dma_wait3A_156 = arith.constant 0 : i32
      %dma_wait3A_157 = arith.constant 0 : i32
      %dma_wait3A_158 = tpu.memref_slice %arg3[%run_scoped3A_1, %add3A, %dma_wait3A_156, %dma_wait3A_157] : memref<2x32x80x125xi32, #tpu.memory_space<hbm>> -> memref<1x1x80x125xi32, #tpu.memory_space<hbm>>
      %dma_wait3A_159 = tpu.memref_squeeze %dma_wait3A_158 : memref<1x1x80x125xi32, #tpu.memory_space<hbm>> -> memref<80x125xi32, #tpu.memory_space<hbm>>
      %dma_wait3A_160 = arith.constant 0 : i32
      %dma_wait3A_161 = arith.constant 0 : i32
      %dma_wait3A_162 = tpu.memref_slice %arg3[%run_scoped3A_1, %add3A, %dma_wait3A_160, %dma_wait3A_161] : memref<2x32x80x125xi32, #tpu.memory_space<hbm>> -> memref<1x1x80x125xi32, #tpu.memory_space<hbm>>
      %dma_wait3A_163 = tpu.memref_squeeze %dma_wait3A_162 : memref<1x1x80x125xi32, #tpu.memory_space<hbm>> -> memref<80x125xi32, #tpu.memory_space<hbm>>
      tpu.wait_dma2 semaphore(%run_scoped3A_147 : memref<!tpu.dma_semaphore, #tpu.memory_space<semaphore_mem>>) src(%dma_wait3A_163 : memref<80x125xi32, #tpu.memory_space<hbm>>) dst(%arg7 : memref<80x125xi32, #tpu.memory_space<vmem>>)
      tpu.yield
    }) : () -> ()
    %mul3A_2 = arith.constant 640 : i32
    %mul3A_3 = arith.muli %arg1, %mul3A_2 : i32
    "tpu.region"() ({
      %run_scoped3A_147 = tpu.sem_alloc : memref<!tpu.dma_semaphore, #tpu.memory_space<semaphore_mem>>
      %dma_start3A_148 = arith.constant 0 : i32
      %dma_start3A_149 = tpu.memref_slice %arg9[%mul3A_3, %dma_start3A_148] : memref<10240x80xf32, #tpu.memory_space<vmem_shared>> -> memref<640x80xf32, #tpu.memory_space<vmem_shared>>
      tpu.enqueue_dma source(%arg4 : memref<640x80xf32, #tpu.memory_space<hbm>>) target(%dma_start3A_149 : memref<640x80xf32, #tpu.memory_space<vmem_shared>>) target_semaphore(%run_scoped3A_147 : memref<!tpu.dma_semaphore, #tpu.memory_space<semaphore_mem>>)
      %dma_wait3A_150 = arith.constant 0 : i32
      %dma_wait3A_151 = tpu.memref_slice %arg9[%mul3A_3, %dma_wait3A_150] : memref<10240x80xf32, #tpu.memory_space<vmem_shared>> -> memref<640x80xf32, #tpu.memory_space<vmem_shared>>
      tpu.wait_dma2 semaphore(%run_scoped3A_147 : memref<!tpu.dma_semaphore, #tpu.memory_space<semaphore_mem>>) src(%arg4 : memref<640x80xf32, #tpu.memory_space<hbm>>) dst(%dma_wait3A_151 : memref<640x80xf32, #tpu.memory_space<vmem_shared>>)
      tpu.yield
    }) : () -> ()
    %dma_start3A = arith.constant 0 : i32
    %dma_start3A_4 = arith.constant 0 : i32
    %dma_start3A_5 = arith.constant 0 : i32
    %dma_start3A_6 = arith.constant 0 : i32
    %dma_start3A_7 = arith.constant 0 : i32
    %dma_start3A_8 = tpu.memref_slice %arg8[%dma_start3A_4, %dma_start3A_6, %dma_start3A_7] : memref<5x125x80xf32, #tpu.memory_space<vmem>> -> memref<1x125x80xf32, #tpu.memory_space<vmem>>
    %dma_start3A_9 = tpu.memref_squeeze %dma_start3A_8 : memref<1x125x80xf32, #tpu.memory_space<vmem>> -> memref<125x80xf32, #tpu.memory_space<vmem>>
    %dma_start3A_10 = arith.constant 0 : i32
    %dma_start3A_11 = tpu.memref_slice %arg6[%dma_start3A, %dma_start3A_10] : memref<80x125xi32, #tpu.memory_space<vmem>> -> memref<1x125xi32, #tpu.memory_space<vmem>>
    %dma_start3A_12 = tpu.memref_squeeze %dma_start3A_11 : memref<1x125xi32, #tpu.memory_space<vmem>> -> memref<125xi32, #tpu.memory_space<vmem>>
    %dma_start3A_13 = arith.constant 0 : i32
    %dma_start3A_14 = arith.constant 0 : i32
    %dma_start3A_15 = tpu.memref_slice %arg2[%dma_start3A_13, %dma_start3A_14] : memref<10000x80xf32, #tpu.memory_space<hbm>> -> memref<10000x80xf32, #tpu.memory_space<hbm>>
    %dma_start3A_16 = tpu.memref_slice %arg10[%dma_start3A_5] : memref<5x!tpu.dma_semaphore, #tpu.memory_space<semaphore_mem>> -> memref<1x!tpu.dma_semaphore, #tpu.memory_space<semaphore_mem>>
    %dma_start3A_17 = tpu.memref_squeeze %dma_start3A_16 : memref<1x!tpu.dma_semaphore, #tpu.memory_space<semaphore_mem>> -> memref<!tpu.dma_semaphore, #tpu.memory_space<semaphore_mem>>
    tpu.enqueue_indirect_dma source(%dma_start3A_15 : memref<10000x80xf32, #tpu.memory_space<hbm>>) target(%dma_start3A_9 : memref<125x80xf32, #tpu.memory_space<vmem>>) offsets(%dma_start3A_12 : memref<125xi32, #tpu.memory_space<vmem>>) semaphore(%dma_start3A_17 : memref<!tpu.dma_semaphore, #tpu.memory_space<semaphore_mem>>)
    %dma_start3A_18 = arith.constant 1 : i32
    %dma_start3A_19 = arith.constant 1 : i32
    %dma_start3A_20 = arith.constant 1 : i32
    %dma_start3A_21 = arith.constant 0 : i32
    %dma_start3A_22 = arith.constant 0 : i32
    %dma_start3A_23 = tpu.memref_slice %arg8[%dma_start3A_19, %dma_start3A_21, %dma_start3A_22] : memref<5x125x80xf32, #tpu.memory_space<vmem>> -> memref<1x125x80xf32, #tpu.memory_space<vmem>>
    %dma_start3A_24 = tpu.memref_squeeze %dma_start3A_23 : memref<1x125x80xf32, #tpu.memory_space<vmem>> -> memref<125x80xf32, #tpu.memory_space<vmem>>
    %dma_start3A_25 = arith.constant 0 : i32
    %dma_start3A_26 = tpu.memref_slice %arg6[%dma_start3A_18, %dma_start3A_25] : memref<80x125xi32, #tpu.memory_space<vmem>> -> memref<1x125xi32, #tpu.memory_space<vmem>>
    %dma_start3A_27 = tpu.memref_squeeze %dma_start3A_26 : memref<1x125xi32, #tpu.memory_space<vmem>> -> memref<125xi32, #tpu.memory_space<vmem>>
    %dma_start3A_28 = arith.constant 0 : i32
    %dma_start3A_29 = arith.constant 0 : i32
    %dma_start3A_30 = tpu.memref_slice %arg2[%dma_start3A_28, %dma_start3A_29] : memref<10000x80xf32, #tpu.memory_space<hbm>> -> memref<10000x80xf32, #tpu.memory_space<hbm>>
    %dma_start3A_31 = tpu.memref_slice %arg10[%dma_start3A_20] : memref<5x!tpu.dma_semaphore, #tpu.memory_space<semaphore_mem>> -> memref<1x!tpu.dma_semaphore, #tpu.memory_space<semaphore_mem>>
    %dma_start3A_32 = tpu.memref_squeeze %dma_start3A_31 : memref<1x!tpu.dma_semaphore, #tpu.memory_space<semaphore_mem>> -> memref<!tpu.dma_semaphore, #tpu.memory_space<semaphore_mem>>
    tpu.enqueue_indirect_dma source(%dma_start3A_30 : memref<10000x80xf32, #tpu.memory_space<hbm>>) target(%dma_start3A_24 : memref<125x80xf32, #tpu.memory_space<vmem>>) offsets(%dma_start3A_27 : memref<125xi32, #tpu.memory_space<vmem>>) semaphore(%dma_start3A_32 : memref<!tpu.dma_semaphore, #tpu.memory_space<semaphore_mem>>)
    %dma_start3A_33 = arith.constant 2 : i32
    %dma_start3A_34 = arith.constant 2 : i32
    %dma_start3A_35 = arith.constant 2 : i32
    %dma_start3A_36 = arith.constant 0 : i32
    %dma_start3A_37 = arith.constant 0 : i32
    %dma_start3A_38 = tpu.memref_slice %arg8[%dma_start3A_34, %dma_start3A_36, %dma_start3A_37] : memref<5x125x80xf32, #tpu.memory_space<vmem>> -> memref<1x125x80xf32, #tpu.memory_space<vmem>>
    %dma_start3A_39 = tpu.memref_squeeze %dma_start3A_38 : memref<1x125x80xf32, #tpu.memory_space<vmem>> -> memref<125x80xf32, #tpu.memory_space<vmem>>
    %dma_start3A_40 = arith.constant 0 : i32
    %dma_start3A_41 = tpu.memref_slice %arg6[%dma_start3A_33, %dma_start3A_40] : memref<80x125xi32, #tpu.memory_space<vmem>> -> memref<1x125xi32, #tpu.memory_space<vmem>>
    %dma_start3A_42 = tpu.memref_squeeze %dma_start3A_41 : memref<1x125xi32, #tpu.memory_space<vmem>> -> memref<125xi32, #tpu.memory_space<vmem>>
    %dma_start3A_43 = arith.constant 0 : i32
    %dma_start3A_44 = arith.constant 0 : i32
    %dma_start3A_45 = tpu.memref_slice %arg2[%dma_start3A_43, %dma_start3A_44] : memref<10000x80xf32, #tpu.memory_space<hbm>> -> memref<10000x80xf32, #tpu.memory_space<hbm>>
    %dma_start3A_46 = tpu.memref_slice %arg10[%dma_start3A_35] : memref<5x!tpu.dma_semaphore, #tpu.memory_space<semaphore_mem>> -> memref<1x!tpu.dma_semaphore, #tpu.memory_space<semaphore_mem>>
    %dma_start3A_47 = tpu.memref_squeeze %dma_start3A_46 : memref<1x!tpu.dma_semaphore, #tpu.memory_space<semaphore_mem>> -> memref<!tpu.dma_semaphore, #tpu.memory_space<semaphore_mem>>
    tpu.enqueue_indirect_dma source(%dma_start3A_45 : memref<10000x80xf32, #tpu.memory_space<hbm>>) target(%dma_start3A_39 : memref<125x80xf32, #tpu.memory_space<vmem>>) offsets(%dma_start3A_42 : memref<125xi32, #tpu.memory_space<vmem>>) semaphore(%dma_start3A_47 : memref<!tpu.dma_semaphore, #tpu.memory_space<semaphore_mem>>)
    %dma_start3A_48 = arith.constant 3 : i32
    %dma_start3A_49 = arith.constant 3 : i32
    %dma_start3A_50 = arith.constant 3 : i32
    %dma_start3A_51 = arith.constant 0 : i32
    %dma_start3A_52 = arith.constant 0 : i32
    %dma_start3A_53 = tpu.memref_slice %arg8[%dma_start3A_49, %dma_start3A_51, %dma_start3A_52] : memref<5x125x80xf32, #tpu.memory_space<vmem>> -> memref<1x125x80xf32, #tpu.memory_space<vmem>>
    %dma_start3A_54 = tpu.memref_squeeze %dma_start3A_53 : memref<1x125x80xf32, #tpu.memory_space<vmem>> -> memref<125x80xf32, #tpu.memory_space<vmem>>
    %dma_start3A_55 = arith.constant 0 : i32
    %dma_start3A_56 = tpu.memref_slice %arg6[%dma_start3A_48, %dma_start3A_55] : memref<80x125xi32, #tpu.memory_space<vmem>> -> memref<1x125xi32, #tpu.memory_space<vmem>>
    %dma_start3A_57 = tpu.memref_squeeze %dma_start3A_56 : memref<1x125xi32, #tpu.memory_space<vmem>> -> memref<125xi32, #tpu.memory_space<vmem>>
    %dma_start3A_58 = arith.constant 0 : i32
    %dma_start3A_59 = arith.constant 0 : i32
    %dma_start3A_60 = tpu.memref_slice %arg2[%dma_start3A_58, %dma_start3A_59] : memref<10000x80xf32, #tpu.memory_space<hbm>> -> memref<10000x80xf32, #tpu.memory_space<hbm>>
    %dma_start3A_61 = tpu.memref_slice %arg10[%dma_start3A_50] : memref<5x!tpu.dma_semaphore, #tpu.memory_space<semaphore_mem>> -> memref<1x!tpu.dma_semaphore, #tpu.memory_space<semaphore_mem>>
    %dma_start3A_62 = tpu.memref_squeeze %dma_start3A_61 : memref<1x!tpu.dma_semaphore, #tpu.memory_space<semaphore_mem>> -> memref<!tpu.dma_semaphore, #tpu.memory_space<semaphore_mem>>
    tpu.enqueue_indirect_dma source(%dma_start3A_60 : memref<10000x80xf32, #tpu.memory_space<hbm>>) target(%dma_start3A_54 : memref<125x80xf32, #tpu.memory_space<vmem>>) offsets(%dma_start3A_57 : memref<125xi32, #tpu.memory_space<vmem>>) semaphore(%dma_start3A_62 : memref<!tpu.dma_semaphore, #tpu.memory_space<semaphore_mem>>)
    %barrier3A = arith.constant 0 : index
    tpu.barrier barrier_id(%barrier3A)
    %scan3A = arith.constant 0 : i32
    %scan3A_63 = arith.constant 0 : i32
    %scan3A_64 = arith.constant 16 : i32
    %scan3A_65 = arith.addi %scan3A_63, %scan3A_64 : i32
    %scan3A_66 = arith.constant 1 : i32
    scf.for %scan3A_147 = %scan3A_63 to %scan3A_65 step %scan3A_66  : i32 {
      %mul3A_148 = arith.constant 5 : i32
      %mul3A_149 = arith.muli %scan3A_147, %mul3A_148 : i32
      %add3A_150 = arith.constant 0 : i32
      %add3A_151 = arith.addi %mul3A_149, %add3A_150 : i32
      %add3A_152 = arith.constant 5 : i32
      %add3A_153 = arith.addi %add3A_151, %add3A_152 : i32
      %sub3A = arith.constant 1 : i32
      %sub3A_154 = arith.subi %add3A_153, %sub3A : i32
      %ge3A = arith.constant 5 : i32
      %ge3A_155 = arith.cmpi sge, %sub3A_154, %ge3A : i32
      %lt3A = arith.constant 80 : i32
      %lt3A_156 = arith.cmpi slt, %sub3A_154, %lt3A : i32
      %and3A = arith.andi %ge3A_155, %lt3A_156 : i1
      %convert_element_type3A = arith.extui %and3A : i1 to i32
      %cond3A = arith.constant 0 : i32
      %cond3A_157 = arith.cmpi ne, %convert_element_type3A, %cond3A : i32
      scf.if %cond3A_157 {
        %dma_wait3A_392 = arith.constant 0 : i32
        %dma_wait3A_393 = arith.constant 4 : i32
        %dma_wait3A_394 = arith.constant 4 : i32
        %dma_wait3A_395 = arith.constant 0 : i32
        %dma_wait3A_396 = arith.constant 0 : i32
        %dma_wait3A_397 = tpu.memref_slice %arg8[%dma_wait3A_393, %dma_wait3A_395, %dma_wait3A_396] : memref<5x125x80xf32, #tpu.memory_space<vmem>> -> memref<1x125x80xf32, #tpu.memory_space<vmem>>
        %dma_wait3A_398 = tpu.memref_squeeze %dma_wait3A_397 : memref<1x125x80xf32, #tpu.memory_space<vmem>> -> memref<125x80xf32, #tpu.memory_space<vmem>>
        %dma_wait3A_399 = arith.constant 0 : i32
        %dma_wait3A_400 = tpu.memref_slice %arg6[%dma_wait3A_392, %dma_wait3A_399] : memref<80x125xi32, #tpu.memory_space<vmem>> -> memref<1x125xi32, #tpu.memory_space<vmem>>
        %dma_wait3A_401 = tpu.memref_squeeze %dma_wait3A_400 : memref<1x125xi32, #tpu.memory_space<vmem>> -> memref<125xi32, #tpu.memory_space<vmem>>
        %dma_wait3A_402 = arith.constant 0 : i32
        %dma_wait3A_403 = arith.constant 0 : i32
        %dma_wait3A_404 = tpu.memref_slice %arg2[%dma_wait3A_402, %dma_wait3A_403] : memref<10000x80xf32, #tpu.memory_space<hbm>> -> memref<10000x80xf32, #tpu.memory_space<hbm>>
        %dma_wait3A_405 = tpu.memref_slice %arg11[%dma_wait3A_394] : memref<5x!tpu.dma_semaphore, #tpu.memory_space<semaphore_mem>> -> memref<1x!tpu.dma_semaphore, #tpu.memory_space<semaphore_mem>>
        %dma_wait3A_406 = tpu.memref_squeeze %dma_wait3A_405 : memref<1x!tpu.dma_semaphore, #tpu.memory_space<semaphore_mem>> -> memref<!tpu.dma_semaphore, #tpu.memory_space<semaphore_mem>>
        tpu.wait_indirect_dma semaphore(%dma_wait3A_406 : memref<!tpu.dma_semaphore, #tpu.memory_space<semaphore_mem>>) src(%dma_wait3A_404 : memref<10000x80xf32, #tpu.memory_space<hbm>>) dst(%dma_wait3A_398 : memref<125x80xf32, #tpu.memory_space<vmem>>)
      } else {
      }
      %lt3A_158 = arith.constant 80 : i32
      %lt3A_159 = arith.cmpi slt, %sub3A_154, %lt3A_158 : i32
      %convert_element_type3A_160 = arith.extui %lt3A_159 : i1 to i32
      %cond3A_161 = arith.constant 0 : i32
      %cond3A_162 = arith.cmpi ne, %convert_element_type3A_160, %cond3A_161 : i32
      scf.if %cond3A_162 {
        %dma_start3A_392 = arith.constant 4 : i32
        %dma_start3A_393 = arith.constant 4 : i32
        %dma_start3A_394 = arith.constant 0 : i32
        %dma_start3A_395 = arith.constant 0 : i32
        %dma_start3A_396 = tpu.memref_slice %arg8[%dma_start3A_392, %dma_start3A_394, %dma_start3A_395] : memref<5x125x80xf32, #tpu.memory_space<vmem>> -> memref<1x125x80xf32, #tpu.memory_space<vmem>>
        %dma_start3A_397 = tpu.memref_squeeze %dma_start3A_396 : memref<1x125x80xf32, #tpu.memory_space<vmem>> -> memref<125x80xf32, #tpu.memory_space<vmem>>
        %dma_start3A_398 = arith.constant 0 : i32
        %dma_start3A_399 = tpu.memref_slice %arg6[%sub3A_154, %dma_start3A_398] : memref<80x125xi32, #tpu.memory_space<vmem>> -> memref<1x125xi32, #tpu.memory_space<vmem>>
        %dma_start3A_400 = tpu.memref_squeeze %dma_start3A_399 : memref<1x125xi32, #tpu.memory_space<vmem>> -> memref<125xi32, #tpu.memory_space<vmem>>
        %dma_start3A_401 = arith.constant 0 : i32
        %dma_start3A_402 = arith.constant 0 : i32
        %dma_start3A_403 = tpu.memref_slice %arg2[%dma_start3A_401, %dma_start3A_402] : memref<10000x80xf32, #tpu.memory_space<hbm>> -> memref<10000x80xf32, #tpu.memory_space<hbm>>
        %dma_start3A_404 = tpu.memref_slice %arg10[%dma_start3A_393] : memref<5x!tpu.dma_semaphore, #tpu.memory_space<semaphore_mem>> -> memref<1x!tpu.dma_semaphore, #tpu.memory_space<semaphore_mem>>
        %dma_start3A_405 = tpu.memref_squeeze %dma_start3A_404 : memref<1x!tpu.dma_semaphore, #tpu.memory_space<semaphore_mem>> -> memref<!tpu.dma_semaphore, #tpu.memory_space<semaphore_mem>>
        tpu.enqueue_indirect_dma source(%dma_start3A_403 : memref<10000x80xf32, #tpu.memory_space<hbm>>) target(%dma_start3A_397 : memref<125x80xf32, #tpu.memory_space<vmem>>) offsets(%dma_start3A_400 : memref<125xi32, #tpu.memory_space<vmem>>) semaphore(%dma_start3A_405 : memref<!tpu.dma_semaphore, #tpu.memory_space<semaphore_mem>>)
      } else {
      }
      %dma_wait3A_163 = arith.constant 0 : i32
      %dma_wait3A_164 = arith.constant 0 : i32
      %dma_wait3A_165 = arith.constant 0 : i32
      %dma_wait3A_166 = arith.constant 0 : i32
      %dma_wait3A_167 = arith.constant 0 : i32
      %dma_wait3A_168 = tpu.memref_slice %arg8[%dma_wait3A_164, %dma_wait3A_166, %dma_wait3A_167] : memref<5x125x80xf32, #tpu.memory_space<vmem>> -> memref<1x125x80xf32, #tpu.memory_space<vmem>>
      %dma_wait3A_169 = tpu.memref_squeeze %dma_wait3A_168 : memref<1x125x80xf32, #tpu.memory_space<vmem>> -> memref<125x80xf32, #tpu.memory_space<vmem>>
      %dma_wait3A_170 = arith.constant 0 : i32
      %dma_wait3A_171 = tpu.memref_slice %arg6[%dma_wait3A_163, %dma_wait3A_170] : memref<80x125xi32, #tpu.memory_space<vmem>> -> memref<1x125xi32, #tpu.memory_space<vmem>>
      %dma_wait3A_172 = tpu.memref_squeeze %dma_wait3A_171 : memref<1x125xi32, #tpu.memory_space<vmem>> -> memref<125xi32, #tpu.memory_space<vmem>>
      %dma_wait3A_173 = arith.constant 0 : i32
      %dma_wait3A_174 = arith.constant 0 : i32
      %dma_wait3A_175 = tpu.memref_slice %arg2[%dma_wait3A_173, %dma_wait3A_174] : memref<10000x80xf32, #tpu.memory_space<hbm>> -> memref<10000x80xf32, #tpu.memory_space<hbm>>
      %dma_wait3A_176 = tpu.memref_slice %arg10[%dma_wait3A_165] : memref<5x!tpu.dma_semaphore, #tpu.memory_space<semaphore_mem>> -> memref<1x!tpu.dma_semaphore, #tpu.memory_space<semaphore_mem>>
      %dma_wait3A_177 = tpu.memref_squeeze %dma_wait3A_176 : memref<1x!tpu.dma_semaphore, #tpu.memory_space<semaphore_mem>> -> memref<!tpu.dma_semaphore, #tpu.memory_space<semaphore_mem>>
      tpu.wait_indirect_dma semaphore(%dma_wait3A_177 : memref<!tpu.dma_semaphore, #tpu.memory_space<semaphore_mem>>) src(%dma_wait3A_175 : memref<10000x80xf32, #tpu.memory_space<hbm>>) dst(%dma_wait3A_169 : memref<125x80xf32, #tpu.memory_space<vmem>>)
      %dma_start3A_178 = arith.constant 0 : i32
      %dma_start3A_179 = arith.constant 0 : i32
      %dma_start3A_180 = arith.constant 0 : i32
      %dma_start3A_181 = arith.constant 0 : i32
      %dma_start3A_182 = tpu.memref_slice %arg8[%dma_start3A_178, %dma_start3A_180, %dma_start3A_181] : memref<5x125x80xf32, #tpu.memory_space<vmem>> -> memref<1x125x80xf32, #tpu.memory_space<vmem>>
      %dma_start3A_183 = tpu.memref_squeeze %dma_start3A_182 : memref<1x125x80xf32, #tpu.memory_space<vmem>> -> memref<125x80xf32, #tpu.memory_space<vmem>>
      %dma_start3A_184 = arith.constant 0 : i32
      %dma_start3A_185 = tpu.memref_slice %arg7[%add3A_151, %dma_start3A_184] : memref<80x125xi32, #tpu.memory_space<vmem>> -> memref<1x125xi32, #tpu.memory_space<vmem>>
      %dma_start3A_186 = tpu.memref_squeeze %dma_start3A_185 : memref<1x125xi32, #tpu.memory_space<vmem>> -> memref<125xi32, #tpu.memory_space<vmem>>
      %dma_start3A_187 = arith.constant 0 : i32
      %dma_start3A_188 = arith.constant 0 : i32
      %dma_start3A_189 = tpu.memref_slice %arg9[%dma_start3A_187, %dma_start3A_188] : memref<10240x80xf32, #tpu.memory_space<vmem_shared>> -> memref<10240x80xf32, #tpu.memory_space<vmem_shared>>
      %dma_start3A_190 = tpu.memref_slice %arg11[%dma_start3A_179] : memref<5x!tpu.dma_semaphore, #tpu.memory_space<semaphore_mem>> -> memref<1x!tpu.dma_semaphore, #tpu.memory_space<semaphore_mem>>
      %dma_start3A_191 = tpu.memref_squeeze %dma_start3A_190 : memref<1x!tpu.dma_semaphore, #tpu.memory_space<semaphore_mem>> -> memref<!tpu.dma_semaphore, #tpu.memory_space<semaphore_mem>>
      tpu.enqueue_indirect_dma source(%dma_start3A_183 : memref<125x80xf32, #tpu.memory_space<vmem>>) target(%dma_start3A_189 : memref<10240x80xf32, #tpu.memory_space<vmem_shared>>) offsets(%dma_start3A_186 : memref<125xi32, #tpu.memory_space<vmem>>) semaphore(%dma_start3A_191 : memref<!tpu.dma_semaphore, #tpu.memory_space<semaphore_mem>>) {add = true}
      %mul3A_192 = arith.constant 5 : i32
      %mul3A_193 = arith.muli %scan3A_147, %mul3A_192 : i32
      %add3A_194 = arith.constant 1 : i32
      %add3A_195 = arith.addi %mul3A_193, %add3A_194 : i32
      %add3A_196 = arith.constant 5 : i32
      %add3A_197 = arith.addi %add3A_195, %add3A_196 : i32
      %sub3A_198 = arith.constant 1 : i32
      %sub3A_199 = arith.subi %add3A_197, %sub3A_198 : i32
      %ge3A_200 = arith.constant 5 : i32
      %ge3A_201 = arith.cmpi sge, %sub3A_199, %ge3A_200 : i32
      %lt3A_202 = arith.constant 80 : i32
      %lt3A_203 = arith.cmpi slt, %sub3A_199, %lt3A_202 : i32
      %and3A_204 = arith.andi %ge3A_201, %lt3A_203 : i1
      %convert_element_type3A_205 = arith.extui %and3A_204 : i1 to i32
      %cond3A_206 = arith.constant 0 : i32
      %cond3A_207 = arith.cmpi ne, %convert_element_type3A_205, %cond3A_206 : i32
      scf.if %cond3A_207 {
        %dma_wait3A_392 = arith.constant 0 : i32
        %dma_wait3A_393 = arith.constant 0 : i32
        %dma_wait3A_394 = arith.constant 0 : i32
        %dma_wait3A_395 = arith.constant 0 : i32
        %dma_wait3A_396 = arith.constant 0 : i32
        %dma_wait3A_397 = tpu.memref_slice %arg8[%dma_wait3A_393, %dma_wait3A_395, %dma_wait3A_396] : memref<5x125x80xf32, #tpu.memory_space<vmem>> -> memref<1x125x80xf32, #tpu.memory_space<vmem>>
        %dma_wait3A_398 = tpu.memref_squeeze %dma_wait3A_397 : memref<1x125x80xf32, #tpu.memory_space<vmem>> -> memref<125x80xf32, #tpu.memory_space<vmem>>
        %dma_wait3A_399 = arith.constant 0 : i32
        %dma_wait3A_400 = tpu.memref_slice %arg6[%dma_wait3A_392, %dma_wait3A_399] : memref<80x125xi32, #tpu.memory_space<vmem>> -> memref<1x125xi32, #tpu.memory_space<vmem>>
        %dma_wait3A_401 = tpu.memref_squeeze %dma_wait3A_400 : memref<1x125xi32, #tpu.memory_space<vmem>> -> memref<125xi32, #tpu.memory_space<vmem>>
        %dma_wait3A_402 = arith.constant 0 : i32
        %dma_wait3A_403 = arith.constant 0 : i32
        %dma_wait3A_404 = tpu.memref_slice %arg2[%dma_wait3A_402, %dma_wait3A_403] : memref<10000x80xf32, #tpu.memory_space<hbm>> -> memref<10000x80xf32, #tpu.memory_space<hbm>>
        %dma_wait3A_405 = tpu.memref_slice %arg11[%dma_wait3A_394] : memref<5x!tpu.dma_semaphore, #tpu.memory_space<semaphore_mem>> -> memref<1x!tpu.dma_semaphore, #tpu.memory_space<semaphore_mem>>
        %dma_wait3A_406 = tpu.memref_squeeze %dma_wait3A_405 : memref<1x!tpu.dma_semaphore, #tpu.memory_space<semaphore_mem>> -> memref<!tpu.dma_semaphore, #tpu.memory_space<semaphore_mem>>
        tpu.wait_indirect_dma semaphore(%dma_wait3A_406 : memref<!tpu.dma_semaphore, #tpu.memory_space<semaphore_mem>>) src(%dma_wait3A_404 : memref<10000x80xf32, #tpu.memory_space<hbm>>) dst(%dma_wait3A_398 : memref<125x80xf32, #tpu.memory_space<vmem>>)
      } else {
      }
      %lt3A_208 = arith.constant 80 : i32
      %lt3A_209 = arith.cmpi slt, %sub3A_199, %lt3A_208 : i32
      %convert_element_type3A_210 = arith.extui %lt3A_209 : i1 to i32
      %cond3A_211 = arith.constant 0 : i32
      %cond3A_212 = arith.cmpi ne, %convert_element_type3A_210, %cond3A_211 : i32
      scf.if %cond3A_212 {
        %dma_start3A_392 = arith.constant 0 : i32
        %dma_start3A_393 = arith.constant 0 : i32
        %dma_start3A_394 = arith.constant 0 : i32
        %dma_start3A_395 = arith.constant 0 : i32
        %dma_start3A_396 = tpu.memref_slice %arg8[%dma_start3A_392, %dma_start3A_394, %dma_start3A_395] : memref<5x125x80xf32, #tpu.memory_space<vmem>> -> memref<1x125x80xf32, #tpu.memory_space<vmem>>
        %dma_start3A_397 = tpu.memref_squeeze %dma_start3A_396 : memref<1x125x80xf32, #tpu.memory_space<vmem>> -> memref<125x80xf32, #tpu.memory_space<vmem>>
        %dma_start3A_398 = arith.constant 0 : i32
        %dma_start3A_399 = tpu.memref_slice %arg6[%sub3A_199, %dma_start3A_398] : memref<80x125xi32, #tpu.memory_space<vmem>> -> memref<1x125xi32, #tpu.memory_space<vmem>>
        %dma_start3A_400 = tpu.memref_squeeze %dma_start3A_399 : memref<1x125xi32, #tpu.memory_space<vmem>> -> memref<125xi32, #tpu.memory_space<vmem>>
        %dma_start3A_401 = arith.constant 0 : i32
        %dma_start3A_402 = arith.constant 0 : i32
        %dma_start3A_403 = tpu.memref_slice %arg2[%dma_start3A_401, %dma_start3A_402] : memref<10000x80xf32, #tpu.memory_space<hbm>> -> memref<10000x80xf32, #tpu.memory_space<hbm>>
        %dma_start3A_404 = tpu.memref_slice %arg10[%dma_start3A_393] : memref<5x!tpu.dma_semaphore, #tpu.memory_space<semaphore_mem>> -> memref<1x!tpu.dma_semaphore, #tpu.memory_space<semaphore_mem>>
        %dma_start3A_405 = tpu.memref_squeeze %dma_start3A_404 : memref<1x!tpu.dma_semaphore, #tpu.memory_space<semaphore_mem>> -> memref<!tpu.dma_semaphore, #tpu.memory_space<semaphore_mem>>
        tpu.enqueue_indirect_dma source(%dma_start3A_403 : memref<10000x80xf32, #tpu.memory_space<hbm>>) target(%dma_start3A_397 : memref<125x80xf32, #tpu.memory_space<vmem>>) offsets(%dma_start3A_400 : memref<125xi32, #tpu.memory_space<vmem>>) semaphore(%dma_start3A_405 : memref<!tpu.dma_semaphore, #tpu.memory_space<semaphore_mem>>)
      } else {
      }
      %dma_wait3A_213 = arith.constant 0 : i32
      %dma_wait3A_214 = arith.constant 1 : i32
      %dma_wait3A_215 = arith.constant 1 : i32
      %dma_wait3A_216 = arith.constant 0 : i32
      %dma_wait3A_217 = arith.constant 0 : i32
      %dma_wait3A_218 = tpu.memref_slice %arg8[%dma_wait3A_214, %dma_wait3A_216, %dma_wait3A_217] : memref<5x125x80xf32, #tpu.memory_space<vmem>> -> memref<1x125x80xf32, #tpu.memory_space<vmem>>
      %dma_wait3A_219 = tpu.memref_squeeze %dma_wait3A_218 : memref<1x125x80xf32, #tpu.memory_space<vmem>> -> memref<125x80xf32, #tpu.memory_space<vmem>>
      %dma_wait3A_220 = arith.constant 0 : i32
      %dma_wait3A_221 = tpu.memref_slice %arg6[%dma_wait3A_213, %dma_wait3A_220] : memref<80x125xi32, #tpu.memory_space<vmem>> -> memref<1x125xi32, #tpu.memory_space<vmem>>
      %dma_wait3A_222 = tpu.memref_squeeze %dma_wait3A_221 : memref<1x125xi32, #tpu.memory_space<vmem>> -> memref<125xi32, #tpu.memory_space<vmem>>
      %dma_wait3A_223 = arith.constant 0 : i32
      %dma_wait3A_224 = arith.constant 0 : i32
      %dma_wait3A_225 = tpu.memref_slice %arg2[%dma_wait3A_223, %dma_wait3A_224] : memref<10000x80xf32, #tpu.memory_space<hbm>> -> memref<10000x80xf32, #tpu.memory_space<hbm>>
      %dma_wait3A_226 = tpu.memref_slice %arg10[%dma_wait3A_215] : memref<5x!tpu.dma_semaphore, #tpu.memory_space<semaphore_mem>> -> memref<1x!tpu.dma_semaphore, #tpu.memory_space<semaphore_mem>>
      %dma_wait3A_227 = tpu.memref_squeeze %dma_wait3A_226 : memref<1x!tpu.dma_semaphore, #tpu.memory_space<semaphore_mem>> -> memref<!tpu.dma_semaphore, #tpu.memory_space<semaphore_mem>>
      tpu.wait_indirect_dma semaphore(%dma_wait3A_227 : memref<!tpu.dma_semaphore, #tpu.memory_space<semaphore_mem>>) src(%dma_wait3A_225 : memref<10000x80xf32, #tpu.memory_space<hbm>>) dst(%dma_wait3A_219 : memref<125x80xf32, #tpu.memory_space<vmem>>)
      %dma_start3A_228 = arith.constant 1 : i32
      %dma_start3A_229 = arith.constant 1 : i32
      %dma_start3A_230 = arith.constant 0 : i32
      %dma_start3A_231 = arith.constant 0 : i32
      %dma_start3A_232 = tpu.memref_slice %arg8[%dma_start3A_228, %dma_start3A_230, %dma_start3A_231] : memref<5x125x80xf32, #tpu.memory_space<vmem>> -> memref<1x125x80xf32, #tpu.memory_space<vmem>>
      %dma_start3A_233 = tpu.memref_squeeze %dma_start3A_232 : memref<1x125x80xf32, #tpu.memory_space<vmem>> -> memref<125x80xf32, #tpu.memory_space<vmem>>
      %dma_start3A_234 = arith.constant 0 : i32
      %dma_start3A_235 = tpu.memref_slice %arg7[%add3A_195, %dma_start3A_234] : memref<80x125xi32, #tpu.memory_space<vmem>> -> memref<1x125xi32, #tpu.memory_space<vmem>>
      %dma_start3A_236 = tpu.memref_squeeze %dma_start3A_235 : memref<1x125xi32, #tpu.memory_space<vmem>> -> memref<125xi32, #tpu.memory_space<vmem>>
      %dma_start3A_237 = arith.constant 0 : i32
      %dma_start3A_238 = arith.constant 0 : i32
      %dma_start3A_239 = tpu.memref_slice %arg9[%dma_start3A_237, %dma_start3A_238] : memref<10240x80xf32, #tpu.memory_space<vmem_shared>> -> memref<10240x80xf32, #tpu.memory_space<vmem_shared>>
      %dma_start3A_240 = tpu.memref_slice %arg11[%dma_start3A_229] : memref<5x!tpu.dma_semaphore, #tpu.memory_space<semaphore_mem>> -> memref<1x!tpu.dma_semaphore, #tpu.memory_space<semaphore_mem>>
      %dma_start3A_241 = tpu.memref_squeeze %dma_start3A_240 : memref<1x!tpu.dma_semaphore, #tpu.memory_space<semaphore_mem>> -> memref<!tpu.dma_semaphore, #tpu.memory_space<semaphore_mem>>
      tpu.enqueue_indirect_dma source(%dma_start3A_233 : memref<125x80xf32, #tpu.memory_space<vmem>>) target(%dma_start3A_239 : memref<10240x80xf32, #tpu.memory_space<vmem_shared>>) offsets(%dma_start3A_236 : memref<125xi32, #tpu.memory_space<vmem>>) semaphore(%dma_start3A_241 : memref<!tpu.dma_semaphore, #tpu.memory_space<semaphore_mem>>) {add = true}
      %mul3A_242 = arith.constant 5 : i32
      %mul3A_243 = arith.muli %scan3A_147, %mul3A_242 : i32
      %add3A_244 = arith.constant 2 : i32
      %add3A_245 = arith.addi %mul3A_243, %add3A_244 : i32
      %add3A_246 = arith.constant 5 : i32
      %add3A_247 = arith.addi %add3A_245, %add3A_246 : i32
      %sub3A_248 = arith.constant 1 : i32
      %sub3A_249 = arith.subi %add3A_247, %sub3A_248 : i32
      %ge3A_250 = arith.constant 5 : i32
      %ge3A_251 = arith.cmpi sge, %sub3A_249, %ge3A_250 : i32
      %lt3A_252 = arith.constant 80 : i32
      %lt3A_253 = arith.cmpi slt, %sub3A_249, %lt3A_252 : i32
      %and3A_254 = arith.andi %ge3A_251, %lt3A_253 : i1
      %convert_element_type3A_255 = arith.extui %and3A_254 : i1 to i32
      %cond3A_256 = arith.constant 0 : i32
      %cond3A_257 = arith.cmpi ne, %convert_element_type3A_255, %cond3A_256 : i32
      scf.if %cond3A_257 {
        %dma_wait3A_392 = arith.constant 0 : i32
        %dma_wait3A_393 = arith.constant 1 : i32
        %dma_wait3A_394 = arith.constant 1 : i32
        %dma_wait3A_395 = arith.constant 0 : i32
        %dma_wait3A_396 = arith.constant 0 : i32
        %dma_wait3A_397 = tpu.memref_slice %arg8[%dma_wait3A_393, %dma_wait3A_395, %dma_wait3A_396] : memref<5x125x80xf32, #tpu.memory_space<vmem>> -> memref<1x125x80xf32, #tpu.memory_space<vmem>>
        %dma_wait3A_398 = tpu.memref_squeeze %dma_wait3A_397 : memref<1x125x80xf32, #tpu.memory_space<vmem>> -> memref<125x80xf32, #tpu.memory_space<vmem>>
        %dma_wait3A_399 = arith.constant 0 : i32
        %dma_wait3A_400 = tpu.memref_slice %arg6[%dma_wait3A_392, %dma_wait3A_399] : memref<80x125xi32, #tpu.memory_space<vmem>> -> memref<1x125xi32, #tpu.memory_space<vmem>>
        %dma_wait3A_401 = tpu.memref_squeeze %dma_wait3A_400 : memref<1x125xi32, #tpu.memory_space<vmem>> -> memref<125xi32, #tpu.memory_space<vmem>>
        %dma_wait3A_402 = arith.constant 0 : i32
        %dma_wait3A_403 = arith.constant 0 : i32
        %dma_wait3A_404 = tpu.memref_slice %arg2[%dma_wait3A_402, %dma_wait3A_403] : memref<10000x80xf32, #tpu.memory_space<hbm>> -> memref<10000x80xf32, #tpu.memory_space<hbm>>
        %dma_wait3A_405 = tpu.memref_slice %arg11[%dma_wait3A_394] : memref<5x!tpu.dma_semaphore, #tpu.memory_space<semaphore_mem>> -> memref<1x!tpu.dma_semaphore, #tpu.memory_space<semaphore_mem>>
        %dma_wait3A_406 = tpu.memref_squeeze %dma_wait3A_405 : memref<1x!tpu.dma_semaphore, #tpu.memory_space<semaphore_mem>> -> memref<!tpu.dma_semaphore, #tpu.memory_space<semaphore_mem>>
        tpu.wait_indirect_dma semaphore(%dma_wait3A_406 : memref<!tpu.dma_semaphore, #tpu.memory_space<semaphore_mem>>) src(%dma_wait3A_404 : memref<10000x80xf32, #tpu.memory_space<hbm>>) dst(%dma_wait3A_398 : memref<125x80xf32, #tpu.memory_space<vmem>>)
      } else {
      }
      %lt3A_258 = arith.constant 80 : i32
      %lt3A_259 = arith.cmpi slt, %sub3A_249, %lt3A_258 : i32
      %convert_element_type3A_260 = arith.extui %lt3A_259 : i1 to i32
      %cond3A_261 = arith.constant 0 : i32
      %cond3A_262 = arith.cmpi ne, %convert_element_type3A_260, %cond3A_261 : i32
      scf.if %cond3A_262 {
        %dma_start3A_392 = arith.constant 1 : i32
        %dma_start3A_393 = arith.constant 1 : i32
        %dma_start3A_394 = arith.constant 0 : i32
        %dma_start3A_395 = arith.constant 0 : i32
        %dma_start3A_396 = tpu.memref_slice %arg8[%dma_start3A_392, %dma_start3A_394, %dma_start3A_395] : memref<5x125x80xf32, #tpu.memory_space<vmem>> -> memref<1x125x80xf32, #tpu.memory_space<vmem>>
        %dma_start3A_397 = tpu.memref_squeeze %dma_start3A_396 : memref<1x125x80xf32, #tpu.memory_space<vmem>> -> memref<125x80xf32, #tpu.memory_space<vmem>>
        %dma_start3A_398 = arith.constant 0 : i32
        %dma_start3A_399 = tpu.memref_slice %arg6[%sub3A_249, %dma_start3A_398] : memref<80x125xi32, #tpu.memory_space<vmem>> -> memref<1x125xi32, #tpu.memory_space<vmem>>
        %dma_start3A_400 = tpu.memref_squeeze %dma_start3A_399 : memref<1x125xi32, #tpu.memory_space<vmem>> -> memref<125xi32, #tpu.memory_space<vmem>>
        %dma_start3A_401 = arith.constant 0 : i32
        %dma_start3A_402 = arith.constant 0 : i32
        %dma_start3A_403 = tpu.memref_slice %arg2[%dma_start3A_401, %dma_start3A_402] : memref<10000x80xf32, #tpu.memory_space<hbm>> -> memref<10000x80xf32, #tpu.memory_space<hbm>>
        %dma_start3A_404 = tpu.memref_slice %arg10[%dma_start3A_393] : memref<5x!tpu.dma_semaphore, #tpu.memory_space<semaphore_mem>> -> memref<1x!tpu.dma_semaphore, #tpu.memory_space<semaphore_mem>>
        %dma_start3A_405 = tpu.memref_squeeze %dma_start3A_404 : memref<1x!tpu.dma_semaphore, #tpu.memory_space<semaphore_mem>> -> memref<!tpu.dma_semaphore, #tpu.memory_space<semaphore_mem>>
        tpu.enqueue_indirect_dma source(%dma_start3A_403 : memref<10000x80xf32, #tpu.memory_space<hbm>>) target(%dma_start3A_397 : memref<125x80xf32, #tpu.memory_space<vmem>>) offsets(%dma_start3A_400 : memref<125xi32, #tpu.memory_space<vmem>>) semaphore(%dma_start3A_405 : memref<!tpu.dma_semaphore, #tpu.memory_space<semaphore_mem>>)
      } else {
      }
      %dma_wait3A_263 = arith.constant 0 : i32
      %dma_wait3A_264 = arith.constant 2 : i32
      %dma_wait3A_265 = arith.constant 2 : i32
      %dma_wait3A_266 = arith.constant 0 : i32
      %dma_wait3A_267 = arith.constant 0 : i32
      %dma_wait3A_268 = tpu.memref_slice %arg8[%dma_wait3A_264, %dma_wait3A_266, %dma_wait3A_267] : memref<5x125x80xf32, #tpu.memory_space<vmem>> -> memref<1x125x80xf32, #tpu.memory_space<vmem>>
      %dma_wait3A_269 = tpu.memref_squeeze %dma_wait3A_268 : memref<1x125x80xf32, #tpu.memory_space<vmem>> -> memref<125x80xf32, #tpu.memory_space<vmem>>
      %dma_wait3A_270 = arith.constant 0 : i32
      %dma_wait3A_271 = tpu.memref_slice %arg6[%dma_wait3A_263, %dma_wait3A_270] : memref<80x125xi32, #tpu.memory_space<vmem>> -> memref<1x125xi32, #tpu.memory_space<vmem>>
      %dma_wait3A_272 = tpu.memref_squeeze %dma_wait3A_271 : memref<1x125xi32, #tpu.memory_space<vmem>> -> memref<125xi32, #tpu.memory_space<vmem>>
      %dma_wait3A_273 = arith.constant 0 : i32
      %dma_wait3A_274 = arith.constant 0 : i32
      %dma_wait3A_275 = tpu.memref_slice %arg2[%dma_wait3A_273, %dma_wait3A_274] : memref<10000x80xf32, #tpu.memory_space<hbm>> -> memref<10000x80xf32, #tpu.memory_space<hbm>>
      %dma_wait3A_276 = tpu.memref_slice %arg10[%dma_wait3A_265] : memref<5x!tpu.dma_semaphore, #tpu.memory_space<semaphore_mem>> -> memref<1x!tpu.dma_semaphore, #tpu.memory_space<semaphore_mem>>
      %dma_wait3A_277 = tpu.memref_squeeze %dma_wait3A_276 : memref<1x!tpu.dma_semaphore, #tpu.memory_space<semaphore_mem>> -> memref<!tpu.dma_semaphore, #tpu.memory_space<semaphore_mem>>
      tpu.wait_indirect_dma semaphore(%dma_wait3A_277 : memref<!tpu.dma_semaphore, #tpu.memory_space<semaphore_mem>>) src(%dma_wait3A_275 : memref<10000x80xf32, #tpu.memory_space<hbm>>) dst(%dma_wait3A_269 : memref<125x80xf32, #tpu.memory_space<vmem>>)
      %dma_start3A_278 = arith.constant 2 : i32
      %dma_start3A_279 = arith.constant 2 : i32
      %dma_start3A_280 = arith.constant 0 : i32
      %dma_start3A_281 = arith.constant 0 : i32
      %dma_start3A_282 = tpu.memref_slice %arg8[%dma_start3A_278, %dma_start3A_280, %dma_start3A_281] : memref<5x125x80xf32, #tpu.memory_space<vmem>> -> memref<1x125x80xf32, #tpu.memory_space<vmem>>
      %dma_start3A_283 = tpu.memref_squeeze %dma_start3A_282 : memref<1x125x80xf32, #tpu.memory_space<vmem>> -> memref<125x80xf32, #tpu.memory_space<vmem>>
      %dma_start3A_284 = arith.constant 0 : i32
      %dma_start3A_285 = tpu.memref_slice %arg7[%add3A_245, %dma_start3A_284] : memref<80x125xi32, #tpu.memory_space<vmem>> -> memref<1x125xi32, #tpu.memory_space<vmem>>
      %dma_start3A_286 = tpu.memref_squeeze %dma_start3A_285 : memref<1x125xi32, #tpu.memory_space<vmem>> -> memref<125xi32, #tpu.memory_space<vmem>>
      %dma_start3A_287 = arith.constant 0 : i32
      %dma_start3A_288 = arith.constant 0 : i32
      %dma_start3A_289 = tpu.memref_slice %arg9[%dma_start3A_287, %dma_start3A_288] : memref<10240x80xf32, #tpu.memory_space<vmem_shared>> -> memref<10240x80xf32, #tpu.memory_space<vmem_shared>>
      %dma_start3A_290 = tpu.memref_slice %arg11[%dma_start3A_279] : memref<5x!tpu.dma_semaphore, #tpu.memory_space<semaphore_mem>> -> memref<1x!tpu.dma_semaphore, #tpu.memory_space<semaphore_mem>>
      %dma_start3A_291 = tpu.memref_squeeze %dma_start3A_290 : memref<1x!tpu.dma_semaphore, #tpu.memory_space<semaphore_mem>> -> memref<!tpu.dma_semaphore, #tpu.memory_space<semaphore_mem>>
      tpu.enqueue_indirect_dma source(%dma_start3A_283 : memref<125x80xf32, #tpu.memory_space<vmem>>) target(%dma_start3A_289 : memref<10240x80xf32, #tpu.memory_space<vmem_shared>>) offsets(%dma_start3A_286 : memref<125xi32, #tpu.memory_space<vmem>>) semaphore(%dma_start3A_291 : memref<!tpu.dma_semaphore, #tpu.memory_space<semaphore_mem>>) {add = true}
      %mul3A_292 = arith.constant 5 : i32
      %mul3A_293 = arith.muli %scan3A_147, %mul3A_292 : i32
      %add3A_294 = arith.constant 3 : i32
      %add3A_295 = arith.addi %mul3A_293, %add3A_294 : i32
      %add3A_296 = arith.constant 5 : i32
      %add3A_297 = arith.addi %add3A_295, %add3A_296 : i32
      %sub3A_298 = arith.constant 1 : i32
      %sub3A_299 = arith.subi %add3A_297, %sub3A_298 : i32
      %ge3A_300 = arith.constant 5 : i32
      %ge3A_301 = arith.cmpi sge, %sub3A_299, %ge3A_300 : i32
      %lt3A_302 = arith.constant 80 : i32
      %lt3A_303 = arith.cmpi slt, %sub3A_299, %lt3A_302 : i32
      %and3A_304 = arith.andi %ge3A_301, %lt3A_303 : i1
      %convert_element_type3A_305 = arith.extui %and3A_304 : i1 to i32
      %cond3A_306 = arith.constant 0 : i32
      %cond3A_307 = arith.cmpi ne, %convert_element_type3A_305, %cond3A_306 : i32
      scf.if %cond3A_307 {
        %dma_wait3A_392 = arith.constant 0 : i32
        %dma_wait3A_393 = arith.constant 2 : i32
        %dma_wait3A_394 = arith.constant 2 : i32
        %dma_wait3A_395 = arith.constant 0 : i32
        %dma_wait3A_396 = arith.constant 0 : i32
        %dma_wait3A_397 = tpu.memref_slice %arg8[%dma_wait3A_393, %dma_wait3A_395, %dma_wait3A_396] : memref<5x125x80xf32, #tpu.memory_space<vmem>> -> memref<1x125x80xf32, #tpu.memory_space<vmem>>
        %dma_wait3A_398 = tpu.memref_squeeze %dma_wait3A_397 : memref<1x125x80xf32, #tpu.memory_space<vmem>> -> memref<125x80xf32, #tpu.memory_space<vmem>>
        %dma_wait3A_399 = arith.constant 0 : i32
        %dma_wait3A_400 = tpu.memref_slice %arg6[%dma_wait3A_392, %dma_wait3A_399] : memref<80x125xi32, #tpu.memory_space<vmem>> -> memref<1x125xi32, #tpu.memory_space<vmem>>
        %dma_wait3A_401 = tpu.memref_squeeze %dma_wait3A_400 : memref<1x125xi32, #tpu.memory_space<vmem>> -> memref<125xi32, #tpu.memory_space<vmem>>
        %dma_wait3A_402 = arith.constant 0 : i32
        %dma_wait3A_403 = arith.constant 0 : i32
        %dma_wait3A_404 = tpu.memref_slice %arg2[%dma_wait3A_402, %dma_wait3A_403] : memref<10000x80xf32, #tpu.memory_space<hbm>> -> memref<10000x80xf32, #tpu.memory_space<hbm>>
        %dma_wait3A_405 = tpu.memref_slice %arg11[%dma_wait3A_394] : memref<5x!tpu.dma_semaphore, #tpu.memory_space<semaphore_mem>> -> memref<1x!tpu.dma_semaphore, #tpu.memory_space<semaphore_mem>>
        %dma_wait3A_406 = tpu.memref_squeeze %dma_wait3A_405 : memref<1x!tpu.dma_semaphore, #tpu.memory_space<semaphore_mem>> -> memref<!tpu.dma_semaphore, #tpu.memory_space<semaphore_mem>>
        tpu.wait_indirect_dma semaphore(%dma_wait3A_406 : memref<!tpu.dma_semaphore, #tpu.memory_space<semaphore_mem>>) src(%dma_wait3A_404 : memref<10000x80xf32, #tpu.memory_space<hbm>>) dst(%dma_wait3A_398 : memref<125x80xf32, #tpu.memory_space<vmem>>)
      } else {
      }
      %lt3A_308 = arith.constant 80 : i32
      %lt3A_309 = arith.cmpi slt, %sub3A_299, %lt3A_308 : i32
      %convert_element_type3A_310 = arith.extui %lt3A_309 : i1 to i32
      %cond3A_311 = arith.constant 0 : i32
      %cond3A_312 = arith.cmpi ne, %convert_element_type3A_310, %cond3A_311 : i32
      scf.if %cond3A_312 {
        %dma_start3A_392 = arith.constant 2 : i32
        %dma_start3A_393 = arith.constant 2 : i32
        %dma_start3A_394 = arith.constant 0 : i32
        %dma_start3A_395 = arith.constant 0 : i32
        %dma_start3A_396 = tpu.memref_slice %arg8[%dma_start3A_392, %dma_start3A_394, %dma_start3A_395] : memref<5x125x80xf32, #tpu.memory_space<vmem>> -> memref<1x125x80xf32, #tpu.memory_space<vmem>>
        %dma_start3A_397 = tpu.memref_squeeze %dma_start3A_396 : memref<1x125x80xf32, #tpu.memory_space<vmem>> -> memref<125x80xf32, #tpu.memory_space<vmem>>
        %dma_start3A_398 = arith.constant 0 : i32
        %dma_start3A_399 = tpu.memref_slice %arg6[%sub3A_299, %dma_start3A_398] : memref<80x125xi32, #tpu.memory_space<vmem>> -> memref<1x125xi32, #tpu.memory_space<vmem>>
        %dma_start3A_400 = tpu.memref_squeeze %dma_start3A_399 : memref<1x125xi32, #tpu.memory_space<vmem>> -> memref<125xi32, #tpu.memory_space<vmem>>
        %dma_start3A_401 = arith.constant 0 : i32
        %dma_start3A_402 = arith.constant 0 : i32
        %dma_start3A_403 = tpu.memref_slice %arg2[%dma_start3A_401, %dma_start3A_402] : memref<10000x80xf32, #tpu.memory_space<hbm>> -> memref<10000x80xf32, #tpu.memory_space<hbm>>
        %dma_start3A_404 = tpu.memref_slice %arg10[%dma_start3A_393] : memref<5x!tpu.dma_semaphore, #tpu.memory_space<semaphore_mem>> -> memref<1x!tpu.dma_semaphore, #tpu.memory_space<semaphore_mem>>
        %dma_start3A_405 = tpu.memref_squeeze %dma_start3A_404 : memref<1x!tpu.dma_semaphore, #tpu.memory_space<semaphore_mem>> -> memref<!tpu.dma_semaphore, #tpu.memory_space<semaphore_mem>>
        tpu.enqueue_indirect_dma source(%dma_start3A_403 : memref<10000x80xf32, #tpu.memory_space<hbm>>) target(%dma_start3A_397 : memref<125x80xf32, #tpu.memory_space<vmem>>) offsets(%dma_start3A_400 : memref<125xi32, #tpu.memory_space<vmem>>) semaphore(%dma_start3A_405 : memref<!tpu.dma_semaphore, #tpu.memory_space<semaphore_mem>>)
      } else {
      }
      %dma_wait3A_313 = arith.constant 0 : i32
      %dma_wait3A_314 = arith.constant 3 : i32
      %dma_wait3A_315 = arith.constant 3 : i32
      %dma_wait3A_316 = arith.constant 0 : i32
      %dma_wait3A_317 = arith.constant 0 : i32
      %dma_wait3A_318 = tpu.memref_slice %arg8[%dma_wait3A_314, %dma_wait3A_316, %dma_wait3A_317] : memref<5x125x80xf32, #tpu.memory_space<vmem>> -> memref<1x125x80xf32, #tpu.memory_space<vmem>>
      %dma_wait3A_319 = tpu.memref_squeeze %dma_wait3A_318 : memref<1x125x80xf32, #tpu.memory_space<vmem>> -> memref<125x80xf32, #tpu.memory_space<vmem>>
      %dma_wait3A_320 = arith.constant 0 : i32
      %dma_wait3A_321 = tpu.memref_slice %arg6[%dma_wait3A_313, %dma_wait3A_320] : memref<80x125xi32, #tpu.memory_space<vmem>> -> memref<1x125xi32, #tpu.memory_space<vmem>>
      %dma_wait3A_322 = tpu.memref_squeeze %dma_wait3A_321 : memref<1x125xi32, #tpu.memory_space<vmem>> -> memref<125xi32, #tpu.memory_space<vmem>>
      %dma_wait3A_323 = arith.constant 0 : i32
      %dma_wait3A_324 = arith.constant 0 : i32
      %dma_wait3A_325 = tpu.memref_slice %arg2[%dma_wait3A_323, %dma_wait3A_324] : memref<10000x80xf32, #tpu.memory_space<hbm>> -> memref<10000x80xf32, #tpu.memory_space<hbm>>
      %dma_wait3A_326 = tpu.memref_slice %arg10[%dma_wait3A_315] : memref<5x!tpu.dma_semaphore, #tpu.memory_space<semaphore_mem>> -> memref<1x!tpu.dma_semaphore, #tpu.memory_space<semaphore_mem>>
      %dma_wait3A_327 = tpu.memref_squeeze %dma_wait3A_326 : memref<1x!tpu.dma_semaphore, #tpu.memory_space<semaphore_mem>> -> memref<!tpu.dma_semaphore, #tpu.memory_space<semaphore_mem>>
      tpu.wait_indirect_dma semaphore(%dma_wait3A_327 : memref<!tpu.dma_semaphore, #tpu.memory_space<semaphore_mem>>) src(%dma_wait3A_325 : memref<10000x80xf32, #tpu.memory_space<hbm>>) dst(%dma_wait3A_319 : memref<125x80xf32, #tpu.memory_space<vmem>>)
      %dma_start3A_328 = arith.constant 3 : i32
      %dma_start3A_329 = arith.constant 3 : i32
      %dma_start3A_330 = arith.constant 0 : i32
      %dma_start3A_331 = arith.constant 0 : i32
      %dma_start3A_332 = tpu.memref_slice %arg8[%dma_start3A_328, %dma_start3A_330, %dma_start3A_331] : memref<5x125x80xf32, #tpu.memory_space<vmem>> -> memref<1x125x80xf32, #tpu.memory_space<vmem>>
      %dma_start3A_333 = tpu.memref_squeeze %dma_start3A_332 : memref<1x125x80xf32, #tpu.memory_space<vmem>> -> memref<125x80xf32, #tpu.memory_space<vmem>>
      %dma_start3A_334 = arith.constant 0 : i32
      %dma_start3A_335 = tpu.memref_slice %arg7[%add3A_295, %dma_start3A_334] : memref<80x125xi32, #tpu.memory_space<vmem>> -> memref<1x125xi32, #tpu.memory_space<vmem>>
      %dma_start3A_336 = tpu.memref_squeeze %dma_start3A_335 : memref<1x125xi32, #tpu.memory_space<vmem>> -> memref<125xi32, #tpu.memory_space<vmem>>
      %dma_start3A_337 = arith.constant 0 : i32
      %dma_start3A_338 = arith.constant 0 : i32
      %dma_start3A_339 = tpu.memref_slice %arg9[%dma_start3A_337, %dma_start3A_338] : memref<10240x80xf32, #tpu.memory_space<vmem_shared>> -> memref<10240x80xf32, #tpu.memory_space<vmem_shared>>
      %dma_start3A_340 = tpu.memref_slice %arg11[%dma_start3A_329] : memref<5x!tpu.dma_semaphore, #tpu.memory_space<semaphore_mem>> -> memref<1x!tpu.dma_semaphore, #tpu.memory_space<semaphore_mem>>
      %dma_start3A_341 = tpu.memref_squeeze %dma_start3A_340 : memref<1x!tpu.dma_semaphore, #tpu.memory_space<semaphore_mem>> -> memref<!tpu.dma_semaphore, #tpu.memory_space<semaphore_mem>>
      tpu.enqueue_indirect_dma source(%dma_start3A_333 : memref<125x80xf32, #tpu.memory_space<vmem>>) target(%dma_start3A_339 : memref<10240x80xf32, #tpu.memory_space<vmem_shared>>) offsets(%dma_start3A_336 : memref<125xi32, #tpu.memory_space<vmem>>) semaphore(%dma_start3A_341 : memref<!tpu.dma_semaphore, #tpu.memory_space<semaphore_mem>>) {add = true}
      %mul3A_342 = arith.constant 5 : i32
      %mul3A_343 = arith.muli %scan3A_147, %mul3A_342 : i32
      %add3A_344 = arith.constant 4 : i32
      %add3A_345 = arith.addi %mul3A_343, %add3A_344 : i32
      %add3A_346 = arith.constant 5 : i32
      %add3A_347 = arith.addi %add3A_345, %add3A_346 : i32
      %sub3A_348 = arith.constant 1 : i32
      %sub3A_349 = arith.subi %add3A_347, %sub3A_348 : i32
      %ge3A_350 = arith.constant 5 : i32
      %ge3A_351 = arith.cmpi sge, %sub3A_349, %ge3A_350 : i32
      %lt3A_352 = arith.constant 80 : i32
      %lt3A_353 = arith.cmpi slt, %sub3A_349, %lt3A_352 : i32
      %and3A_354 = arith.andi %ge3A_351, %lt3A_353 : i1
      %convert_element_type3A_355 = arith.extui %and3A_354 : i1 to i32
      %cond3A_356 = arith.constant 0 : i32
      %cond3A_357 = arith.cmpi ne, %convert_element_type3A_355, %cond3A_356 : i32
      scf.if %cond3A_357 {
        %dma_wait3A_392 = arith.constant 0 : i32
        %dma_wait3A_393 = arith.constant 3 : i32
        %dma_wait3A_394 = arith.constant 3 : i32
        %dma_wait3A_395 = arith.constant 0 : i32
        %dma_wait3A_396 = arith.constant 0 : i32
        %dma_wait3A_397 = tpu.memref_slice %arg8[%dma_wait3A_393, %dma_wait3A_395, %dma_wait3A_396] : memref<5x125x80xf32, #tpu.memory_space<vmem>> -> memref<1x125x80xf32, #tpu.memory_space<vmem>>
        %dma_wait3A_398 = tpu.memref_squeeze %dma_wait3A_397 : memref<1x125x80xf32, #tpu.memory_space<vmem>> -> memref<125x80xf32, #tpu.memory_space<vmem>>
        %dma_wait3A_399 = arith.constant 0 : i32
        %dma_wait3A_400 = tpu.memref_slice %arg6[%dma_wait3A_392, %dma_wait3A_399] : memref<80x125xi32, #tpu.memory_space<vmem>> -> memref<1x125xi32, #tpu.memory_space<vmem>>
        %dma_wait3A_401 = tpu.memref_squeeze %dma_wait3A_400 : memref<1x125xi32, #tpu.memory_space<vmem>> -> memref<125xi32, #tpu.memory_space<vmem>>
        %dma_wait3A_402 = arith.constant 0 : i32
        %dma_wait3A_403 = arith.constant 0 : i32
        %dma_wait3A_404 = tpu.memref_slice %arg2[%dma_wait3A_402, %dma_wait3A_403] : memref<10000x80xf32, #tpu.memory_space<hbm>> -> memref<10000x80xf32, #tpu.memory_space<hbm>>
        %dma_wait3A_405 = tpu.memref_slice %arg11[%dma_wait3A_394] : memref<5x!tpu.dma_semaphore, #tpu.memory_space<semaphore_mem>> -> memref<1x!tpu.dma_semaphore, #tpu.memory_space<semaphore_mem>>
        %dma_wait3A_406 = tpu.memref_squeeze %dma_wait3A_405 : memref<1x!tpu.dma_semaphore, #tpu.memory_space<semaphore_mem>> -> memref<!tpu.dma_semaphore, #tpu.memory_space<semaphore_mem>>
        tpu.wait_indirect_dma semaphore(%dma_wait3A_406 : memref<!tpu.dma_semaphore, #tpu.memory_space<semaphore_mem>>) src(%dma_wait3A_404 : memref<10000x80xf32, #tpu.memory_space<hbm>>) dst(%dma_wait3A_398 : memref<125x80xf32, #tpu.memory_space<vmem>>)
      } else {
      }
      %lt3A_358 = arith.constant 80 : i32
      %lt3A_359 = arith.cmpi slt, %sub3A_349, %lt3A_358 : i32
      %convert_element_type3A_360 = arith.extui %lt3A_359 : i1 to i32
      %cond3A_361 = arith.constant 0 : i32
      %cond3A_362 = arith.cmpi ne, %convert_element_type3A_360, %cond3A_361 : i32
      scf.if %cond3A_362 {
        %dma_start3A_392 = arith.constant 3 : i32
        %dma_start3A_393 = arith.constant 3 : i32
        %dma_start3A_394 = arith.constant 0 : i32
        %dma_start3A_395 = arith.constant 0 : i32
        %dma_start3A_396 = tpu.memref_slice %arg8[%dma_start3A_392, %dma_start3A_394, %dma_start3A_395] : memref<5x125x80xf32, #tpu.memory_space<vmem>> -> memref<1x125x80xf32, #tpu.memory_space<vmem>>
        %dma_start3A_397 = tpu.memref_squeeze %dma_start3A_396 : memref<1x125x80xf32, #tpu.memory_space<vmem>> -> memref<125x80xf32, #tpu.memory_space<vmem>>
        %dma_start3A_398 = arith.constant 0 : i32
        %dma_start3A_399 = tpu.memref_slice %arg6[%sub3A_349, %dma_start3A_398] : memref<80x125xi32, #tpu.memory_space<vmem>> -> memref<1x125xi32, #tpu.memory_space<vmem>>
        %dma_start3A_400 = tpu.memref_squeeze %dma_start3A_399 : memref<1x125xi32, #tpu.memory_space<vmem>> -> memref<125xi32, #tpu.memory_space<vmem>>
        %dma_start3A_401 = arith.constant 0 : i32
        %dma_start3A_402 = arith.constant 0 : i32
        %dma_start3A_403 = tpu.memref_slice %arg2[%dma_start3A_401, %dma_start3A_402] : memref<10000x80xf32, #tpu.memory_space<hbm>> -> memref<10000x80xf32, #tpu.memory_space<hbm>>
        %dma_start3A_404 = tpu.memref_slice %arg10[%dma_start3A_393] : memref<5x!tpu.dma_semaphore, #tpu.memory_space<semaphore_mem>> -> memref<1x!tpu.dma_semaphore, #tpu.memory_space<semaphore_mem>>
        %dma_start3A_405 = tpu.memref_squeeze %dma_start3A_404 : memref<1x!tpu.dma_semaphore, #tpu.memory_space<semaphore_mem>> -> memref<!tpu.dma_semaphore, #tpu.memory_space<semaphore_mem>>
        tpu.enqueue_indirect_dma source(%dma_start3A_403 : memref<10000x80xf32, #tpu.memory_space<hbm>>) target(%dma_start3A_397 : memref<125x80xf32, #tpu.memory_space<vmem>>) offsets(%dma_start3A_400 : memref<125xi32, #tpu.memory_space<vmem>>) semaphore(%dma_start3A_405 : memref<!tpu.dma_semaphore, #tpu.memory_space<semaphore_mem>>)
      } else {
      }
      %dma_wait3A_363 = arith.constant 0 : i32
      %dma_wait3A_364 = arith.constant 4 : i32
      %dma_wait3A_365 = arith.constant 4 : i32
      %dma_wait3A_366 = arith.constant 0 : i32
      %dma_wait3A_367 = arith.constant 0 : i32
      %dma_wait3A_368 = tpu.memref_slice %arg8[%dma_wait3A_364, %dma_wait3A_366, %dma_wait3A_367] : memref<5x125x80xf32, #tpu.memory_space<vmem>> -> memref<1x125x80xf32, #tpu.memory_space<vmem>>
      %dma_wait3A_369 = tpu.memref_squeeze %dma_wait3A_368 : memref<1x125x80xf32, #tpu.memory_space<vmem>> -> memref<125x80xf32, #tpu.memory_space<vmem>>
      %dma_wait3A_370 = arith.constant 0 : i32
      %dma_wait3A_371 = tpu.memref_slice %arg6[%dma_wait3A_363, %dma_wait3A_370] : memref<80x125xi32, #tpu.memory_space<vmem>> -> memref<1x125xi32, #tpu.memory_space<vmem>>
      %dma_wait3A_372 = tpu.memref_squeeze %dma_wait3A_371 : memref<1x125xi32, #tpu.memory_space<vmem>> -> memref<125xi32, #tpu.memory_space<vmem>>
      %dma_wait3A_373 = arith.constant 0 : i32
      %dma_wait3A_374 = arith.constant 0 : i32
      %dma_wait3A_375 = tpu.memref_slice %arg2[%dma_wait3A_373, %dma_wait3A_374] : memref<10000x80xf32, #tpu.memory_space<hbm>> -> memref<10000x80xf32, #tpu.memory_space<hbm>>
      %dma_wait3A_376 = tpu.memref_slice %arg10[%dma_wait3A_365] : memref<5x!tpu.dma_semaphore, #tpu.memory_space<semaphore_mem>> -> memref<1x!tpu.dma_semaphore, #tpu.memory_space<semaphore_mem>>
      %dma_wait3A_377 = tpu.memref_squeeze %dma_wait3A_376 : memref<1x!tpu.dma_semaphore, #tpu.memory_space<semaphore_mem>> -> memref<!tpu.dma_semaphore, #tpu.memory_space<semaphore_mem>>
      tpu.wait_indirect_dma semaphore(%dma_wait3A_377 : memref<!tpu.dma_semaphore, #tpu.memory_space<semaphore_mem>>) src(%dma_wait3A_375 : memref<10000x80xf32, #tpu.memory_space<hbm>>) dst(%dma_wait3A_369 : memref<125x80xf32, #tpu.memory_space<vmem>>)
      %dma_start3A_378 = arith.constant 4 : i32
      %dma_start3A_379 = arith.constant 4 : i32
      %dma_start3A_380 = arith.constant 0 : i32
      %dma_start3A_381 = arith.constant 0 : i32
      %dma_start3A_382 = tpu.memref_slice %arg8[%dma_start3A_378, %dma_start3A_380, %dma_start3A_381] : memref<5x125x80xf32, #tpu.memory_space<vmem>> -> memref<1x125x80xf32, #tpu.memory_space<vmem>>
      %dma_start3A_383 = tpu.memref_squeeze %dma_start3A_382 : memref<1x125x80xf32, #tpu.memory_space<vmem>> -> memref<125x80xf32, #tpu.memory_space<vmem>>
      %dma_start3A_384 = arith.constant 0 : i32
      %dma_start3A_385 = tpu.memref_slice %arg7[%add3A_345, %dma_start3A_384] : memref<80x125xi32, #tpu.memory_space<vmem>> -> memref<1x125xi32, #tpu.memory_space<vmem>>
      %dma_start3A_386 = tpu.memref_squeeze %dma_start3A_385 : memref<1x125xi32, #tpu.memory_space<vmem>> -> memref<125xi32, #tpu.memory_space<vmem>>
      %dma_start3A_387 = arith.constant 0 : i32
      %dma_start3A_388 = arith.constant 0 : i32
      %dma_start3A_389 = tpu.memref_slice %arg9[%dma_start3A_387, %dma_start3A_388] : memref<10240x80xf32, #tpu.memory_space<vmem_shared>> -> memref<10240x80xf32, #tpu.memory_space<vmem_shared>>
      %dma_start3A_390 = tpu.memref_slice %arg11[%dma_start3A_379] : memref<5x!tpu.dma_semaphore, #tpu.memory_space<semaphore_mem>> -> memref<1x!tpu.dma_semaphore, #tpu.memory_space<semaphore_mem>>
      %dma_start3A_391 = tpu.memref_squeeze %dma_start3A_390 : memref<1x!tpu.dma_semaphore, #tpu.memory_space<semaphore_mem>> -> memref<!tpu.dma_semaphore, #tpu.memory_space<semaphore_mem>>
      tpu.enqueue_indirect_dma source(%dma_start3A_383 : memref<125x80xf32, #tpu.memory_space<vmem>>) target(%dma_start3A_389 : memref<10240x80xf32, #tpu.memory_space<vmem_shared>>) offsets(%dma_start3A_386 : memref<125xi32, #tpu.memory_space<vmem>>) semaphore(%dma_start3A_391 : memref<!tpu.dma_semaphore, #tpu.memory_space<semaphore_mem>>) {add = true}
    }
    %scan3A_67 = arith.constant 16 : i32
    %dma_wait3A = arith.constant 0 : i32
    %dma_wait3A_68 = arith.constant 0 : i32
    %dma_wait3A_69 = arith.constant 0 : i32
    %dma_wait3A_70 = arith.constant 0 : i32
    %dma_wait3A_71 = arith.constant 0 : i32
    %dma_wait3A_72 = tpu.memref_slice %arg8[%dma_wait3A_68, %dma_wait3A_70, %dma_wait3A_71] : memref<5x125x80xf32, #tpu.memory_space<vmem>> -> memref<1x125x80xf32, #tpu.memory_space<vmem>>
    %dma_wait3A_73 = tpu.memref_squeeze %dma_wait3A_72 : memref<1x125x80xf32, #tpu.memory_space<vmem>> -> memref<125x80xf32, #tpu.memory_space<vmem>>
    %dma_wait3A_74 = arith.constant 0 : i32
    %dma_wait3A_75 = tpu.memref_slice %arg6[%dma_wait3A, %dma_wait3A_74] : memref<80x125xi32, #tpu.memory_space<vmem>> -> memref<1x125xi32, #tpu.memory_space<vmem>>
    %dma_wait3A_76 = tpu.memref_squeeze %dma_wait3A_75 : memref<1x125xi32, #tpu.memory_space<vmem>> -> memref<125xi32, #tpu.memory_space<vmem>>
    %dma_wait3A_77 = arith.constant 0 : i32
    %dma_wait3A_78 = arith.constant 0 : i32
    %dma_wait3A_79 = tpu.memref_slice %arg2[%dma_wait3A_77, %dma_wait3A_78] : memref<10000x80xf32, #tpu.memory_space<hbm>> -> memref<10000x80xf32, #tpu.memory_space<hbm>>
    %dma_wait3A_80 = tpu.memref_slice %arg11[%dma_wait3A_69] : memref<5x!tpu.dma_semaphore, #tpu.memory_space<semaphore_mem>> -> memref<1x!tpu.dma_semaphore, #tpu.memory_space<semaphore_mem>>
    %dma_wait3A_81 = tpu.memref_squeeze %dma_wait3A_80 : memref<1x!tpu.dma_semaphore, #tpu.memory_space<semaphore_mem>> -> memref<!tpu.dma_semaphore, #tpu.memory_space<semaphore_mem>>
    tpu.wait_indirect_dma semaphore(%dma_wait3A_81 : memref<!tpu.dma_semaphore, #tpu.memory_space<semaphore_mem>>) src(%dma_wait3A_79 : memref<10000x80xf32, #tpu.memory_space<hbm>>) dst(%dma_wait3A_73 : memref<125x80xf32, #tpu.memory_space<vmem>>)
    %dma_wait3A_82 = arith.constant 0 : i32
    %dma_wait3A_83 = arith.constant 1 : i32
    %dma_wait3A_84 = arith.constant 1 : i32
    %dma_wait3A_85 = arith.constant 0 : i32
    %dma_wait3A_86 = arith.constant 0 : i32
    %dma_wait3A_87 = tpu.memref_slice %arg8[%dma_wait3A_83, %dma_wait3A_85, %dma_wait3A_86] : memref<5x125x80xf32, #tpu.memory_space<vmem>> -> memref<1x125x80xf32, #tpu.memory_space<vmem>>
    %dma_wait3A_88 = tpu.memref_squeeze %dma_wait3A_87 : memref<1x125x80xf32, #tpu.memory_space<vmem>> -> memref<125x80xf32, #tpu.memory_space<vmem>>
    %dma_wait3A_89 = arith.constant 0 : i32
    %dma_wait3A_90 = tpu.memref_slice %arg6[%dma_wait3A_82, %dma_wait3A_89] : memref<80x125xi32, #tpu.memory_space<vmem>> -> memref<1x125xi32, #tpu.memory_space<vmem>>
    %dma_wait3A_91 = tpu.memref_squeeze %dma_wait3A_90 : memref<1x125xi32, #tpu.memory_space<vmem>> -> memref<125xi32, #tpu.memory_space<vmem>>
    %dma_wait3A_92 = arith.constant 0 : i32
    %dma_wait3A_93 = arith.constant 0 : i32
    %dma_wait3A_94 = tpu.memref_slice %arg2[%dma_wait3A_92, %dma_wait3A_93] : memref<10000x80xf32, #tpu.memory_space<hbm>> -> memref<10000x80xf32, #tpu.memory_space<hbm>>
    %dma_wait3A_95 = tpu.memref_slice %arg11[%dma_wait3A_84] : memref<5x!tpu.dma_semaphore, #tpu.memory_space<semaphore_mem>> -> memref<1x!tpu.dma_semaphore, #tpu.memory_space<semaphore_mem>>
    %dma_wait3A_96 = tpu.memref_squeeze %dma_wait3A_95 : memref<1x!tpu.dma_semaphore, #tpu.memory_space<semaphore_mem>> -> memref<!tpu.dma_semaphore, #tpu.memory_space<semaphore_mem>>
    tpu.wait_indirect_dma semaphore(%dma_wait3A_96 : memref<!tpu.dma_semaphore, #tpu.memory_space<semaphore_mem>>) src(%dma_wait3A_94 : memref<10000x80xf32, #tpu.memory_space<hbm>>) dst(%dma_wait3A_88 : memref<125x80xf32, #tpu.memory_space<vmem>>)
    %dma_wait3A_97 = arith.constant 0 : i32
    %dma_wait3A_98 = arith.constant 2 : i32
    %dma_wait3A_99 = arith.constant 2 : i32
    %dma_wait3A_100 = arith.constant 0 : i32
    %dma_wait3A_101 = arith.constant 0 : i32
    %dma_wait3A_102 = tpu.memref_slice %arg8[%dma_wait3A_98, %dma_wait3A_100, %dma_wait3A_101] : memref<5x125x80xf32, #tpu.memory_space<vmem>> -> memref<1x125x80xf32, #tpu.memory_space<vmem>>
    %dma_wait3A_103 = tpu.memref_squeeze %dma_wait3A_102 : memref<1x125x80xf32, #tpu.memory_space<vmem>> -> memref<125x80xf32, #tpu.memory_space<vmem>>
    %dma_wait3A_104 = arith.constant 0 : i32
    %dma_wait3A_105 = tpu.memref_slice %arg6[%dma_wait3A_97, %dma_wait3A_104] : memref<80x125xi32, #tpu.memory_space<vmem>> -> memref<1x125xi32, #tpu.memory_space<vmem>>
    %dma_wait3A_106 = tpu.memref_squeeze %dma_wait3A_105 : memref<1x125xi32, #tpu.memory_space<vmem>> -> memref<125xi32, #tpu.memory_space<vmem>>
    %dma_wait3A_107 = arith.constant 0 : i32
    %dma_wait3A_108 = arith.constant 0 : i32
    %dma_wait3A_109 = tpu.memref_slice %arg2[%dma_wait3A_107, %dma_wait3A_108] : memref<10000x80xf32, #tpu.memory_space<hbm>> -> memref<10000x80xf32, #tpu.memory_space<hbm>>
    %dma_wait3A_110 = tpu.memref_slice %arg11[%dma_wait3A_99] : memref<5x!tpu.dma_semaphore, #tpu.memory_space<semaphore_mem>> -> memref<1x!tpu.dma_semaphore, #tpu.memory_space<semaphore_mem>>
    %dma_wait3A_111 = tpu.memref_squeeze %dma_wait3A_110 : memref<1x!tpu.dma_semaphore, #tpu.memory_space<semaphore_mem>> -> memref<!tpu.dma_semaphore, #tpu.memory_space<semaphore_mem>>
    tpu.wait_indirect_dma semaphore(%dma_wait3A_111 : memref<!tpu.dma_semaphore, #tpu.memory_space<semaphore_mem>>) src(%dma_wait3A_109 : memref<10000x80xf32, #tpu.memory_space<hbm>>) dst(%dma_wait3A_103 : memref<125x80xf32, #tpu.memory_space<vmem>>)
    %dma_wait3A_112 = arith.constant 0 : i32
    %dma_wait3A_113 = arith.constant 3 : i32
    %dma_wait3A_114 = arith.constant 3 : i32
    %dma_wait3A_115 = arith.constant 0 : i32
    %dma_wait3A_116 = arith.constant 0 : i32
    %dma_wait3A_117 = tpu.memref_slice %arg8[%dma_wait3A_113, %dma_wait3A_115, %dma_wait3A_116] : memref<5x125x80xf32, #tpu.memory_space<vmem>> -> memref<1x125x80xf32, #tpu.memory_space<vmem>>
    %dma_wait3A_118 = tpu.memref_squeeze %dma_wait3A_117 : memref<1x125x80xf32, #tpu.memory_space<vmem>> -> memref<125x80xf32, #tpu.memory_space<vmem>>
    %dma_wait3A_119 = arith.constant 0 : i32
    %dma_wait3A_120 = tpu.memref_slice %arg6[%dma_wait3A_112, %dma_wait3A_119] : memref<80x125xi32, #tpu.memory_space<vmem>> -> memref<1x125xi32, #tpu.memory_space<vmem>>
    %dma_wait3A_121 = tpu.memref_squeeze %dma_wait3A_120 : memref<1x125xi32, #tpu.memory_space<vmem>> -> memref<125xi32, #tpu.memory_space<vmem>>
    %dma_wait3A_122 = arith.constant 0 : i32
    %dma_wait3A_123 = arith.constant 0 : i32
    %dma_wait3A_124 = tpu.memref_slice %arg2[%dma_wait3A_122, %dma_wait3A_123] : memref<10000x80xf32, #tpu.memory_space<hbm>> -> memref<10000x80xf32, #tpu.memory_space<hbm>>
    %dma_wait3A_125 = tpu.memref_slice %arg11[%dma_wait3A_114] : memref<5x!tpu.dma_semaphore, #tpu.memory_space<semaphore_mem>> -> memref<1x!tpu.dma_semaphore, #tpu.memory_space<semaphore_mem>>
    %dma_wait3A_126 = tpu.memref_squeeze %dma_wait3A_125 : memref<1x!tpu.dma_semaphore, #tpu.memory_space<semaphore_mem>> -> memref<!tpu.dma_semaphore, #tpu.memory_space<semaphore_mem>>
    tpu.wait_indirect_dma semaphore(%dma_wait3A_126 : memref<!tpu.dma_semaphore, #tpu.memory_space<semaphore_mem>>) src(%dma_wait3A_124 : memref<10000x80xf32, #tpu.memory_space<hbm>>) dst(%dma_wait3A_118 : memref<125x80xf32, #tpu.memory_space<vmem>>)
    %dma_wait3A_127 = arith.constant 0 : i32
    %dma_wait3A_128 = arith.constant 4 : i32
    %dma_wait3A_129 = arith.constant 4 : i32
    %dma_wait3A_130 = arith.constant 0 : i32
    %dma_wait3A_131 = arith.constant 0 : i32
    %dma_wait3A_132 = tpu.memref_slice %arg8[%dma_wait3A_128, %dma_wait3A_130, %dma_wait3A_131] : memref<5x125x80xf32, #tpu.memory_space<vmem>> -> memref<1x125x80xf32, #tpu.memory_space<vmem>>
    %dma_wait3A_133 = tpu.memref_squeeze %dma_wait3A_132 : memref<1x125x80xf32, #tpu.memory_space<vmem>> -> memref<125x80xf32, #tpu.memory_space<vmem>>
    %dma_wait3A_134 = arith.constant 0 : i32
    %dma_wait3A_135 = tpu.memref_slice %arg6[%dma_wait3A_127, %dma_wait3A_134] : memref<80x125xi32, #tpu.memory_space<vmem>> -> memref<1x125xi32, #tpu.memory_space<vmem>>
    %dma_wait3A_136 = tpu.memref_squeeze %dma_wait3A_135 : memref<1x125xi32, #tpu.memory_space<vmem>> -> memref<125xi32, #tpu.memory_space<vmem>>
    %dma_wait3A_137 = arith.constant 0 : i32
    %dma_wait3A_138 = arith.constant 0 : i32
    %dma_wait3A_139 = tpu.memref_slice %arg2[%dma_wait3A_137, %dma_wait3A_138] : memref<10000x80xf32, #tpu.memory_space<hbm>> -> memref<10000x80xf32, #tpu.memory_space<hbm>>
    %dma_wait3A_140 = tpu.memref_slice %arg11[%dma_wait3A_129] : memref<5x!tpu.dma_semaphore, #tpu.memory_space<semaphore_mem>> -> memref<1x!tpu.dma_semaphore, #tpu.memory_space<semaphore_mem>>
    %dma_wait3A_141 = tpu.memref_squeeze %dma_wait3A_140 : memref<1x!tpu.dma_semaphore, #tpu.memory_space<semaphore_mem>> -> memref<!tpu.dma_semaphore, #tpu.memory_space<semaphore_mem>>
    tpu.wait_indirect_dma semaphore(%dma_wait3A_141 : memref<!tpu.dma_semaphore, #tpu.memory_space<semaphore_mem>>) src(%dma_wait3A_139 : memref<10000x80xf32, #tpu.memory_space<hbm>>) dst(%dma_wait3A_133 : memref<125x80xf32, #tpu.memory_space<vmem>>)
    %barrier3A_142 = arith.constant 0 : index
    tpu.barrier barrier_id(%barrier3A_142)
    %mul3A_143 = arith.constant 640 : i32
    %mul3A_144 = arith.muli %arg1, %mul3A_143 : i32
    %mul3A_145 = arith.constant 640 : i32
    %mul3A_146 = arith.muli %arg1, %mul3A_145 : i32
    "tpu.region"() ({
      %run_scoped3A_147 = tpu.sem_alloc : memref<!tpu.dma_semaphore, #tpu.memory_space<semaphore_mem>>
      %dma_start3A_148 = arith.constant 0 : i32
      %dma_start3A_149 = tpu.memref_slice %arg5[%arg0, %mul3A_146, %dma_start3A_148] : memref<2x10240x128xf32, #tpu.memory_space<hbm>> -> memref<1x640x80xf32, #tpu.memory_space<hbm>>
      %dma_start3A_150 = tpu.memref_squeeze %dma_start3A_149 : memref<1x640x80xf32, #tpu.memory_space<hbm>> -> memref<640x80xf32, #tpu.memory_space<hbm>>
      %dma_start3A_151 = arith.constant 0 : i32
      %dma_start3A_152 = tpu.memref_slice %arg9[%mul3A_144, %dma_start3A_151] : memref<10240x80xf32, #tpu.memory_space<vmem_shared>> -> memref<640x80xf32, #tpu.memory_space<vmem_shared>>
      tpu.enqueue_dma source(%dma_start3A_152 : memref<640x80xf32, #tpu.memory_space<vmem_shared>>) target(%dma_start3A_150 : memref<640x80xf32, #tpu.memory_space<hbm>>) target_semaphore(%run_scoped3A_147 : memref<!tpu.dma_semaphore, #tpu.memory_space<semaphore_mem>>)
      %dma_wait3A_153 = arith.constant 0 : i32
      %dma_wait3A_154 = tpu.memref_slice %arg5[%arg0, %mul3A_146, %dma_wait3A_153] : memref<2x10240x128xf32, #tpu.memory_space<hbm>> -> memref<1x640x80xf32, #tpu.memory_space<hbm>>
      %dma_wait3A_155 = tpu.memref_squeeze %dma_wait3A_154 : memref<1x640x80xf32, #tpu.memory_space<hbm>> -> memref<640x80xf32, #tpu.memory_space<hbm>>
      %dma_wait3A_156 = arith.constant 0 : i32
      %dma_wait3A_157 = tpu.memref_slice %arg9[%mul3A_144, %dma_wait3A_156] : memref<10240x80xf32, #tpu.memory_space<vmem_shared>> -> memref<640x80xf32, #tpu.memory_space<vmem_shared>>
      tpu.wait_dma2 semaphore(%run_scoped3A_147 : memref<!tpu.dma_semaphore, #tpu.memory_space<semaphore_mem>>) src(%dma_wait3A_157 : memref<640x80xf32, #tpu.memory_space<vmem_shared>>) dst(%dma_wait3A_155 : memref<640x80xf32, #tpu.memory_space<hbm>>)
      tpu.yield
    }) : () -> ()
    return
  }
}

module attributes {stable_mosaic.version = 14 : i64} {
  func.func @_pre_body(%arg0: memref<10000x128xf32, #tpu.memory_space<vmem>>, %arg1: memref<80x128xf32, #tpu.memory_space<vmem>>, %arg2: memref<10000x80xf32, #tpu.memory_space<vmem>>) attributes {dimension_semantics = [], scalar_prefetch = 0 : i64, scratch_operands = 0 : i64, tpu.core_type = #tpu.core_type<tc>} {
    %get3A = arith.constant 0 : index
    %get3A_0 = arith.constant 0 : index
    %get3A_1 = vector.load %arg0[%get3A, %get3A_0] : memref<10000x128xf32, #tpu.memory_space<vmem>>, vector<10000x128xf32>
    %get3A_2 = arith.constant 0 : index
    %get3A_3 = arith.constant 0 : index
    %get3A_4 = vector.load %arg1[%get3A_2, %get3A_3] : memref<80x128xf32, #tpu.memory_space<vmem>>, vector<80x128xf32>
    %dot_general3A = arith.constant dense<0.000000e+00> : vector<10000x80xf32>
    %dot_general3A_5 = tpu.matmul %get3A_1, %get3A_4, %dot_general3A {dimension_numbers = #tpu.dot_dimension_numbers<[1], [1], [0], [0], [0, 0, 1, 0], [], []>, transpose_lhs_hint = false} : vector<10000x128xf32>, vector<80x128xf32>, vector<10000x80xf32> -> vector<10000x80xf32>
    %iota3A = tpu.iota {dimensions = array<i32: 1>} : vector<10000x80xi32>
    %eq3A = arith.constant 64 : i32
    %eq3A_6 = vector.broadcast %eq3A : i32 to vector<10000x80xi32>
    %eq3A_7 = arith.cmpi eq, %iota3A, %eq3A_6 : vector<10000x80xi32>
    %jit3A = arith.constant 1.000000e+00 : f32
    %jit3A_8 = arith.constant 0.000000e+00 : f32
    %broadcast_in_dim3A = vector.broadcast %jit3A : f32 to vector<10000x80xf32>
    %broadcast_in_dim3A_9 = vector.broadcast %jit3A_8 : f32 to vector<10000x80xf32>
    %select_n3A = arith.select %eq3A_7, %broadcast_in_dim3A, %broadcast_in_dim3A_9 : vector<10000x80xi1>, vector<10000x80xf32>
    %add3A = arith.addf %dot_general3A_5, %select_n3A : vector<10000x80xf32>
    %swap3A = arith.constant 0 : index
    %swap3A_10 = arith.constant 0 : index
    %swap3A_11 = vector.load %arg2[%swap3A, %swap3A_10] : memref<10000x80xf32, #tpu.memory_space<vmem>>, vector<10000x80xf32>
    tpu.vector_store %arg2[%swap3A, %swap3A_10], %add3A {strides = array<i32>} : memref<10000x80xf32, #tpu.memory_space<vmem>>, vector<10000x80xf32>,
    return
  }
}

module attributes {stable_mosaic.version = 14 : i64} {
  func.func @_mid_body(%arg0: memref<2x10240x128xf32, #tpu.memory_space<vmem>>, %arg1: memref<10000x128xf32, #tpu.memory_space<vmem>>, %arg2: memref<64x128xf32, #tpu.memory_space<vmem>>, %arg3: memref<1x64xf32, #tpu.memory_space<vmem>>, %arg4: memref<1x64xf32, #tpu.memory_space<vmem>>, %arg5: memref<1x64xf32, #tpu.memory_space<vmem>>, %arg6: memref<32x64xf32, #tpu.memory_space<vmem>>, %arg7: memref<10000x64xf32, #tpu.memory_space<vmem>>, %arg8: memref<10000x32xf32, #tpu.memory_space<vmem>>, %arg9: memref<10000x1xf32, #tpu.memory_space<vmem>>) attributes {dimension_semantics = [], scalar_prefetch = 0 : i64, scratch_operands = 0 : i64, tpu.core_type = #tpu.core_type<tc>} {
    %get3A = arith.constant 0 : index
    %get3A_0 = arith.constant 0 : index
    %get3A_1 = arith.constant 0 : index
    %get3A_2 = vector.load %arg0[%get3A, %get3A_0, %get3A_1] : memref<2x10240x128xf32, #tpu.memory_space<vmem>>, vector<1x10240x128xf32>
    %get3A_3 = vector.shape_cast %get3A_2 : vector<1x10240x128xf32> to vector<10240x128xf32>
    %get3A_4 = arith.constant 1 : index
    %get3A_5 = arith.constant 0 : index
    %get3A_6 = arith.constant 0 : index
    %get3A_7 = vector.load %arg0[%get3A_4, %get3A_5, %get3A_6] : memref<2x10240x128xf32, #tpu.memory_space<vmem>>, vector<1x10240x128xf32>
    %get3A_8 = vector.shape_cast %get3A_7 : vector<1x10240x128xf32> to vector<10240x128xf32>
    %add3A = arith.addf %get3A_3, %get3A_8 : vector<10240x128xf32>
    %slice3A = vector.extract_strided_slice %add3A {offsets = [0, 0], sizes = [10000, 128], strides = [1, 1]} : vector<10240x128xf32> to vector<10000x128xf32>
    %slice3A_9 = vector.extract_strided_slice %slice3A {offsets = [0, 64], sizes = [10000, 1], strides = [1, 1]} : vector<10000x128xf32> to vector<10000x1xf32>
    %max3A = arith.constant 1.000000e+00 : f32
    %max3A_10 = vector.broadcast %max3A : f32 to vector<10000x1xf32>
    %max3A_11 = arith.maximumf %slice3A_9, %max3A_10 : vector<10000x1xf32>
    %slice3A_12 = vector.extract_strided_slice %slice3A {offsets = [0, 0], sizes = [10000, 64], strides = [1, 1]} : vector<10000x128xf32> to vector<10000x64xf32>
    %div3A = vector.broadcast %max3A_11 : vector<10000x1xf32> to vector<10000x64xf32>
    %div3A_13 = arith.divf %slice3A_12, %div3A : vector<10000x64xf32>
    %get3A_14 = arith.constant 0 : index
    %get3A_15 = arith.constant 0 : index
    %get3A_16 = vector.load %arg3[%get3A_14, %get3A_15] : memref<1x64xf32, #tpu.memory_space<vmem>>, vector<1x64xf32>
    %add3A_17 = vector.broadcast %get3A_16 : vector<1x64xf32> to vector<10000x64xf32>
    %add3A_18 = arith.addf %div3A_13, %add3A_17 : vector<10000x64xf32>
    %get3A_19 = arith.constant 0 : index
    %get3A_20 = arith.constant 0 : index
    %get3A_21 = vector.load %arg1[%get3A_19, %get3A_20] : memref<10000x128xf32, #tpu.memory_space<vmem>>, vector<10000x128xf32>
    %get3A_22 = arith.constant 0 : index
    %get3A_23 = arith.constant 0 : index
    %get3A_24 = vector.load %arg2[%get3A_22, %get3A_23] : memref<64x128xf32, #tpu.memory_space<vmem>>, vector<64x128xf32>
    %dot_general3A = arith.constant dense<0.000000e+00> : vector<10000x64xf32>
    %dot_general3A_25 = tpu.matmul %get3A_21, %get3A_24, %dot_general3A {dimension_numbers = #tpu.dot_dimension_numbers<[1], [1], [0], [0], [0, 0, 1, 0], [], []>, transpose_lhs_hint = false} : vector<10000x128xf32>, vector<64x128xf32>, vector<10000x64xf32> -> vector<10000x64xf32>
    %add3A_26 = arith.addf %add3A_18, %dot_general3A_25 : vector<10000x64xf32>
    %reduce_sum3A = arith.constant dense<0.000000e+00> : vector<64xf32>
    %reduce_sum3A_27 = vector.multi_reduction <add>, %add3A_26, %reduce_sum3A [0] : vector<10000x64xf32> to vector<64xf32>
    %broadcast_in_dim3A = vector.shape_cast %reduce_sum3A_27 : vector<64xf32> to vector<1x64xf32>
    %div3A_28 = arith.constant 1.000000e+04 : f32
    %div3A_29 = vector.broadcast %div3A_28 : f32 to vector<1x64xf32>
    %div3A_30 = arith.divf %broadcast_in_dim3A, %div3A_29 : vector<1x64xf32>
    %sub3A = vector.broadcast %div3A_30 : vector<1x64xf32> to vector<10000x64xf32>
    %sub3A_31 = arith.subf %add3A_26, %sub3A : vector<10000x64xf32>
    %sub3A_32 = vector.broadcast %div3A_30 : vector<1x64xf32> to vector<10000x64xf32>
    %sub3A_33 = arith.subf %add3A_26, %sub3A_32 : vector<10000x64xf32>
    %mul3A = arith.mulf %sub3A_31, %sub3A_33 : vector<10000x64xf32>
    %reduce_sum3A_34 = arith.constant dense<0.000000e+00> : vector<64xf32>
    %reduce_sum3A_35 = vector.multi_reduction <add>, %mul3A, %reduce_sum3A_34 [0] : vector<10000x64xf32> to vector<64xf32>
    %broadcast_in_dim3A_36 = vector.shape_cast %reduce_sum3A_35 : vector<64xf32> to vector<1x64xf32>
    %div3A_37 = arith.constant 1.000000e+04 : f32
    %div3A_38 = vector.broadcast %div3A_37 : f32 to vector<1x64xf32>
    %div3A_39 = arith.divf %broadcast_in_dim3A_36, %div3A_38 : vector<1x64xf32>
    %get3A_40 = arith.constant 0 : index
    %get3A_41 = arith.constant 0 : index
    %get3A_42 = vector.load %arg4[%get3A_40, %get3A_41] : memref<1x64xf32, #tpu.memory_space<vmem>>, vector<1x64xf32>
    %sub3A_43 = vector.broadcast %div3A_30 : vector<1x64xf32> to vector<10000x64xf32>
    %sub3A_44 = arith.subf %add3A_26, %sub3A_43 : vector<10000x64xf32>
    %mul3A_45 = vector.broadcast %get3A_42 : vector<1x64xf32> to vector<10000x64xf32>
    %mul3A_46 = arith.mulf %mul3A_45, %sub3A_44 : vector<10000x64xf32>
    %add3A_47 = arith.constant 9.99999974E-6 : f32
    %add3A_48 = vector.broadcast %add3A_47 : f32 to vector<1x64xf32>
    %add3A_49 = arith.addf %div3A_39, %add3A_48 : vector<1x64xf32>
    %sqrt3A = math.sqrt %add3A_49 : vector<1x64xf32>
    %div3A_50 = vector.broadcast %sqrt3A : vector<1x64xf32> to vector<10000x64xf32>
    %div3A_51 = arith.divf %mul3A_46, %div3A_50 : vector<10000x64xf32>
    %get3A_52 = arith.constant 0 : index
    %get3A_53 = arith.constant 0 : index
    %get3A_54 = vector.load %arg5[%get3A_52, %get3A_53] : memref<1x64xf32, #tpu.memory_space<vmem>>, vector<1x64xf32>
    %add3A_55 = vector.broadcast %get3A_54 : vector<1x64xf32> to vector<10000x64xf32>
    %add3A_56 = arith.addf %div3A_51, %add3A_55 : vector<10000x64xf32>
    %max3A_57 = arith.constant 0.000000e+00 : f32
    %max3A_58 = vector.broadcast %max3A_57 : f32 to vector<10000x64xf32>
    %max3A_59 = arith.maximumf %add3A_56, %max3A_58 : vector<10000x64xf32>
    %swap3A = arith.constant 0 : index
    %swap3A_60 = arith.constant 0 : index
    %swap3A_61 = vector.load %arg7[%swap3A, %swap3A_60] : memref<10000x64xf32, #tpu.memory_space<vmem>>, vector<10000x64xf32>
    tpu.vector_store %arg7[%swap3A, %swap3A_60], %max3A_59 {strides = array<i32>} : memref<10000x64xf32, #tpu.memory_space<vmem>>, vector<10000x64xf32>,
    %get3A_62 = arith.constant 0 : index
    %get3A_63 = arith.constant 0 : index
    %get3A_64 = vector.load %arg6[%get3A_62, %get3A_63] : memref<32x64xf32, #tpu.memory_space<vmem>>, vector<32x64xf32>
    %dot_general3A_65 = arith.constant dense<0.000000e+00> : vector<10000x32xf32>
    %dot_general3A_66 = tpu.matmul %max3A_59, %get3A_64, %dot_general3A_65 {dimension_numbers = #tpu.dot_dimension_numbers<[1], [1], [0], [0], [0, 0, 1, 0], [], []>, transpose_lhs_hint = false} : vector<10000x64xf32>, vector<32x64xf32>, vector<10000x32xf32> -> vector<10000x32xf32>
    %swap3A_67 = arith.constant 0 : index
    %swap3A_68 = arith.constant 0 : index
    %swap3A_69 = vector.load %arg8[%swap3A_67, %swap3A_68] : memref<10000x32xf32, #tpu.memory_space<vmem>>, vector<10000x32xf32>
    tpu.vector_store %arg8[%swap3A_67, %swap3A_68], %dot_general3A_66 {strides = array<i32>} : memref<10000x32xf32, #tpu.memory_space<vmem>>, vector<10000x32xf32>,
    %swap3A_70 = arith.constant 0 : index
    %swap3A_71 = arith.constant 0 : index
    %swap3A_72 = vector.load %arg9[%swap3A_70, %swap3A_71] : memref<10000x1xf32, #tpu.memory_space<vmem>>, vector<10000x1xf32>
    tpu.vector_store %arg9[%swap3A_70, %swap3A_71], %max3A_11 {strides = array<i32>} : memref<10000x1xf32, #tpu.memory_space<vmem>>, vector<10000x1xf32>,
    return
  }
}

module attributes {stable_mosaic.version = 14 : i64} {
  func.func @_fin_body(%arg0: memref<2x10240x128xf32, #tpu.memory_space<vmem>>, %arg1: memref<10000x64xf32, #tpu.memory_space<vmem>>, %arg2: memref<32x64xf32, #tpu.memory_space<vmem>>, %arg3: memref<1x32xf32, #tpu.memory_space<vmem>>, %arg4: memref<1x32xf32, #tpu.memory_space<vmem>>, %arg5: memref<1x32xf32, #tpu.memory_space<vmem>>, %arg6: memref<10000x1xf32, #tpu.memory_space<vmem>>, %arg7: memref<10000x32xf32, #tpu.memory_space<vmem>>) attributes {dimension_semantics = [], scalar_prefetch = 0 : i64, scratch_operands = 0 : i64, tpu.core_type = #tpu.core_type<tc>} {
    %get3A = arith.constant 0 : index
    %get3A_0 = arith.constant 0 : index
    %get3A_1 = arith.constant 0 : index
    %get3A_2 = vector.load %arg0[%get3A, %get3A_0, %get3A_1] : memref<2x10240x128xf32, #tpu.memory_space<vmem>>, vector<1x10240x128xf32>
    %get3A_3 = vector.shape_cast %get3A_2 : vector<1x10240x128xf32> to vector<10240x128xf32>
    %get3A_4 = arith.constant 1 : index
    %get3A_5 = arith.constant 0 : index
    %get3A_6 = arith.constant 0 : index
    %get3A_7 = vector.load %arg0[%get3A_4, %get3A_5, %get3A_6] : memref<2x10240x128xf32, #tpu.memory_space<vmem>>, vector<1x10240x128xf32>
    %get3A_8 = vector.shape_cast %get3A_7 : vector<1x10240x128xf32> to vector<10240x128xf32>
    %add3A = arith.addf %get3A_3, %get3A_8 : vector<10240x128xf32>
    %slice3A = vector.extract_strided_slice %add3A {offsets = [0, 0], sizes = [10000, 32], strides = [1, 1]} : vector<10240x128xf32> to vector<10000x32xf32>
    %get3A_9 = arith.constant 0 : index
    %get3A_10 = arith.constant 0 : index
    %get3A_11 = vector.load %arg6[%get3A_9, %get3A_10] : memref<10000x1xf32, #tpu.memory_space<vmem>>, vector<10000x1xf32>
    %div3A = vector.broadcast %get3A_11 : vector<10000x1xf32> to vector<10000x32xf32>
    %div3A_12 = arith.divf %slice3A, %div3A : vector<10000x32xf32>
    %get3A_13 = arith.constant 0 : index
    %get3A_14 = arith.constant 0 : index
    %get3A_15 = vector.load %arg3[%get3A_13, %get3A_14] : memref<1x32xf32, #tpu.memory_space<vmem>>, vector<1x32xf32>
    %add3A_16 = vector.broadcast %get3A_15 : vector<1x32xf32> to vector<10000x32xf32>
    %add3A_17 = arith.addf %div3A_12, %add3A_16 : vector<10000x32xf32>
    %get3A_18 = arith.constant 0 : index
    %get3A_19 = arith.constant 0 : index
    %get3A_20 = vector.load %arg1[%get3A_18, %get3A_19] : memref<10000x64xf32, #tpu.memory_space<vmem>>, vector<10000x64xf32>
    %get3A_21 = arith.constant 0 : index
    %get3A_22 = arith.constant 0 : index
    %get3A_23 = vector.load %arg2[%get3A_21, %get3A_22] : memref<32x64xf32, #tpu.memory_space<vmem>>, vector<32x64xf32>
    %dot_general3A = arith.constant dense<0.000000e+00> : vector<10000x32xf32>
    %dot_general3A_24 = tpu.matmul %get3A_20, %get3A_23, %dot_general3A {dimension_numbers = #tpu.dot_dimension_numbers<[1], [1], [0], [0], [0, 0, 1, 0], [], []>, transpose_lhs_hint = false} : vector<10000x64xf32>, vector<32x64xf32>, vector<10000x32xf32> -> vector<10000x32xf32>
    %add3A_25 = arith.addf %add3A_17, %dot_general3A_24 : vector<10000x32xf32>
    %reduce_sum3A = arith.constant dense<0.000000e+00> : vector<32xf32>
    %reduce_sum3A_26 = vector.multi_reduction <add>, %add3A_25, %reduce_sum3A [0] : vector<10000x32xf32> to vector<32xf32>
    %broadcast_in_dim3A = vector.shape_cast %reduce_sum3A_26 : vector<32xf32> to vector<1x32xf32>
    %div3A_27 = arith.constant 1.000000e+04 : f32
    %div3A_28 = vector.broadcast %div3A_27 : f32 to vector<1x32xf32>
    %div3A_29 = arith.divf %broadcast_in_dim3A, %div3A_28 : vector<1x32xf32>
    %sub3A = vector.broadcast %div3A_29 : vector<1x32xf32> to vector<10000x32xf32>
    %sub3A_30 = arith.subf %add3A_25, %sub3A : vector<10000x32xf32>
    %sub3A_31 = vector.broadcast %div3A_29 : vector<1x32xf32> to vector<10000x32xf32>
    %sub3A_32 = arith.subf %add3A_25, %sub3A_31 : vector<10000x32xf32>
    %mul3A = arith.mulf %sub3A_30, %sub3A_32 : vector<10000x32xf32>
    %reduce_sum3A_33 = arith.constant dense<0.000000e+00> : vector<32xf32>
    %reduce_sum3A_34 = vector.multi_reduction <add>, %mul3A, %reduce_sum3A_33 [0] : vector<10000x32xf32> to vector<32xf32>
    %broadcast_in_dim3A_35 = vector.shape_cast %reduce_sum3A_34 : vector<32xf32> to vector<1x32xf32>
    %div3A_36 = arith.constant 1.000000e+04 : f32
    %div3A_37 = vector.broadcast %div3A_36 : f32 to vector<1x32xf32>
    %div3A_38 = arith.divf %broadcast_in_dim3A_35, %div3A_37 : vector<1x32xf32>
    %get3A_39 = arith.constant 0 : index
    %get3A_40 = arith.constant 0 : index
    %get3A_41 = vector.load %arg4[%get3A_39, %get3A_40] : memref<1x32xf32, #tpu.memory_space<vmem>>, vector<1x32xf32>
    %sub3A_42 = vector.broadcast %div3A_29 : vector<1x32xf32> to vector<10000x32xf32>
    %sub3A_43 = arith.subf %add3A_25, %sub3A_42 : vector<10000x32xf32>
    %mul3A_44 = vector.broadcast %get3A_41 : vector<1x32xf32> to vector<10000x32xf32>
    %mul3A_45 = arith.mulf %mul3A_44, %sub3A_43 : vector<10000x32xf32>
    %add3A_46 = arith.constant 9.99999974E-6 : f32
    %add3A_47 = vector.broadcast %add3A_46 : f32 to vector<1x32xf32>
    %add3A_48 = arith.addf %div3A_38, %add3A_47 : vector<1x32xf32>
    %sqrt3A = math.sqrt %add3A_48 : vector<1x32xf32>
    %div3A_49 = vector.broadcast %sqrt3A : vector<1x32xf32> to vector<10000x32xf32>
    %div3A_50 = arith.divf %mul3A_45, %div3A_49 : vector<10000x32xf32>
    %get3A_51 = arith.constant 0 : index
    %get3A_52 = arith.constant 0 : index
    %get3A_53 = vector.load %arg5[%get3A_51, %get3A_52] : memref<1x32xf32, #tpu.memory_space<vmem>>, vector<1x32xf32>
    %add3A_54 = vector.broadcast %get3A_53 : vector<1x32xf32> to vector<10000x32xf32>
    %add3A_55 = arith.addf %div3A_50, %add3A_54 : vector<10000x32xf32>
    %swap3A = arith.constant 0 : index
    %swap3A_56 = arith.constant 0 : index
    %swap3A_57 = vector.load %arg7[%swap3A, %swap3A_56] : memref<10000x32xf32, #tpu.memory_space<vmem>>, vector<10000x32xf32>
    tpu.vector_store %arg7[%swap3A, %swap3A_56], %add3A_55 {strides = array<i32>} : memref<10000x32xf32, #tpu.memory_space<vmem>>, vector<10000x32xf32>,
    return
  }
}

</mosaic_0001>

<sc_bundles>
// kernel: kernel.10.cloned.1.call-start
scs
__scs_entry_jumppad:
0x0: {  	(pc) =	sbr.rel $0x88, $3  }
0x1: {  	(tag) =	ssettag $0x0;
	lr =	simm.s32 $0x1  }
0x2: {  	[smem:$0x3F95] =	sst lr;
	_ =	strace $0xD0000000  }
0x3: {  	_ = 	snop  }
0x4: {  	_ = 	snop  }
0x5: {  	_ = 	snop  }
0x6: {  	_ = 	snop  }
0x7: {  	_ = 	snop  }
__scs_overlays_trampoline_lowered:
0x8: {  	[smem:$0x3FA4] =	sst s0  }
0x9: {  	[smem:$0x3FA5] =	sst s1  }
0xa: {  	[smem:$0x3FA6] =	sst s2  }
0xb: {  	[smem:$0x3FA7] =	sst s3  }
0xc: {  	[smem:$0x3FA8] =	sst s4  }
0xd: {  	[smem:$0x3FA9] =	sst s5  }
0xe: {  	[smem:$0x3FAA] =	sst s6  }
0xf: {  	[smem:$0x3FAB] =	sst s7  }
0x10: {  	[smem:$0x3FAC] =	sst s8  }
0x11: {  	[smem:$0x3FAD] =	sst s9;
	s0 =	simm.s32 @!p0 $0x0  }
0x12: {  	s1 =	sld [smem:$0x3F93];
	s0 =	simm.s32 @p0 $0x1  }
0x13: {  	[smem:$0x3FAE] =	sst s0;
	s0 =	simm.s32 @!p1 $0x0  }
0x14: {  	s2 =	sld [smem:$0x3F92];
	s0 =	simm.s32 @p1 $0x1  }
0x15: {  	[smem:$0x3FAF] =	sst s0;
	s0 =	simm.s32 @!p2 $0x0  }
0x16: {  	s3 =	sld [smem:$0x3FDB];
	s0 =	simm.s32 @p2 $0x1  }
0x17: {  	s4 =	simm.s32 $0x1BF5;
	[smem:$0x3FB1] =	sst s0  }
0x18: {  	s0 =	sld [smem:$0x3F94];
	_ =	swait.ge [sflag:s4], $0x0  }
0x19: {  	s7 =	sld [smem:$0x3F95]  }
0x1a: {  	s8 =	sadd.s32 $0xFFFFE003, lr  }
0x1b: {  	s9 =	sadd.s32 $0xFFFFFEF7, lr;
	s5 =	simm.s32 $0xFFFFFFFF;
	p2 =	slt.u32 s8, $0xFFFFF086  }
0x1c: {  	p1 =	slt.u32 s9, $0xF7A;
	s5 =	simm.s32 @!p2 $0x0  }
0x1d: {  	s5 =	simm.s32 @p1 $0x1;
	p0 =	seq.s32 s7, s2  }
0x1e: {  	s7 =	smul.u32 @!p0 $0xF7A, s2;
	p2 =	seq.s32 @!p0 s5, $0x0  }
0x1f: {  	s9 =	smul.u32 $0xF7A, s1;
	s8 =	simm.s32 @!p0 $0x1BF5;
	p2 =	por !p2, p0  }
0x20: {  	[sflag:s8] =	ssyncset.s32 @!p0 $0xFFFFF086;
	s6 =	sadd.s32 @!p0 s3, s7;
	s7 =	simm.s32 @!p0 $0x108  }
0x21: {  	s3 =	sadd.s32 s3, s9;
	s6 =	sadd.s32 @!p0 $0x88, s6;
	s7 =	simm.s32 @p2 $0x1082  }
0x22: {  	[simem:s7], [sflag:s8] =	dma.local @!p0 [hbm:s6], $0xF7A  }
0x23: {  	s9 =	sor.u32 $0xD0000000, s2;
	s6 =	simm.s32 $0x108;
	_ =	swait.ge @!p0 [sflag:s8], $0x0  }
0x24: {  	s3 =	sadd.s32 $0x88, s3;
	s6 =	simm.s32 @!p1 $0x1082;
	[sflag:s4] =	ssyncset.s32 $0xFFFFF086  }
0x25: {  	[simem:s6], [sflag:s4] =	dma.local [hbm:s3], $0xF7A  }
0x26: {  	[smem:$0x3F95] =	sst s1;
	(tag) =	ssettag s2;
	_ =	strace s9  }
0x27: {  	s1 =	sld [smem:$0x3FA5]  }
0x28: {  	s2 =	sld [smem:$0x3FA6]  }
0x29: {  	s4 =	sld [smem:$0x3FA8]  }
0x2a: {  	p0 =	seq.s32 s5, $0x0;
	s5 =	sld [smem:$0x3FA9]  }
0x2b: {  	s6 =	sld [smem:$0x3FAA]  }
0x2c: {  	s7 =	sld [smem:$0x3FAB]  }
0x2d: {  	s3 =	simm.s32 $0x108;
	s8 =	sld [smem:$0x3FAC]  }
0x2e: {  	s3 =	simm.s32 @!p0 $0x1082;
	s9 =	sld [smem:$0x3FAD]  }
0x2f: {  	lr =	sadd.s32 s0, s3;
	s0 =	sld [smem:$0x3FA4]  }
0x30: {  	s3 =	sld [smem:$0x3FA7]  }
0x31: {  	[smem:$0x3FB0] =	sst s10  }
0x32: {  	s10 =	sld [smem:$0x3FAE];
	_ =	sdelay $0x3  }
0x33: {  	p0 =	seq.s32 s10, $0x1;
	s10 =	sld [smem:$0x3FB0];
	_ =	sdelay $0x3  }
0x34: {  	[smem:$0x3FB0] =	sst s10  }
0x35: {  	s10 =	sld [smem:$0x3FAF];
	_ =	sdelay $0x3  }
0x36: {  	p1 =	seq.s32 s10, $0x1;
	s10 =	sld [smem:$0x3FB0];
	_ =	sdelay $0x3  }
0x37: {  	[smem:$0x3FB0] =	sst s10  }
0x38: {  	s10 =	sld [smem:$0x3FB1]  }
0x39: {  	_ = 	snop;
	(pc) =	sbr.ind lr, $3  }
0x3a: {  	_ = 	snop  }
0x3b: {  	_ = 	snop  }
0x3c: {  	p2 =	seq.s32 s10, $0x1;
	s10 =	sld [smem:$0x3FB0]  }
0x3d: {  	_ =	shalt  }
0x3e: {  	_ =	shalt  }
0x3f: {  	_ =	shalt  }
0x40: {  	_ =	shalt  }
0x41: {  	_ =	shalt  }
0x42: {  	_ =	shalt  }
0x43: {  	_ =	shalt  }
0x44: {  	_ =	shalt  }
0x45: {  	_ =	shalt  }
0x46: {  	_ =	shalt  }
0x47: {  	_ =	shalt  }
0x48: {  	_ =	shalt  }
0x49: {  	_ =	shalt  }
0x4a: {  	_ =	shalt  }
0x4b: {  	_ =	shalt  }
0x4c: {  	_ =	shalt  }
0x4d: {  	_ =	shalt  }
0x4e: {  	_ =	shalt  }
0x4f: {  	_ =	shalt  }
0x50: {  	_ =	shalt  }
0x51: {  	_ =	shalt  }
0x52: {  	_ =	shalt  }
0x53: {  	_ =	shalt  }
0x54: {  	_ =	shalt  }
0x55: {  	_ =	shalt  }
0x56: {  	_ =	shalt  }
0x57: {  	_ =	shalt  }
0x58: {  	_ =	shalt  }
0x59: {  	_ =	shalt  }
0x5a: {  	_ =	shalt  }
0x5b: {  	_ =	shalt  }
0x5c: {  	_ =	shalt  }
0x5d: {  	_ =	shalt  }
0x5e: {  	_ =	shalt  }
0x5f: {  	_ =	shalt  }
0x60: {  	_ =	shalt  }
0x61: {  	_ =	shalt  }
0x62: {  	_ =	shalt  }
0x63: {  	_ =	shalt  }
0x64: {  	_ =	shalt  }
0x65: {  	_ =	shalt  }
0x66: {  	_ =	shalt  }
0x67: {  	_ =	shalt  }
0x68: {  	_ =	shalt  }
0x69: {  	_ =	shalt  }
0x6a: {  	_ =	shalt  }
0x6b: {  	_ =	shalt  }
0x6c: {  	_ =	shalt  }
0x6d: {  	_ =	shalt  }
0x6e: {  	_ =	shalt  }
0x6f: {  	_ =	shalt  }
0x70: {  	_ =	shalt  }
0x71: {  	_ =	shalt  }
0x72: {  	_ =	shalt  }
0x73: {  	_ =	shalt  }
0x74: {  	_ =	shalt  }
0x75: {  	_ =	shalt  }
0x76: {  	_ =	shalt  }
0x77: {  	_ =	shalt  }
0x78: {  	_ =	shalt  }
0x79: {  	_ =	shalt  }
0x7a: {  	_ =	shalt  }
0x7b: {  	_ =	shalt  }
0x7c: {  	_ =	shalt  }
0x7d: {  	_ =	shalt  }
0x7e: {  	_ =	shalt  }
0x7f: {  	_ =	shalt  }
0x80: {  	_ =	shalt  }
0x81: {  	_ =	shalt  }
0x82: {  	_ =	shalt  }
0x83: {  	_ =	shalt  }
0x84: {  	_ =	shalt  }
0x85: {  	_ =	shalt  }
0x86: {  	_ =	shalt  }
0x87: {  	_ =	shalt  }
.Lfunc_end0:
.L_simem_size_0:
called_computation.1_lowered:
.L_overlay_start_0:
0x88: {  	s2 =	sld [smem:$0x3FD9]  }
0x89: {  	s3 =	sld [smem:$0x3FFE];
	_ =	sdelay $0x1  }
0x8a: {  	s1 =	srdreg.scid  }
0x8b: {  	s0 =	sand.u32 $0x1, s1  }
0x8c: {  	s17 =	sshll.u32 s0, $0xA;
	s2 =	sadd.s32 s3, s2  }
0x8d: {  	s2 =	sadd.s32 s2, s17  }
0x8e: {  	[smem:$0x3FBC] =	sst s2  }
0x8f: {  	_ = 	snop  }
0x90: {  	s2 =	sld [smem:$0x3FD0];
	(tm) =	ssettm $0x1  }
0x91: {  	s18 =	sld [smem:$0x3FFB];
	_ =	sdelay $0x3  }
0x92: {  	_ =	strace s18  }
0x93: {  	s3 =	sld [smem:$0x3FFC];
	_ =	sdelay $0x3  }
0x94: {  	_ =	strace s3  }
0x95: {  	s3 =	sld [smem:$0x3FFD];
	_ =	sdelay $0x3  }
0x96: {  	_ =	strace s3  }
0x97: {  	_ =	strace $0x8FFFFFFF  }
0x98: {  	s19 =	sld [smem:$0x3FDB];
	_ =	sdelay $0x1  }
0x99: {  	s4 =	simm.s32 $_scs_section_size  }
0x9a: {  	s5 =	simm.s32 $_size__tile_overlayer_lowered;
	s6 =	simm.s32 $_tile_overlayer_lowered  }
0x9b: {  	s22 =	simm.s32 $0x1BFF;
	s21 =	sshll.u32 s6, $0x1;
	s3 =	sadd.s32 s4, s19  }
0x9c: {  	s7 =	simm.s32 $0x0;
	s20 =	sshll.u32 s5, $0x1;
	s5 =	sadd.s32 s21, s3  }
0x9d: {  	[timem:s7], [sflag:s22] =	dma.local [hbm:s5], s20  }
0x9e: {  	_ =	swait.ge [sflag:s22], s20  }
0x9f: {  	s4 =	ssub.s32 $0x0, s20;
	[sflag:s22] =	ssyncset.done $0x0  }
0xa0: {  	[sflag:s22] =	ssyncadd.s32 s4;
	_ =	sdelay $0x1  }
0xa1: {  	s23 =	simm.s32 $0x1B8B  }
0xa2: {  	_ =	swait.ge [sflag:s23], $0x1  }
0xa3: {  	[sflag:s23] =	ssyncset.done $0x0  }
0xa4: {  	s25 =	simm.s32 $0x1B8E;
	s24 =	sld [smem:$0x3FFE];
	[sflag:s23] =	ssyncadd.s32 $0xFFFFFFFF  }
0xa5: {  	s26 =	simm.s32 $execute0_lowered;
	[smem:$0x3FD2] =	sst s25  }
0xa6: {  	s5 =	sshll.u32 s26, $0x1;
	_ =	strace $0x80000049;
	[dreg:$0x1] =	wrdreg $0xFFFFFFFF  }
0xa7: {  	s28 =	simm.s32 $_size_execute0_lowered;
	s3 =	sadd.s32 s3, s5;
	[dreg:$0x0] =	wrdreg $0x0  }
0xa8: {  	s5 =	sshll.u32 s28, $0x1;
	[dreg:$0x2] =	wrdreg s3  }
0xa9: {  	[dreg:$0x3] =	wrdreg s5  }
0xaa: {  	[dreg:$0x4] =	wrdreg $0xC0  }
0xab: {  	_ =	task [dreg:s7], $0x5FFFF  }
0xac: {  	[dreg:$0x1] =	wrdreg $0xFFFFFFFF  }
0xad: {  	[dreg:$0x0] =	wrdreg $0x60  }
0xae: {  	[dreg:$0x2] =	wrdreg s2  }
0xaf: {  	[dreg:$0x3] =	wrdreg s24  }
0xb0: {  	[dreg:$0x4] =	wrdreg $0xEC400  }
0xb1: {  	[dreg:$0x5] =	wrdreg $0x9  }
0xb2: {  	_ =	task.clear_ibuf [dreg:s7], $0x6FFFF;
	_ =	strace $0x90000049  }
0xb3: {  	s29 =	simm.s32 $0x9;
	_ =	strace $0x8000004B  }
0xb4: {  	_ =	swait.ge [sflag:s29], $0x1  }
0xb5: {  	[sflag:s29] =	ssyncadd.s32 $0xFFFFFFFF  }
0xb6: {  	_ =	strace $0x9000004B  }
0xb7: {  	_ =	sfence  }
0xb8: {  	s30 =	sld [smem:$0x0];
	_ =	sdelay $0x2  }
0xb9: {  	s31 =	sshll.u32 s1, $0xD;
	s1 =	sshrl.u32 s1, $0x2  }
0xba: {  	s3 =	sand.u32 $0x4000, s31;
	s1 =	sadd.s32 s1, s30  }
0xbb: {  	s0 =	sor.u32 s3, s0;
	s1 =	sshll.u32 s1, $0x11  }
0xbc: {  	s0 =	sor.u32 s1, s0  }
0xbd: {  	s0 =	sadd.s32 $0x8F2B, s0  }
0xbe: {  	[sflag:s0] =	ssyncadd.remote.s32 $0x1  }
0xbf: {  	_ =	sfence.sel $0xFFFF  }
0xc0: {  	[dreg:$0x0] =	wrdreg $0xFFFFFFFF;
	(pc) =	sbr.abs _section_cstart, $3  }
0xc1: {  	[dreg:$0x1] =	wrdreg $0xFFFFFFFF  }
0xc2: {  	_ =	task.clear_ibuf [dreg:s7], $0x2FFFF;
	_ =	strace $0x9FFFFFFF  }
0xc3: {  	(tm) =	ssettm $0x7FFFFFFF  }
tec
execute0_lowered:
.L_overlay_start_1:
0x0: {  	(tag) =	ssettag $0x1  }
0x1: {  	s1 =	rddreg [dreg:$0x0]  }
0x2: {  	s0 =	srdreg.scid;
	s4 =	rddreg [dreg:$0x1]  }
0x3: {  	s8 =	stileid.u32;
	s3 =	rddreg [dreg:$0x2];
	s6 =	simm.s32 $0x0  }
0x4: {  	s14 =	simm.s32 $0x7D;
	s12 =	simm.s32 $0xDCA0;
	s16 =	simm.s32 $0x3  }
0x5: {  	s17 =	simm.s32 $0x5;
	s18 =	simm.s32 $0x7;
	s0 =	sand.u32 $0x1, s0  }
0x6: {  	s5 =	smul.u32 $0x14000, s8;
	[smem:$0x7FF] =	sst s6;
	s9 =	sadd.s32 $0x2000, s4  }
0x7: {  	s2 =	sshll.u32 s0, $0x4;
	s28 =	smul.u32 $0x140000, s0;
	s0 =	ssub.s32 $0x2, s0  }
0x8: {  	s31 =	sshll.u32 s8, $0x6;
	s2 =	sor.u32 s8, s2;
	s7 =	sshrl.u32 s0, $0x1  }
0x9: {  	_ =	strace $0x8000004A;
	s2 =	smul.u32 $0x2800, s2;
	s0 =	ssub.s32 s0, s7  }
0xa: {  	[dreg:$0x4] =	wrdreg s9;
	s6 =	sadd.s32 s5, s28;
	s0 =	smax.u32 s0, $0x1  }
0xb: {  	s6 =	sshrl.u32 s6, $0x3;
	s2 =	sshrl.u32 s2, $0x3;
	[dreg:$0x8] =	wrdreg s0  }
0xc: {  	s2 =	sadd.s32 s2, s4;
	s4 =	sadd.s32 s6, s4;
	s6 =	sor.u32 $0x1C15, s31  }
0xd: {  	s20 =	simm.s32 $0x9;
	s29 =	sadd.s32 $0x1A800, s2;
	[dreg:$0x9] =	wrdreg s6  }
0xe: {  	s30 =	sshrl.u32 s5, $0x2;
	s2 =	sadd.s32 $0x24800, s2;
	[dreg:$0x5] =	wrdreg s29  }
0xf: {  	s4 =	sadd.s32 $0x2E800, s4;
	[dreg:$0x6] =	wrdreg s2;
	s2 =	sadd.s32 s30, s3  }
0x10: {  	s21 =	simm.s32 $0xA;
	[dreg:$0x7] =	wrdreg s4;
	s7 =	sshrl.u32 s2, $0x3  }
0x11: {  	s4 =	simm.s32 $0x15;
	s2 =	simm.s32 $0x0;
	[dreg:$0xa] =	wrdreg s7  }
.LBB2_1:
0x12: {  	[dreg:$0xb] =	wrdreg s2  }
0x13: {  	s0 =	simm.s32 $0x0;
	s28 =	rddreg [dreg:$0x5]  }
0x14: {  	[tilespmem:s0], [sflag:$0x15] =	stream.linear.gather [hbm4b:s28+s0], $0x2800, $0x38;
	[tilespmem:$0x13C40] =	vst v63  }
0x15: {  	_ =	swait.ge [sflag:s4], $0x2800  }
0x16: {  	[sflag:s4] =	ssyncset.done $0x0  }
0x17: {  	s5 =	simm.s32 $0x2800;
	s29 =	rddreg [dreg:$0x6];
	[sflag:s4] =	ssyncadd.s32 $0xFFFFD800  }
0x18: {  	[tilespmem:s5], [sflag:$0x15] =	stream.linear.gather [hbm4b:s29+s0], $0x2800, $0x38;
	[tilespmem:$0x13C40] =	vst v63  }
0x19: {  	_ =	swait.ge [sflag:s4], $0x2800  }
0x1a: {  	[sflag:s4] =	ssyncset.done $0x0  }
0x1b: {  	s30 =	rddreg [dreg:$0x4];
	[sflag:s4] =	ssyncadd.s32 $0xFFFFD800  }
0x1c: {  	[spmem:s7], [sflag:s6] =	dma.local [hbm:s30], $0xA00  }
0x1d: {  	_ =	swait.ge [sflag:s4], $0xA00  }
0x1e: {  	[sflag:s4] =	ssyncset.done $0x0  }
0x1f: {  	s31 =	simm.s32 $0x5000;
	[sflag:s4] =	ssyncadd.s32 $0xFFFFF600  }
0x20: {  	[tilespmem:s31], [sflag:$0x1] =	stream.indirect.gather [hbm4b:s1+s14], $0x20, s0, s14, $0xb8;
	[tilespmem:$0x13C40] =	vst v63  }
0x21: {  	s5 =	simm.s32 $0x5FA0;
	s4 =	simm.s32 $0x80  }
0x22: {  	[tilespmem:s5], [sflag:$0x2] =	stream.indirect.gather [hbm4b:s1+s14], $0x20, s4, s14, $0xb8;
	[tilespmem:$0x13C40] =	vst v63  }
0x23: {  	s8 =	simm.s32 $0x6F40;
	s6 =	simm.s32 $0x100  }
0x24: {  	[tilespmem:s8], [sflag:$0x3] =	stream.indirect.gather [hbm4b:s1+s14], $0x20, s6, s14, $0xb8;
	[tilespmem:$0x13C40] =	vst v63  }
0x25: {  	s9 =	simm.s32 $0x7EE0;
	s7 =	simm.s32 $0x180  }
0x26: {  	[tilespmem:s9], [sflag:$0x4] =	stream.indirect.gather [hbm4b:s1+s14], $0x20, s7, s14, $0xb8;
	[tilespmem:$0x13C40] =	vst v63  }
0x27: {  	s10 =	simm.s32 $0x200;
	s9 =	simm.s32 $0x8E80  }
0x28: {  	[tilespmem:s9], [sflag:$0x5] =	stream.indirect.gather [hbm4b:s1+s14], $0x20, s10, s14, $0xb8;
	[tilespmem:$0x13C40] =	vst v63  }
0x29: {  	s11 =	simm.s32 $0x280;
	s13 =	simm.s32 $0x9E20  }
0x2a: {  	[tilespmem:s13], [sflag:$0x6] =	stream.indirect.gather [hbm4b:s1+s14], $0x20, s11, s14, $0xb8;
	[tilespmem:$0x13C40] =	vst v63  }
0x2b: {  	s15 =	simm.s32 $0x300;
	s10 =	simm.s32 $0xADC0  }
0x2c: {  	[tilespmem:s10], [sflag:$0x7] =	stream.indirect.gather [hbm4b:s1+s14], $0x20, s15, s14, $0xb8;
	[tilespmem:$0x13C40] =	vst v63  }
0x2d: {  	s19 =	simm.s32 $0x380;
	s22 =	simm.s32 $0xBD60  }
0x2e: {  	[tilespmem:s22], [sflag:$0x8] =	stream.indirect.gather [hbm4b:s1+s14], $0x20, s19, s14, $0xb8;
	[tilespmem:$0x13C40] =	vst v63  }
0x2f: {  	s23 =	simm.s32 $0x400;
	p0 =	por $0x1, $0x1;
	s11 =	simm.s32 $0xCD00  }
0x30: {  	[tilespmem:s11], [sflag:$0x9] =	stream.indirect.gather [hbm4b:s1+s14], $0x20, s23, s14, $0xb8;
	[tilespmem:$0x13C40] =	vst v63  }
0x31: {  	s4 =	simm.s32 @!p0 $0x14;
	[bflag:$0x0] =	sbarrier.arrive $0xFFFF  }
0x32: {  	_ =	swait.ge @!p0 [sflag:s4], $0xFA0  }
0x33: {  	[sflag:s4] =	ssyncset.done @!p0 $0x0  }
0x34: {  	s24 =	simm.s32 $0x480;
	s25 =	simm.s32 $0x1;
	[sflag:s4] =	ssyncadd.s32 @!p0 $0xFFFFF060  }
0x35: {  	[tilespmem:s12], [sflag:$0xA] =	stream.indirect.gather [hbm4b:s1+s14], $0x20, s24, s14, $0xb8;
	[tilespmem:$0x13C40] =	vst v63  }
0x36: {  	_ =	swait.ge [sflag:s25], $0xFA0  }
0x37: {  	p0 =	por $0x0, $0x0;
	[sflag:s25] =	ssyncset.done $0x0  }
0x38: {  	s26 =	simm.s32 $0x2800;
	s6 =	simm.s32 @p0 $0x2;
	[sflag:s25] =	ssyncadd.s32 $0xFFFFF060  }
0x39: {  	[spmem:s3] =	stream.indirect.scatter.add.f32 [tilespmem:s31], [sflag:$0xB], $0x20, s26, s14, $0xb8;
	[tilespmem:$0x13C40] =	vst v63  }
0x3a: {  	_ =	swait.ge @p0 [sflag:s6], $0xFA0  }
0x3b: {  	s4 =	simm.s32 @p0 $0x2880;
	s5 =	simm.s32 @p0 $0x7D;
	[sflag:s6] =	ssyncset.done @p0 $0x0  }
0x3c: {  	s7 =	simm.s32 @p0 $0x5FA0;
	[sflag:s6] =	ssyncadd.s32 @p0 $0xFFFFF060;
	s6 =	simm.s32 @!p0 $0xB  }
0x3d: {  	[spmem:s3] =	stream.indirect.scatter.add.f32 @p0 [tilespmem:s7], [sflag:$0xC], $0x20, s4, s5, $0xb8;
	[tilespmem:$0x13C40] =	vst v63  }
0x3e: {  	_ =	swait.ge @!p0 [sflag:s6], $0xFA0  }
0x3f: {  	s7 =	simm.s32 @!p0 $0x500;
	[sflag:s6] =	ssyncset.done @!p0 $0x0  }
0x40: {  	s4 =	simm.s32 @!p0 $0x7D;
	[sflag:s6] =	ssyncadd.s32 @!p0 $0xFFFFF060;
	s6 =	simm.s32 @!p0 $0x5000  }
0x41: {  	[tilespmem:s6], [sflag:$0x1] =	stream.indirect.gather @!p0 [hbm4b:s1+s4], $0x20, s7, s4, $0xb8;
	[tilespmem:$0x13C40] =	vst v63  }
0x42: {  	s6 =	simm.s32 @!p0 $0x2  }
0x43: {  	_ =	swait.ge @!p0 [sflag:s6], $0xFA0  }
0x44: {  	[sflag:s6] =	ssyncset.done @!p0 $0x0  }
0x45: {  	s7 =	simm.s32 @!p0 $0x2880;
	[sflag:s6] =	ssyncadd.s32 @!p0 $0xFFFFF060;
	s6 =	simm.s32 @!p0 $0x5FA0  }
0x46: {  	[spmem:s3] =	stream.indirect.scatter.add.f32 @!p0 [tilespmem:s6], [sflag:$0xC], $0x20, s7, s4, $0xb8;
	[tilespmem:$0x13C40] =	vst v63  }
0x47: {  	s7 =	simm.s32 @!p0 $0xC  }
0x48: {  	_ =	swait.ge @!p0 [sflag:s7], $0xFA0  }
0x49: {  	[sflag:s7] =	ssyncset.done @!p0 $0x0  }
0x4a: {  	[sflag:s7] =	ssyncadd.s32 @!p0 $0xFFFFF060;
	s7 =	simm.s32 @!p0 $0x580  }
0x4b: {  	[tilespmem:s6], [sflag:$0x2] =	stream.indirect.gather @!p0 [hbm4b:s1+s4], $0x20, s7, s4, $0xb8;
	[tilespmem:$0x13C40] =	vst v63  }
0x4c: {  	_ =	swait.ge [sflag:s16], $0xFA0  }
0x4d: {  	[sflag:s16] =	ssyncset.done $0x0  }
0x4e: {  	s28 =	simm.s32 $0x2900;
	s7 =	simm.s32 @p0 $0x4;
	[sflag:s16] =	ssyncadd.s32 $0xFFFFF060  }
0x4f: {  	[spmem:s3] =	stream.indirect.scatter.add.f32 [tilespmem:s8], [sflag:$0xD], $0x20, s28, s14, $0xb8;
	[tilespmem:$0x13C40] =	vst v63  }
0x50: {  	_ =	swait.ge @p0 [sflag:s7], $0xFA0  }
0x51: {  	[sflag:s7] =	ssyncset.done @p0 $0x0  }
0x52: {  	s6 =	simm.s32 @p0 $0x2980;
	[sflag:s7] =	ssyncadd.s32 @p0 $0xFFFFF060;
	s7 =	simm.s32 @p0 $0x7EE0  }
0x53: {  	[spmem:s3] =	stream.indirect.scatter.add.f32 @p0 [tilespmem:s7], [sflag:$0xE], $0x20, s6, s5, $0xb8;
	[tilespmem:$0x13C40] =	vst v63  }
0x54: {  	s6 =	simm.s32 @!p0 $0xD  }
0x55: {  	_ =	swait.ge @!p0 [sflag:s6], $0xFA0  }
0x56: {  	[sflag:s6] =	ssyncset.done @!p0 $0x0  }
0x57: {  	s7 =	simm.s32 @!p0 $0x600;
	[sflag:s6] =	ssyncadd.s32 @!p0 $0xFFFFF060;
	s6 =	simm.s32 @!p0 $0x6F40  }
0x58: {  	[tilespmem:s6], [sflag:$0x3] =	stream.indirect.gather @!p0 [hbm4b:s1+s4], $0x20, s7, s4, $0xb8;
	[tilespmem:$0x13C40] =	vst v63  }
0x59: {  	s6 =	simm.s32 @!p0 $0x4  }
0x5a: {  	_ =	swait.ge @!p0 [sflag:s6], $0xFA0  }
0x5b: {  	[sflag:s6] =	ssyncset.done @!p0 $0x0  }
0x5c: {  	s7 =	simm.s32 @!p0 $0x2980;
	[sflag:s6] =	ssyncadd.s32 @!p0 $0xFFFFF060;
	s6 =	simm.s32 @!p0 $0x7EE0  }
0x5d: {  	[spmem:s3] =	stream.indirect.scatter.add.f32 @!p0 [tilespmem:s6], [sflag:$0xE], $0x20, s7, s4, $0xb8;
	[tilespmem:$0x13C40] =	vst v63  }
0x5e: {  	s7 =	simm.s32 @!p0 $0xE  }
0x5f: {  	_ =	swait.ge @!p0 [sflag:s7], $0xFA0  }
0x60: {  	[sflag:s7] =	ssyncset.done @!p0 $0x0  }
0x61: {  	[sflag:s7] =	ssyncadd.s32 @!p0 $0xFFFFF060;
	s7 =	simm.s32 @!p0 $0x680  }
0x62: {  	[tilespmem:s6], [sflag:$0x4] =	stream.indirect.gather @!p0 [hbm4b:s1+s4], $0x20, s7, s4, $0xb8;
	[tilespmem:$0x13C40] =	vst v63  }
0x63: {  	_ =	swait.ge [sflag:s17], $0xFA0  }
0x64: {  	[sflag:s17] =	ssyncset.done $0x0  }
0x65: {  	s29 =	simm.s32 $0x2A00;
	s7 =	simm.s32 @p0 $0x6;
	[sflag:s17] =	ssyncadd.s32 $0xFFFFF060  }
0x66: {  	[spmem:s3] =	stream.indirect.scatter.add.f32 [tilespmem:s9], [sflag:$0xF], $0x20, s29, s14, $0xb8;
	[tilespmem:$0x13C40] =	vst v63  }
0x67: {  	_ =	swait.ge @p0 [sflag:s7], $0xFA0  }
0x68: {  	[sflag:s7] =	ssyncset.done @p0 $0x0  }
0x69: {  	s6 =	simm.s32 @p0 $0x2A80;
	[sflag:s7] =	ssyncadd.s32 @p0 $0xFFFFF060;
	s7 =	simm.s32 @p0 $0x9E20  }
0x6a: {  	[spmem:s3] =	stream.indirect.scatter.add.f32 @p0 [tilespmem:s7], [sflag:$0x10], $0x20, s6, s5, $0xb8;
	[tilespmem:$0x13C40] =	vst v63  }
0x6b: {  	s6 =	simm.s32 @!p0 $0xF  }
0x6c: {  	_ =	swait.ge @!p0 [sflag:s6], $0xFA0  }
0x6d: {  	[sflag:s6] =	ssyncset.done @!p0 $0x0  }
0x6e: {  	s7 =	simm.s32 @!p0 $0x700;
	[sflag:s6] =	ssyncadd.s32 @!p0 $0xFFFFF060;
	s6 =	simm.s32 @!p0 $0x8E80  }
0x6f: {  	[tilespmem:s6], [sflag:$0x5] =	stream.indirect.gather @!p0 [hbm4b:s1+s4], $0x20, s7, s4, $0xb8;
	[tilespmem:$0x13C40] =	vst v63  }
0x70: {  	s6 =	simm.s32 @!p0 $0x6  }
0x71: {  	_ =	swait.ge @!p0 [sflag:s6], $0xFA0  }
0x72: {  	[sflag:s6] =	ssyncset.done @!p0 $0x0  }
0x73: {  	s7 =	simm.s32 @!p0 $0x2A80;
	[sflag:s6] =	ssyncadd.s32 @!p0 $0xFFFFF060;
	s6 =	simm.s32 @!p0 $0x9E20  }
0x74: {  	[spmem:s3] =	stream.indirect.scatter.add.f32 @!p0 [tilespmem:s6], [sflag:$0x10], $0x20, s7, s4, $0xb8;
	[tilespmem:$0x13C40] =	vst v63  }
0x75: {  	s7 =	simm.s32 @!p0 $0x10  }
0x76: {  	_ =	swait.ge @!p0 [sflag:s7], $0xFA0  }
0x77: {  	[sflag:s7] =	ssyncset.done @!p0 $0x0  }
0x78: {  	[sflag:s7] =	ssyncadd.s32 @!p0 $0xFFFFF060;
	s7 =	simm.s32 @!p0 $0x780  }
0x79: {  	[tilespmem:s6], [sflag:$0x6] =	stream.indirect.gather @!p0 [hbm4b:s1+s4], $0x20, s7, s4, $0xb8;
	[tilespmem:$0x13C40] =	vst v63  }
0x7a: {  	_ =	swait.ge [sflag:s18], $0xFA0  }
0x7b: {  	[sflag:s18] =	ssyncset.done $0x0  }
0x7c: {  	s30 =	simm.s32 $0x2B00;
	s7 =	simm.s32 @p0 $0x8;
	[sflag:s18] =	ssyncadd.s32 $0xFFFFF060  }
0x7d: {  	[spmem:s3] =	stream.indirect.scatter.add.f32 [tilespmem:s10], [sflag:$0x11], $0x20, s30, s14, $0xb8;
	[tilespmem:$0x13C40] =	vst v63  }
0x7e: {  	_ =	swait.ge @p0 [sflag:s7], $0xFA0  }
0x7f: {  	[sflag:s7] =	ssyncset.done @p0 $0x0  }
0x80: {  	s6 =	simm.s32 @p0 $0x2B80;
	[sflag:s7] =	ssyncadd.s32 @p0 $0xFFFFF060;
	s7 =	simm.s32 @p0 $0xBD60  }
0x81: {  	[spmem:s3] =	stream.indirect.scatter.add.f32 @p0 [tilespmem:s7], [sflag:$0x12], $0x20, s6, s5, $0xb8;
	[tilespmem:$0x13C40] =	vst v63  }
0x82: {  	s5 =	simm.s32 @!p0 $0x11  }
0x83: {  	_ =	swait.ge @!p0 [sflag:s5], $0xFA0  }
0x84: {  	s6 =	simm.s32 @!p0 $0x800;
	[sflag:s5] =	ssyncset.done @!p0 $0x0  }
0x85: {  	s7 =	simm.s32 @!p0 $0xADC0;
	[sflag:s5] =	ssyncadd.s32 @!p0 $0xFFFFF060;
	s5 =	simm.s32 @!p0 $0x8  }
0x86: {  	[tilespmem:s7], [sflag:$0x7] =	stream.indirect.gather @!p0 [hbm4b:s1+s4], $0x20, s6, s4, $0xb8;
	[tilespmem:$0x13C40] =	vst v63  }
0x87: {  	_ =	swait.ge @!p0 [sflag:s5], $0xFA0  }
0x88: {  	s6 =	simm.s32 @!p0 $0x2B80;
	[sflag:s5] =	ssyncset.done @!p0 $0x0  }
0x89: {  	s7 =	simm.s32 @!p0 $0xBD60;
	[sflag:s5] =	ssyncadd.s32 @!p0 $0xFFFFF060;
	s5 =	simm.s32 @!p0 $0x12  }
0x8a: {  	[spmem:s3] =	stream.indirect.scatter.add.f32 @!p0 [tilespmem:s7], [sflag:$0x12], $0x20, s6, s4, $0xb8;
	[tilespmem:$0x13C40] =	vst v63  }
0x8b: {  	_ =	swait.ge @!p0 [sflag:s5], $0xFA0  }
0x8c: {  	[sflag:s5] =	ssyncset.done @!p0 $0x0  }
0x8d: {  	s6 =	simm.s32 @!p0 $0x880;
	[sflag:s5] =	ssyncadd.s32 @!p0 $0xFFFFF060  }
0x8e: {  	[tilespmem:s7], [sflag:$0x8] =	stream.indirect.gather @!p0 [hbm4b:s1+s4], $0x20, s6, s4, $0xb8;
	[tilespmem:$0x13C40] =	vst v63  }
0x8f: {  	_ =	swait.ge [sflag:s20], $0xFA0  }
0x90: {  	[sflag:s20] =	ssyncset.done $0x0  }
0x91: {  	s31 =	simm.s32 $0x2C00;
	s6 =	simm.s32 @!p0 $0x13;
	[sflag:s20] =	ssyncadd.s32 $0xFFFFF060  }
0x92: {  	[spmem:s3] =	stream.indirect.scatter.add.f32 [tilespmem:s11], [sflag:$0x13], $0x20, s31, s14, $0xb8;
	[tilespmem:$0x13C40] =	vst v63  }
0x93: {  	p1 =	por $0x0, $0x0;
	_ =	swait.ge @!p0 [sflag:s6], $0xFA0  }
0x94: {  	s22 =	simm.s32 $0x2C80;
	s24 =	simm.s32 $0x1400;
	[sflag:s6] =	ssyncset.done @!p0 $0x0  }
0x95: {  	s5 =	simm.s32 @!p0 $0x900;
	s7 =	simm.s32 @!p0 $0xCD00;
	[sflag:s6] =	ssyncadd.s32 @!p0 $0xFFFFF060  }
0x96: {  	[tilespmem:s7], [sflag:$0x9] =	stream.indirect.gather @!p0 [hbm4b:s1+s4], $0x20, s5, s4, $0xb8;
	[tilespmem:$0x13C40] =	vst v63  }
0x97: {  	s9 =	simm.s32 $0x2800;
	s4 =	simm.s32 $0x8;
	_ =	swait.ge [sflag:s21], $0xFA0  }
.LBB2_2:
0x98: {  	s5 =	simm.s32 @!p1 $0x14  }
0x99: {  	[sflag:s21] =	ssyncset.done $0x0;
	s10 =	smov.u32 s9;
	s9 =	sadd.s32 $0x1400, s9  }
0x9a: {  	s0 =	simm.s32 $0xDCA0;
	p0 =	sne.s32 s9, $0xA000;
	[sflag:s21] =	ssyncadd.s32 $0xFFFFF060  }
0x9b: {  	[spmem:s3] =	stream.indirect.scatter.add.f32 [tilespmem:s0], [sflag:$0x14], $0x20, s22, s14, $0xb8;
	[tilespmem:$0x13C40] =	vst v63  }
0x9c: {  	s25 =	sshra.s32 s24, $0x2;
	_ =	swait.ge @!p1 [sflag:s5], $0xFA0  }
0x9d: {  	s6 =	sadd.s32 $0x480, s25;
	s22 =	sadd.s32 $0x2C80, s25;
	[sflag:s5] =	ssyncset.done @!p1 $0x0  }
0x9e: {  	[sflag:s5] =	ssyncadd.s32 @!p1 $0xFFFFF060  }
0x9f: {  	[tilespmem:s0], [sflag:$0xA] =	stream.indirect.gather [hbm4b:s1+s14], $0x20, s6, s14, $0xb8;
	[tilespmem:$0x13C40] =	vst v63  }
0xa0: {  	s0 =	simm.s32 $0x1  }
0xa1: {  	p1 =	seq.s32 s24, $0x8C00;
	_ =	swait.ge [sflag:s0], $0xFA0  }
0xa2: {  	s5 =	sadd.s32 $0x2800, s25;
	s6 =	simm.s32 @p1 $0x2;
	[sflag:s0] =	ssyncset.done $0x0  }
0xa3: {  	s7 =	sshra.s32 @p1 s24, $0x2;
	[sflag:s0] =	ssyncadd.s32 $0xFFFFF060;
	s0 =	simm.s32 $0x5000  }
0xa4: {  	[spmem:s3] =	stream.indirect.scatter.add.f32 [tilespmem:s0], [sflag:$0xB], $0x20, s5, s14, $0xb8;
	[tilespmem:$0x13C40] =	vst v63  }
0xa5: {  	s24 =	sshra.s32 @!p1 s24, $0x2;
	s5 =	sadd.s32 @p1 $0x2880, s7;
	_ =	swait.ge @p1 [sflag:s6], $0xFA0  }
0xa6: {  	s29 =	simm.s32 @p1 $0x7D;
	s8 =	simm.s32 @p1 $0x5FA0;
	[sflag:s6] =	ssyncset.done @p1 $0x0  }
0xa7: {  	s12 =	sadd.s32 @!p1 $0x500, s24;
	[sflag:s6] =	ssyncadd.s32 @p1 $0xFFFFF060;
	s6 =	simm.s32 @!p1 $0xB  }
0xa8: {  	[spmem:s3] =	stream.indirect.scatter.add.f32 @p1 [tilespmem:s8], [sflag:$0xC], $0x20, s5, s29, $0xb8;
	[tilespmem:$0x13C40] =	vst v63  }
0xa9: {  	s31 =	sadd.s32 @!p1 $0x580, s24;
	s5 =	sadd.s32 @!p1 $0x2880, s24;
	_ =	swait.ge @!p1 [sflag:s6], $0xFA0  }
0xaa: {  	s26 =	simm.s32 @!p1 $0x7D;
	s8 =	simm.s32 @!p1 $0x5000;
	[sflag:s6] =	ssyncset.done @!p1 $0x0  }
0xab: {  	s28 =	sadd.s32 @p1 $0x2980, s7;
	[sflag:s6] =	ssyncadd.s32 @!p1 $0xFFFFF060;
	s6 =	simm.s32 @!p1 $0x2  }
0xac: {  	[tilespmem:s8], [sflag:$0x1] =	stream.indirect.gather @!p1 [hbm4b:s1+s26], $0x20, s12, s26, $0xb8;
	[tilespmem:$0x13C40] =	vst v63  }
0xad: {  	s2 =	sadd.s32 @!p1 $0x600, s24;
	s23 =	sadd.s32 @!p1 $0x2980, s24;
	_ =	swait.ge @!p1 [sflag:s6], $0xFA0  }
0xae: {  	s19 =	sadd.s32 @!p1 $0x680, s24;
	s0 =	simm.s32 @!p1 $0x5FA0;
	[sflag:s6] =	ssyncset.done @!p1 $0x0  }
0xaf: {  	s15 =	sadd.s32 @p1 $0x2A80, s7;
	[sflag:s6] =	ssyncadd.s32 @!p1 $0xFFFFF060;
	s6 =	simm.s32 @!p1 $0xC  }
0xb0: {  	[spmem:s3] =	stream.indirect.scatter.add.f32 @!p1 [tilespmem:s0], [sflag:$0xC], $0x20, s5, s26, $0xb8;
	[tilespmem:$0x13C40] =	vst v63  }
0xb1: {  	s30 =	sadd.s32 @!p1 $0x2A80, s24;
	s8 =	sadd.s32 @!p1 $0x700, s24;
	_ =	swait.ge @!p1 [sflag:s6], $0xFA0  }
0xb2: {  	s13 =	sadd.s32 @!p1 $0x780, s24;
	s12 =	sadd.s32 @p1 $0x2B80, s7;
	[sflag:s6] =	ssyncset.done @!p1 $0x0  }
0xb3: {  	s7 =	sadd.s32 @!p1 $0x800, s24;
	[sflag:s6] =	ssyncadd.s32 @!p1 $0xFFFFF060;
	s6 =	sadd.s32 @!p1 $0x2B80, s24  }
0xb4: {  	[tilespmem:s0], [sflag:$0x2] =	stream.indirect.gather @!p1 [hbm4b:s1+s26], $0x20, s31, s26, $0xb8;
	[tilespmem:$0x13C40] =	vst v63  }
0xb5: {  	s5 =	sadd.s32 @!p1 $0x880, s24;
	s31 =	sadd.s32 @!p1 $0x900, s24;
	_ =	swait.ge [sflag:s16], $0xFA0  }
0xb6: {  	s0 =	sadd.s32 $0x2900, s25;
	s24 =	smov.u32 s10;
	[sflag:s16] =	ssyncset.done $0x0  }
0xb7: {  	s11 =	simm.s32 $0x6F40;
	s10 =	simm.s32 @p1 $0x4;
	[sflag:s16] =	ssyncadd.s32 $0xFFFFF060  }
0xb8: {  	[spmem:s3] =	stream.indirect.scatter.add.f32 [tilespmem:s11], [sflag:$0xD], $0x20, s0, s14, $0xb8;
	[tilespmem:$0x13C40] =	vst v63  }
0xb9: {  	_ =	swait.ge @p1 [sflag:s10], $0xFA0  }
0xba: {  	s0 =	simm.s32 @p1 $0x7EE0;
	[sflag:s10] =	ssyncset.done @p1 $0x0  }
0xbb: {  	[sflag:s10] =	ssyncadd.s32 @p1 $0xFFFFF060;
	s10 =	simm.s32 @!p1 $0xD  }
0xbc: {  	[spmem:s3] =	stream.indirect.scatter.add.f32 @p1 [tilespmem:s0], [sflag:$0xE], $0x20, s28, s29, $0xb8;
	[tilespmem:$0x13C40] =	vst v63  }
0xbd: {  	_ =	swait.ge @!p1 [sflag:s10], $0xFA0  }
0xbe: {  	s0 =	simm.s32 @!p1 $0x6F40;
	[sflag:s10] =	ssyncset.done @!p1 $0x0  }
0xbf: {  	[sflag:s10] =	ssyncadd.s32 @!p1 $0xFFFFF060;
	s10 =	simm.s32 @!p1 $0x4  }
0xc0: {  	[tilespmem:s0], [sflag:$0x3] =	stream.indirect.gather @!p1 [hbm4b:s1+s26], $0x20, s2, s26, $0xb8;
	[tilespmem:$0x13C40] =	vst v63  }
0xc1: {  	_ =	swait.ge @!p1 [sflag:s10], $0xFA0  }
0xc2: {  	s0 =	simm.s32 @!p1 $0x7EE0;
	[sflag:s10] =	ssyncset.done @!p1 $0x0  }
0xc3: {  	s2 =	simm.s32 @!p1 $0xE;
	[sflag:s10] =	ssyncadd.s32 @!p1 $0xFFFFF060  }
0xc4: {  	[spmem:s3] =	stream.indirect.scatter.add.f32 @!p1 [tilespmem:s0], [sflag:$0xE], $0x20, s23, s26, $0xb8;
	[tilespmem:$0x13C40] =	vst v63  }
0xc5: {  	_ =	swait.ge @!p1 [sflag:s2], $0xFA0  }
0xc6: {  	[sflag:s2] =	ssyncset.done @!p1 $0x0  }
0xc7: {  	[sflag:s2] =	ssyncadd.s32 @!p1 $0xFFFFF060  }
0xc8: {  	[tilespmem:s0], [sflag:$0x4] =	stream.indirect.gather @!p1 [hbm4b:s1+s26], $0x20, s19, s26, $0xb8;
	[tilespmem:$0x13C40] =	vst v63  }
0xc9: {  	_ =	swait.ge [sflag:s17], $0xFA0  }
0xca: {  	s0 =	sadd.s32 $0x2A00, s25;
	[sflag:s17] =	ssyncset.done $0x0  }
0xcb: {  	s10 =	simm.s32 $0x8E80;
	s2 =	simm.s32 @p1 $0x6;
	[sflag:s17] =	ssyncadd.s32 $0xFFFFF060  }
0xcc: {  	[spmem:s3] =	stream.indirect.scatter.add.f32 [tilespmem:s10], [sflag:$0xF], $0x20, s0, s14, $0xb8;
	[tilespmem:$0x13C40] =	vst v63  }
0xcd: {  	_ =	swait.ge @p1 [sflag:s2], $0xFA0  }
0xce: {  	s0 =	simm.s32 @p1 $0x9E20;
	[sflag:s2] =	ssyncset.done @p1 $0x0  }
0xcf: {  	[sflag:s2] =	ssyncadd.s32 @p1 $0xFFFFF060;
	s2 =	simm.s32 @!p1 $0xF  }
0xd0: {  	[spmem:s3] =	stream.indirect.scatter.add.f32 @p1 [tilespmem:s0], [sflag:$0x10], $0x20, s15, s29, $0xb8;
	[tilespmem:$0x13C40] =	vst v63  }
0xd1: {  	_ =	swait.ge @!p1 [sflag:s2], $0xFA0  }
0xd2: {  	s0 =	simm.s32 @!p1 $0x8E80;
	[sflag:s2] =	ssyncset.done @!p1 $0x0  }
0xd3: {  	[sflag:s2] =	ssyncadd.s32 @!p1 $0xFFFFF060;
	s2 =	simm.s32 @!p1 $0x6  }
0xd4: {  	[tilespmem:s0], [sflag:$0x5] =	stream.indirect.gather @!p1 [hbm4b:s1+s26], $0x20, s8, s26, $0xb8;
	[tilespmem:$0x13C40] =	vst v63  }
0xd5: {  	_ =	swait.ge @!p1 [sflag:s2], $0xFA0  }
0xd6: {  	s0 =	simm.s32 @!p1 $0x9E20;
	[sflag:s2] =	ssyncset.done @!p1 $0x0  }
0xd7: {  	[sflag:s2] =	ssyncadd.s32 @!p1 $0xFFFFF060;
	s2 =	simm.s32 @!p1 $0x10  }
0xd8: {  	[spmem:s3] =	stream.indirect.scatter.add.f32 @!p1 [tilespmem:s0], [sflag:$0x10], $0x20, s30, s26, $0xb8;
	[tilespmem:$0x13C40] =	vst v63  }
0xd9: {  	_ =	swait.ge @!p1 [sflag:s2], $0xFA0  }
0xda: {  	[sflag:s2] =	ssyncset.done @!p1 $0x0  }
0xdb: {  	[sflag:s2] =	ssyncadd.s32 @!p1 $0xFFFFF060  }
0xdc: {  	[tilespmem:s0], [sflag:$0x6] =	stream.indirect.gather @!p1 [hbm4b:s1+s26], $0x20, s13, s26, $0xb8;
	[tilespmem:$0x13C40] =	vst v63  }
0xdd: {  	_ =	swait.ge [sflag:s18], $0xFA0  }
0xde: {  	s0 =	sadd.s32 $0x2B00, s25;
	[sflag:s18] =	ssyncset.done $0x0  }
0xdf: {  	s8 =	simm.s32 $0xADC0;
	s2 =	simm.s32 @p1 $0x8;
	[sflag:s18] =	ssyncadd.s32 $0xFFFFF060  }
0xe0: {  	[spmem:s3] =	stream.indirect.scatter.add.f32 [tilespmem:s8], [sflag:$0x11], $0x20, s0, s14, $0xb8;
	[tilespmem:$0x13C40] =	vst v63  }
0xe1: {  	_ =	swait.ge @p1 [sflag:s2], $0xFA0  }
0xe2: {  	s0 =	simm.s32 @p1 $0xBD60;
	[sflag:s2] =	ssyncset.done @p1 $0x0  }
0xe3: {  	[sflag:s2] =	ssyncadd.s32 @p1 $0xFFFFF060;
	s2 =	simm.s32 @!p1 $0x11  }
0xe4: {  	[spmem:s3] =	stream.indirect.scatter.add.f32 @p1 [tilespmem:s0], [sflag:$0x12], $0x20, s12, s29, $0xb8;
	[tilespmem:$0x13C40] =	vst v63  }
0xe5: {  	_ =	swait.ge @!p1 [sflag:s2], $0xFA0  }
0xe6: {  	s0 =	simm.s32 @!p1 $0xADC0;
	[sflag:s2] =	ssyncset.done @!p1 $0x0  }
0xe7: {  	[sflag:s2] =	ssyncadd.s32 @!p1 $0xFFFFF060;
	s2 =	simm.s32 @!p1 $0x8  }
0xe8: {  	[tilespmem:s0], [sflag:$0x7] =	stream.indirect.gather @!p1 [hbm4b:s1+s26], $0x20, s7, s26, $0xb8;
	[tilespmem:$0x13C40] =	vst v63  }
0xe9: {  	_ =	swait.ge @!p1 [sflag:s2], $0xFA0  }
0xea: {  	s0 =	simm.s32 @!p1 $0xBD60;
	[sflag:s2] =	ssyncset.done @!p1 $0x0  }
0xeb: {  	[sflag:s2] =	ssyncadd.s32 @!p1 $0xFFFFF060;
	s2 =	simm.s32 @!p1 $0x12  }
0xec: {  	[spmem:s3] =	stream.indirect.scatter.add.f32 @!p1 [tilespmem:s0], [sflag:$0x12], $0x20, s6, s26, $0xb8;
	[tilespmem:$0x13C40] =	vst v63  }
0xed: {  	_ =	swait.ge @!p1 [sflag:s2], $0xFA0  }
0xee: {  	[sflag:s2] =	ssyncset.done @!p1 $0x0  }
0xef: {  	[sflag:s2] =	ssyncadd.s32 @!p1 $0xFFFFF060  }
0xf0: {  	[tilespmem:s0], [sflag:$0x8] =	stream.indirect.gather @!p1 [hbm4b:s1+s26], $0x20, s5, s26, $0xb8;
	[tilespmem:$0x13C40] =	vst v63  }
0xf1: {  	_ =	swait.ge [sflag:s20], $0xFA0  }
0xf2: {  	s0 =	sadd.s32 $0x2C00, s25;
	[sflag:s20] =	ssyncset.done $0x0  }
0xf3: {  	s2 =	simm.s32 @!p1 $0x13;
	s5 =	simm.s32 $0xCD00;
	[sflag:s20] =	ssyncadd.s32 $0xFFFFF060  }
0xf4: {  	[spmem:s3] =	stream.indirect.scatter.add.f32 [tilespmem:s5], [sflag:$0x13], $0x20, s0, s14, $0xb8;
	[tilespmem:$0x13C40] =	vst v63  }
.Ltmp0:
0xf5: {  	_ =	swait.ge @!p1 [sflag:s2], $0xFA0;
	(pc) =	sbr.rel @p0 .LBB2_2-.Ltmp0, $4  }
0xf6: {  	s0 =	simm.s32 @!p1 $0xCD00;
	[sflag:s2] =	ssyncset.done @!p1 $0x0  }
0xf7: {  	s4 =	sadd.s32 $0xA, s4;
	[sflag:s2] =	ssyncadd.s32 @!p1 $0xFFFFF060  }
0xf8: {  	[tilespmem:s0], [sflag:$0x9] =	stream.indirect.gather @!p1 [hbm4b:s1+s26], $0x20, s31, s26, $0xb8;
	[tilespmem:$0x13C40] =	vst v63  }
0xf9: {  	p1 =	sgt.u32 s4, $0x45;
	_ =	swait.ge [sflag:s21], $0xFA0  }
0xfa: {  	[sflag:s21] =	ssyncset.done $0x0  }
0xfb: {  	s0 =	simm.s32 @!p1 $0x14;
	s10 =	simm.s32 $0xDCA0;
	[sflag:s21] =	ssyncadd.s32 $0xFFFFF060  }
0xfc: {  	[spmem:s3] =	stream.indirect.scatter.add.f32 [tilespmem:s10], [sflag:$0x14], $0x20, s22, s14, $0xb8;
	[tilespmem:$0x13C40] =	vst v63  }
0xfd: {  	_ =	swait.ge @!p1 [sflag:s0], $0xFA0  }
0xfe: {  	s4 =	sshra.s32 s24, $0x2;
	[sflag:s0] =	ssyncset.done @!p1 $0x0  }
0xff: {  	s11 =	simm.s32 $0x1;
	s2 =	sadd.s32 $0x480, s4;
	[sflag:s0] =	ssyncadd.s32 @!p1 $0xFFFFF060  }
0x100: {  	[tilespmem:s10], [sflag:$0xA] =	stream.indirect.gather [hbm4b:s1+s14], $0x20, s2, s14, $0xb8;
	[tilespmem:$0x13C40] =	vst v63  }
0x101: {  	_ =	swait.ge [sflag:s11], $0xFA0  }
0x102: {  	p0 =	seq.s32 s24, $0x8C00;
	s5 =	simm.s32 $0x5000;
	[sflag:s11] =	ssyncset.done $0x0  }
0x103: {  	s25 =	sadd.s32 $0x2800, s4;
	s2 =	simm.s32 @p0 $0x2;
	[sflag:s11] =	ssyncadd.s32 $0xFFFFF060  }
0x104: {  	[spmem:s3] =	stream.indirect.scatter.add.f32 [tilespmem:s5], [sflag:$0xB], $0x20, s25, s14, $0xb8;
	[tilespmem:$0x13C40] =	vst v63  }
0x105: {  	s7 =	sshra.s32 @p0 s24, $0x2;
	_ =	swait.ge @p0 [sflag:s2], $0xFA0  }
0x106: {  	s9 =	simm.s32 @p0 $0x7D;
	s0 =	sadd.s32 @p0 $0x2880, s7;
	[sflag:s2] =	ssyncset.done @p0 $0x0  }
0x107: {  	s5 =	simm.s32 @p0 $0x5FA0;
	[sflag:s2] =	ssyncadd.s32 @p0 $0xFFFFF060;
	s2 =	simm.s32 @!p0 $0xB  }
0x108: {  	[spmem:s3] =	stream.indirect.scatter.add.f32 @p0 [tilespmem:s5], [sflag:$0xC], $0x20, s0, s9, $0xb8;
	[tilespmem:$0x13C40] =	vst v63  }
0x109: {  	_ =	swait.ge @!p0 [sflag:s2], $0xFA0  }
0x10a: {  	s6 =	simm.s32 @!p0 $0x7D;
	s5 =	sshra.s32 @!p0 s24, $0x2;
	[sflag:s2] =	ssyncset.done @!p0 $0x0  }
0x10b: {  	s0 =	sadd.s32 @!p0 $0x500, s5;
	[sflag:s2] =	ssyncadd.s32 @!p0 $0xFFFFF060;
	s2 =	simm.s32 @!p0 $0x5000  }
0x10c: {  	[tilespmem:s2], [sflag:$0x1] =	stream.indirect.gather @!p0 [hbm4b:s1+s6], $0x20, s0, s6, $0xb8;
	[tilespmem:$0x13C40] =	vst v63  }
0x10d: {  	s0 =	simm.s32 @!p0 $0x2  }
0x10e: {  	_ =	swait.ge @!p0 [sflag:s0], $0xFA0  }
0x10f: {  	[sflag:s0] =	ssyncset.done @!p0 $0x0  }
0x110: {  	s2 =	sadd.s32 @!p0 $0x2880, s5;
	[sflag:s0] =	ssyncadd.s32 @!p0 $0xFFFFF060;
	s0 =	simm.s32 @!p0 $0x5FA0  }
0x111: {  	[spmem:s3] =	stream.indirect.scatter.add.f32 @!p0 [tilespmem:s0], [sflag:$0xC], $0x20, s2, s6, $0xb8;
	[tilespmem:$0x13C40] =	vst v63  }
0x112: {  	s2 =	simm.s32 @!p0 $0xC  }
0x113: {  	_ =	swait.ge @!p0 [sflag:s2], $0xFA0  }
0x114: {  	[sflag:s2] =	ssyncset.done @!p0 $0x0  }
0x115: {  	[sflag:s2] =	ssyncadd.s32 @!p0 $0xFFFFF060;
	s2 =	sadd.s32 @!p0 $0x580, s5  }
0x116: {  	[tilespmem:s0], [sflag:$0x2] =	stream.indirect.gather @!p0 [hbm4b:s1+s6], $0x20, s2, s6, $0xb8;
	[tilespmem:$0x13C40] =	vst v63  }
0x117: {  	_ =	swait.ge [sflag:s16], $0xFA0  }
0x118: {  	s8 =	simm.s32 $0x6F40;
	[sflag:s16] =	ssyncset.done $0x0  }
0x119: {  	s26 =	sadd.s32 $0x2900, s4;
	s2 =	simm.s32 @p0 $0x4;
	[sflag:s16] =	ssyncadd.s32 $0xFFFFF060  }
0x11a: {  	[spmem:s3] =	stream.indirect.scatter.add.f32 [tilespmem:s8], [sflag:$0xD], $0x20, s26, s14, $0xb8;
	[tilespmem:$0x13C40] =	vst v63  }
0x11b: {  	_ =	swait.ge @p0 [sflag:s2], $0xFA0  }
0x11c: {  	[sflag:s2] =	ssyncset.done @p0 $0x0  }
0x11d: {  	s0 =	sadd.s32 @p0 $0x2980, s7;
	[sflag:s2] =	ssyncadd.s32 @p0 $0xFFFFF060;
	s2 =	simm.s32 @p0 $0x7EE0  }
0x11e: {  	[spmem:s3] =	stream.indirect.scatter.add.f32 @p0 [tilespmem:s2], [sflag:$0xE], $0x20, s0, s9, $0xb8;
	[tilespmem:$0x13C40] =	vst v63  }
0x11f: {  	s0 =	simm.s32 @!p0 $0xD  }
0x120: {  	_ =	swait.ge @!p0 [sflag:s0], $0xFA0  }
0x121: {  	[sflag:s0] =	ssyncset.done @!p0 $0x0  }
0x122: {  	s2 =	sadd.s32 @!p0 $0x600, s5;
	[sflag:s0] =	ssyncadd.s32 @!p0 $0xFFFFF060;
	s0 =	simm.s32 @!p0 $0x6F40  }
0x123: {  	[tilespmem:s0], [sflag:$0x3] =	stream.indirect.gather @!p0 [hbm4b:s1+s6], $0x20, s2, s6, $0xb8;
	[tilespmem:$0x13C40] =	vst v63  }
0x124: {  	s0 =	simm.s32 @!p0 $0x4  }
0x125: {  	_ =	swait.ge @!p0 [sflag:s0], $0xFA0  }
0x126: {  	[sflag:s0] =	ssyncset.done @!p0 $0x0  }
0x127: {  	s2 =	sadd.s32 @!p0 $0x2980, s5;
	[sflag:s0] =	ssyncadd.s32 @!p0 $0xFFFFF060;
	s0 =	simm.s32 @!p0 $0x7EE0  }
0x128: {  	[spmem:s3] =	stream.indirect.scatter.add.f32 @!p0 [tilespmem:s0], [sflag:$0xE], $0x20, s2, s6, $0xb8;
	[tilespmem:$0x13C40] =	vst v63  }
0x129: {  	s2 =	simm.s32 @!p0 $0xE  }
0x12a: {  	_ =	swait.ge @!p0 [sflag:s2], $0xFA0  }
0x12b: {  	[sflag:s2] =	ssyncset.done @!p0 $0x0  }
0x12c: {  	[sflag:s2] =	ssyncadd.s32 @!p0 $0xFFFFF060;
	s2 =	sadd.s32 @!p0 $0x680, s5  }
0x12d: {  	[tilespmem:s0], [sflag:$0x4] =	stream.indirect.gather @!p0 [hbm4b:s1+s6], $0x20, s2, s6, $0xb8;
	[tilespmem:$0x13C40] =	vst v63  }
0x12e: {  	_ =	swait.ge [sflag:s17], $0xFA0  }
0x12f: {  	s29 =	simm.s32 $0x8E80;
	[sflag:s17] =	ssyncset.done $0x0  }
0x130: {  	s28 =	sadd.s32 $0x2A00, s4;
	s2 =	simm.s32 @p0 $0x6;
	[sflag:s17] =	ssyncadd.s32 $0xFFFFF060  }
0x131: {  	[spmem:s3] =	stream.indirect.scatter.add.f32 [tilespmem:s29], [sflag:$0xF], $0x20, s28, s14, $0xb8;
	[tilespmem:$0x13C40] =	vst v63  }
0x132: {  	_ =	swait.ge @p0 [sflag:s2], $0xFA0  }
0x133: {  	[sflag:s2] =	ssyncset.done @p0 $0x0  }
0x134: {  	s0 =	sadd.s32 @p0 $0x2A80, s7;
	[sflag:s2] =	ssyncadd.s32 @p0 $0xFFFFF060;
	s2 =	simm.s32 @p0 $0x9E20  }
0x135: {  	[spmem:s3] =	stream.indirect.scatter.add.f32 @p0 [tilespmem:s2], [sflag:$0x10], $0x20, s0, s9, $0xb8;
	[tilespmem:$0x13C40] =	vst v63  }
0x136: {  	s0 =	simm.s32 @!p0 $0xF  }
0x137: {  	_ =	swait.ge @!p0 [sflag:s0], $0xFA0  }
0x138: {  	[sflag:s0] =	ssyncset.done @!p0 $0x0  }
0x139: {  	s2 =	sadd.s32 @!p0 $0x700, s5;
	[sflag:s0] =	ssyncadd.s32 @!p0 $0xFFFFF060;
	s0 =	simm.s32 @!p0 $0x8E80  }
0x13a: {  	[tilespmem:s0], [sflag:$0x5] =	stream.indirect.gather @!p0 [hbm4b:s1+s6], $0x20, s2, s6, $0xb8;
	[tilespmem:$0x13C40] =	vst v63  }
0x13b: {  	s0 =	simm.s32 @!p0 $0x6  }
0x13c: {  	_ =	swait.ge @!p0 [sflag:s0], $0xFA0  }
0x13d: {  	[sflag:s0] =	ssyncset.done @!p0 $0x0  }
0x13e: {  	s2 =	sadd.s32 @!p0 $0x2A80, s5;
	[sflag:s0] =	ssyncadd.s32 @!p0 $0xFFFFF060;
	s0 =	simm.s32 @!p0 $0x9E20  }
0x13f: {  	[spmem:s3] =	stream.indirect.scatter.add.f32 @!p0 [tilespmem:s0], [sflag:$0x10], $0x20, s2, s6, $0xb8;
	[tilespmem:$0x13C40] =	vst v63  }
0x140: {  	s2 =	simm.s32 @!p0 $0x10  }
0x141: {  	_ =	swait.ge @!p0 [sflag:s2], $0xFA0  }
0x142: {  	[sflag:s2] =	ssyncset.done @!p0 $0x0  }
0x143: {  	[sflag:s2] =	ssyncadd.s32 @!p0 $0xFFFFF060;
	s2 =	sadd.s32 @!p0 $0x780, s5  }
0x144: {  	[tilespmem:s0], [sflag:$0x6] =	stream.indirect.gather @!p0 [hbm4b:s1+s6], $0x20, s2, s6, $0xb8;
	[tilespmem:$0x13C40] =	vst v63  }
0x145: {  	_ =	swait.ge [sflag:s18], $0xFA0  }
0x146: {  	s31 =	simm.s32 $0xADC0;
	[sflag:s18] =	ssyncset.done $0x0  }
0x147: {  	s30 =	sadd.s32 $0x2B00, s4;
	s0 =	simm.s32 @p0 $0x8;
	[sflag:s18] =	ssyncadd.s32 $0xFFFFF060  }
0x148: {  	[spmem:s3] =	stream.indirect.scatter.add.f32 [tilespmem:s31], [sflag:$0x11], $0x20, s30, s14, $0xb8;
	[tilespmem:$0x13C40] =	vst v63  }
0x149: {  	_ =	swait.ge @p0 [sflag:s0], $0xFA0  }
0x14a: {  	[sflag:s0] =	ssyncset.done @p0 $0x0  }
0x14b: {  	s2 =	sadd.s32 @p0 $0x2B80, s7;
	[sflag:s0] =	ssyncadd.s32 @p0 $0xFFFFF060;
	s0 =	simm.s32 @p0 $0xBD60  }
0x14c: {  	[spmem:s3] =	stream.indirect.scatter.add.f32 @p0 [tilespmem:s0], [sflag:$0x12], $0x20, s2, s9, $0xb8;
	[tilespmem:$0x13C40] =	vst v63  }
0x14d: {  	s0 =	simm.s32 @!p0 $0x11  }
0x14e: {  	_ =	swait.ge @!p0 [sflag:s0], $0xFA0  }
0x14f: {  	[sflag:s0] =	ssyncset.done @!p0 $0x0  }
0x150: {  	s2 =	sadd.s32 @!p0 $0x800, s5;
	[sflag:s0] =	ssyncadd.s32 @!p0 $0xFFFFF060;
	s0 =	simm.s32 @!p0 $0xADC0  }
0x151: {  	[tilespmem:s0], [sflag:$0x7] =	stream.indirect.gather @!p0 [hbm4b:s1+s6], $0x20, s2, s6, $0xb8;
	[tilespmem:$0x13C40] =	vst v63  }
0x152: {  	s0 =	simm.s32 @!p0 $0x8  }
0x153: {  	_ =	swait.ge @!p0 [sflag:s0], $0xFA0  }
0x154: {  	[sflag:s0] =	ssyncset.done @!p0 $0x0  }
0x155: {  	s2 =	sadd.s32 @!p0 $0x2B80, s5;
	[sflag:s0] =	ssyncadd.s32 @!p0 $0xFFFFF060;
	s0 =	simm.s32 @!p0 $0xBD60  }
0x156: {  	[spmem:s3] =	stream.indirect.scatter.add.f32 @!p0 [tilespmem:s0], [sflag:$0x12], $0x20, s2, s6, $0xb8;
	[tilespmem:$0x13C40] =	vst v63  }
0x157: {  	s2 =	simm.s32 @!p0 $0x12  }
0x158: {  	_ =	swait.ge @!p0 [sflag:s2], $0xFA0  }
0x159: {  	[sflag:s2] =	ssyncset.done @!p0 $0x0  }
0x15a: {  	[sflag:s2] =	ssyncadd.s32 @!p0 $0xFFFFF060;
	s2 =	sadd.s32 @!p0 $0x880, s5  }
0x15b: {  	[tilespmem:s0], [sflag:$0x8] =	stream.indirect.gather @!p0 [hbm4b:s1+s6], $0x20, s2, s6, $0xb8;
	[tilespmem:$0x13C40] =	vst v63  }
0x15c: {  	_ =	swait.ge [sflag:s20], $0xFA0  }
0x15d: {  	s7 =	simm.s32 $0xCD00;
	[sflag:s20] =	ssyncset.done $0x0  }
0x15e: {  	s2 =	sadd.s32 $0x2C00, s4;
	s0 =	simm.s32 @!p0 $0x13;
	[sflag:s20] =	ssyncadd.s32 $0xFFFFF060  }
0x15f: {  	[spmem:s3] =	stream.indirect.scatter.add.f32 [tilespmem:s7], [sflag:$0x13], $0x20, s2, s14, $0xb8;
	[tilespmem:$0x13C40] =	vst v63  }
0x160: {  	_ =	swait.ge @!p0 [sflag:s0], $0xFA0  }
0x161: {  	[sflag:s0] =	ssyncset.done @!p0 $0x0  }
0x162: {  	s2 =	sadd.s32 @!p0 $0x900, s5;
	[sflag:s0] =	ssyncadd.s32 @!p0 $0xFFFFF060;
	s0 =	simm.s32 @!p0 $0xCD00  }
0x163: {  	[tilespmem:s0], [sflag:$0x9] =	stream.indirect.gather @!p0 [hbm4b:s1+s6], $0x20, s2, s6, $0xb8;
	[tilespmem:$0x13C40] =	vst v63  }
0x164: {  	_ =	swait.ge [sflag:s21], $0xFA0  }
0x165: {  	[sflag:s21] =	ssyncset.done $0x0  }
0x166: {  	s8 =	sadd.s32 $0x2C80, s4;
	s9 =	simm.s32 $0xB;
	[sflag:s21] =	ssyncadd.s32 $0xFFFFF060  }
0x167: {  	[spmem:s3] =	stream.indirect.scatter.add.f32 [tilespmem:s10], [sflag:$0x14], $0x20, s8, s14, $0xb8;
	[tilespmem:$0x13C40] =	vst v63  }
0x168: {  	_ =	swait.ge [sflag:s9], $0xFA0  }
0x169: {  	[sflag:s9] =	ssyncset.done $0x0  }
0x16a: {  	s10 =	simm.s32 $0xC;
	[sflag:s9] =	ssyncadd.s32 $0xFFFFF060  }
0x16b: {  	_ =	swait.ge [sflag:s10], $0xFA0  }
0x16c: {  	[sflag:s10] =	ssyncset.done $0x0  }
0x16d: {  	s13 =	simm.s32 $0xD;
	[sflag:s10] =	ssyncadd.s32 $0xFFFFF060  }
0x16e: {  	_ =	swait.ge [sflag:s13], $0xFA0  }
0x16f: {  	[sflag:s13] =	ssyncset.done $0x0  }
0x170: {  	s15 =	simm.s32 $0xE;
	[sflag:s13] =	ssyncadd.s32 $0xFFFFF060  }
0x171: {  	_ =	swait.ge [sflag:s15], $0xFA0  }
0x172: {  	[sflag:s15] =	ssyncset.done $0x0  }
0x173: {  	s19 =	simm.s32 $0xF;
	[sflag:s15] =	ssyncadd.s32 $0xFFFFF060  }
0x174: {  	_ =	swait.ge [sflag:s19], $0xFA0  }
0x175: {  	[sflag:s19] =	ssyncset.done $0x0  }
0x176: {  	s22 =	simm.s32 $0x10;
	[sflag:s19] =	ssyncadd.s32 $0xFFFFF060  }
0x177: {  	_ =	swait.ge [sflag:s22], $0xFA0  }
0x178: {  	[sflag:s22] =	ssyncset.done $0x0  }
0x179: {  	s23 =	simm.s32 $0x11;
	[sflag:s22] =	ssyncadd.s32 $0xFFFFF060  }
0x17a: {  	_ =	swait.ge [sflag:s23], $0xFA0  }
0x17b: {  	[sflag:s23] =	ssyncset.done $0x0  }
0x17c: {  	s24 =	simm.s32 $0x12;
	[sflag:s23] =	ssyncadd.s32 $0xFFFFF060  }
0x17d: {  	_ =	swait.ge [sflag:s24], $0xFA0  }
0x17e: {  	[sflag:s24] =	ssyncset.done $0x0  }
0x17f: {  	s25 =	simm.s32 $0x13;
	[sflag:s24] =	ssyncadd.s32 $0xFFFFF060  }
0x180: {  	_ =	swait.ge [sflag:s25], $0xFA0  }
0x181: {  	[sflag:s25] =	ssyncset.done $0x0  }
0x182: {  	s26 =	simm.s32 $0x14;
	[sflag:s25] =	ssyncadd.s32 $0xFFFFF060  }
0x183: {  	_ =	swait.ge [sflag:s26], $0xFA0  }
0x184: {  	[sflag:s26] =	ssyncset.done $0x0  }
0x185: {  	[sflag:s26] =	ssyncadd.s32 $0xFFFFF060  }
0x186: {  	[bflag:$0x0] =	sbarrier.arrive $0xFFFF  }
0x187: {  	s28 =	rddreg [dreg:$0x7]  }
0x188: {  	s6 =	rddreg [dreg:$0x9]  }
0x189: {  	s29 =	simm.s32 $0x4;
	s4 =	simm.s32 $0x15;
	s7 =	rddreg [dreg:$0xa]  }
0x18a: {  	[hbm:s28@s22], [sflag:s6] =	dma.strided [spmem:s7@s29], $0xA00, s11, $0x4   }
0x18b: {  	_ =	swait.ge [sflag:s4], $0xA00  }
0x18c: {  	s30 =	rddreg [dreg:$0xb]  }
0x18d: {  	s31 =	rddreg [dreg:$0x8];
	s2 =	sadd.s32 $0x1, s30  }
0x18e: {  	p0 =	sne.s32 s2, s31  }
.Ltmp1:
0x18f: {  	_ = 	snop;
	(pc) =	sbr.rel @p0 .LBB2_1-.Ltmp1, $3  }
0x190: {  	_ =	sdelay $0x1  }
0x191: {  	[sflag:s4] =	ssyncset.done $0x0  }
0x192: {  	s12 =	simm.s32 $0xDCA0;
	[sflag:s4] =	ssyncadd.s32 $0xFFFFF600  }
0x193: {  	_ =	sfence.sel $0x180000  }
0x194: {  	[bflag:$0x0] =	sbarrier.arrive $0xFFFF  }
0x195: {  	_ =	strace $0x9000004A  }
0x196: {  	s0 =	stileid.u32;
	[bflag:$0x2] =	sbarrier.arrive $0xFFFF  }
0x197: {  	p0 =	sne.s32 s0, $0x0;
	s0 =	rddreg [dreg:$0x3]  }
0x198: {  	s0 =	sadd.s32 @!p0 $0x100000, s0  }
0x199: {  	[sflag:s0] =	ssyncadd.tile.s32 @!p0 $0x1;
	_ =	shalt  }
.Lfunc_end2:
_tile_overlayer_lowered:
.L_overlay_start_2:
0x19a: {  	(tag) =	ssettag $0x2  }
0x19b: {  	s0 =	rddreg [dreg:$0x0];
	s2 =	stileid.u32  }
0x19c: {  	s1 =	rddreg [dreg:$0x1];
	p0 =	sne.s32 s2, $0x0  }
0x19d: {  	s3 =	rddreg [dreg:$0x2];
	[bflag:$0x3] =	sbarrier.arrive $0xFFFF;
	s2 =	simm.s32 @!p0 $0x1C15  }
0x19e: {  	[timem:s3], [sflag:s2] =	dma.local @!p0 [hbm:s0], s1  }
0x19f: {  	s0 =	simm.s32 @!p0 $0x15  }
0x1a0: {  	_ =	swait.ge @!p0 [sflag:s0], s1  }
0x1a1: {  	s1 =	ssub.s32 @!p0 $0x0, s1;
	[sflag:s0] =	ssyncset.done @!p0 $0x0  }
0x1a2: {  	[sflag:s0] =	ssyncadd.s32 @!p0 s1  }
0x1a3: {  	[bflag:$0x3] =	sbarrier.arrive $0xFFFF  }
0x1a4: {  	_ =	shalt  }

// kernel: kernel.7.cloned.1.call-start
scs
__scs_entry_jumppad:
0x0: {  	(pc) =	sbr.rel $0x88, $3  }
0x1: {  	(tag) =	ssettag $0x0;
	lr =	simm.s32 $0x1  }
0x2: {  	[smem:$0x3F95] =	sst lr;
	_ =	strace $0xD0000000  }
0x3: {  	_ = 	snop  }
0x4: {  	_ = 	snop  }
0x5: {  	_ = 	snop  }
0x6: {  	_ = 	snop  }
0x7: {  	_ = 	snop  }
__scs_overlays_trampoline_lowered:
0x8: {  	[smem:$0x3FA4] =	sst s0  }
0x9: {  	[smem:$0x3FA5] =	sst s1  }
0xa: {  	[smem:$0x3FA6] =	sst s2  }
0xb: {  	[smem:$0x3FA7] =	sst s3  }
0xc: {  	[smem:$0x3FA8] =	sst s4  }
0xd: {  	[smem:$0x3FA9] =	sst s5  }
0xe: {  	[smem:$0x3FAA] =	sst s6  }
0xf: {  	[smem:$0x3FAB] =	sst s7  }
0x10: {  	[smem:$0x3FAC] =	sst s8  }
0x11: {  	[smem:$0x3FAD] =	sst s9;
	s0 =	simm.s32 @!p0 $0x0  }
0x12: {  	s1 =	sld [smem:$0x3F93];
	s0 =	simm.s32 @p0 $0x1  }
0x13: {  	[smem:$0x3FAE] =	sst s0;
	s0 =	simm.s32 @!p1 $0x0  }
0x14: {  	s2 =	sld [smem:$0x3F92];
	s0 =	simm.s32 @p1 $0x1  }
0x15: {  	[smem:$0x3FAF] =	sst s0;
	s0 =	simm.s32 @!p2 $0x0  }
0x16: {  	s3 =	sld [smem:$0x3FDB];
	s0 =	simm.s32 @p2 $0x1  }
0x17: {  	s4 =	simm.s32 $0x1BF5;
	[smem:$0x3FB1] =	sst s0  }
0x18: {  	s0 =	sld [smem:$0x3F94];
	_ =	swait.ge [sflag:s4], $0x0  }
0x19: {  	s7 =	sld [smem:$0x3F95]  }
0x1a: {  	s8 =	sadd.s32 $0xFFFFE003, lr  }
0x1b: {  	s9 =	sadd.s32 $0xFFFFFEF7, lr;
	s5 =	simm.s32 $0xFFFFFFFF;
	p2 =	slt.u32 s8, $0xFFFFF086  }
0x1c: {  	p1 =	slt.u32 s9, $0xF7A;
	s5 =	simm.s32 @!p2 $0x0  }
0x1d: {  	s5 =	simm.s32 @p1 $0x1;
	p0 =	seq.s32 s7, s2  }
0x1e: {  	s7 =	smul.u32 @!p0 $0xF7A, s2;
	p2 =	seq.s32 @!p0 s5, $0x0  }
0x1f: {  	s9 =	smul.u32 $0xF7A, s1;
	s8 =	simm.s32 @!p0 $0x1BF5;
	p2 =	por !p2, p0  }
0x20: {  	[sflag:s8] =	ssyncset.s32 @!p0 $0xFFFFF086;
	s6 =	sadd.s32 @!p0 s3, s7;
	s7 =	simm.s32 @!p0 $0x108  }
0x21: {  	s3 =	sadd.s32 s3, s9;
	s6 =	sadd.s32 @!p0 $0x88, s6;
	s7 =	simm.s32 @p2 $0x1082  }
0x22: {  	[simem:s7], [sflag:s8] =	dma.local @!p0 [hbm:s6], $0xF7A  }
0x23: {  	s9 =	sor.u32 $0xD0000000, s2;
	s6 =	simm.s32 $0x108;
	_ =	swait.ge @!p0 [sflag:s8], $0x0  }
0x24: {  	s3 =	sadd.s32 $0x88, s3;
	s6 =	simm.s32 @!p1 $0x1082;
	[sflag:s4] =	ssyncset.s32 $0xFFFFF086  }
0x25: {  	[simem:s6], [sflag:s4] =	dma.local [hbm:s3], $0xF7A  }
0x26: {  	[smem:$0x3F95] =	sst s1;
	(tag) =	ssettag s2;
	_ =	strace s9  }
0x27: {  	s1 =	sld [smem:$0x3FA5]  }
0x28: {  	s2 =	sld [smem:$0x3FA6]  }
0x29: {  	s4 =	sld [smem:$0x3FA8]  }
0x2a: {  	p0 =	seq.s32 s5, $0x0;
	s5 =	sld [smem:$0x3FA9]  }
0x2b: {  	s6 =	sld [smem:$0x3FAA]  }
0x2c: {  	s7 =	sld [smem:$0x3FAB]  }
0x2d: {  	s3 =	simm.s32 $0x108;
	s8 =	sld [smem:$0x3FAC]  }
0x2e: {  	s3 =	simm.s32 @!p0 $0x1082;
	s9 =	sld [smem:$0x3FAD]  }
0x2f: {  	lr =	sadd.s32 s0, s3;
	s0 =	sld [smem:$0x3FA4]  }
0x30: {  	s3 =	sld [smem:$0x3FA7]  }
0x31: {  	[smem:$0x3FB0] =	sst s10  }
0x32: {  	s10 =	sld [smem:$0x3FAE];
	_ =	sdelay $0x3  }
0x33: {  	p0 =	seq.s32 s10, $0x1;
	s10 =	sld [smem:$0x3FB0];
	_ =	sdelay $0x3  }
0x34: {  	[smem:$0x3FB0] =	sst s10  }
0x35: {  	s10 =	sld [smem:$0x3FAF];
	_ =	sdelay $0x3  }
0x36: {  	p1 =	seq.s32 s10, $0x1;
	s10 =	sld [smem:$0x3FB0];
	_ =	sdelay $0x3  }
0x37: {  	[smem:$0x3FB0] =	sst s10  }
0x38: {  	s10 =	sld [smem:$0x3FB1]  }
0x39: {  	_ = 	snop;
	(pc) =	sbr.ind lr, $3  }
0x3a: {  	_ = 	snop  }
0x3b: {  	_ = 	snop  }
0x3c: {  	p2 =	seq.s32 s10, $0x1;
	s10 =	sld [smem:$0x3FB0]  }
0x3d: {  	_ =	shalt  }
0x3e: {  	_ =	shalt  }
0x3f: {  	_ =	shalt  }
0x40: {  	_ =	shalt  }
0x41: {  	_ =	shalt  }
0x42: {  	_ =	shalt  }
0x43: {  	_ =	shalt  }
0x44: {  	_ =	shalt  }
0x45: {  	_ =	shalt  }
0x46: {  	_ =	shalt  }
0x47: {  	_ =	shalt  }
0x48: {  	_ =	shalt  }
0x49: {  	_ =	shalt  }
0x4a: {  	_ =	shalt  }
0x4b: {  	_ =	shalt  }
0x4c: {  	_ =	shalt  }
0x4d: {  	_ =	shalt  }
0x4e: {  	_ =	shalt  }
0x4f: {  	_ =	shalt  }
0x50: {  	_ =	shalt  }
0x51: {  	_ =	shalt  }
0x52: {  	_ =	shalt  }
0x53: {  	_ =	shalt  }
0x54: {  	_ =	shalt  }
0x55: {  	_ =	shalt  }
0x56: {  	_ =	shalt  }
0x57: {  	_ =	shalt  }
0x58: {  	_ =	shalt  }
0x59: {  	_ =	shalt  }
0x5a: {  	_ =	shalt  }
0x5b: {  	_ =	shalt  }
0x5c: {  	_ =	shalt  }
0x5d: {  	_ =	shalt  }
0x5e: {  	_ =	shalt  }
0x5f: {  	_ =	shalt  }
0x60: {  	_ =	shalt  }
0x61: {  	_ =	shalt  }
0x62: {  	_ =	shalt  }
0x63: {  	_ =	shalt  }
0x64: {  	_ =	shalt  }
0x65: {  	_ =	shalt  }
0x66: {  	_ =	shalt  }
0x67: {  	_ =	shalt  }
0x68: {  	_ =	shalt  }
0x69: {  	_ =	shalt  }
0x6a: {  	_ =	shalt  }
0x6b: {  	_ =	shalt  }
0x6c: {  	_ =	shalt  }
0x6d: {  	_ =	shalt  }
0x6e: {  	_ =	shalt  }
0x6f: {  	_ =	shalt  }
0x70: {  	_ =	shalt  }
0x71: {  	_ =	shalt  }
0x72: {  	_ =	shalt  }
0x73: {  	_ =	shalt  }
0x74: {  	_ =	shalt  }
0x75: {  	_ =	shalt  }
0x76: {  	_ =	shalt  }
0x77: {  	_ =	shalt  }
0x78: {  	_ =	shalt  }
0x79: {  	_ =	shalt  }
0x7a: {  	_ =	shalt  }
0x7b: {  	_ =	shalt  }
0x7c: {  	_ =	shalt  }
0x7d: {  	_ =	shalt  }
0x7e: {  	_ =	shalt  }
0x7f: {  	_ =	shalt  }
0x80: {  	_ =	shalt  }
0x81: {  	_ =	shalt  }
0x82: {  	_ =	shalt  }
0x83: {  	_ =	shalt  }
0x84: {  	_ =	shalt  }
0x85: {  	_ =	shalt  }
0x86: {  	_ =	shalt  }
0x87: {  	_ =	shalt  }
.Lfunc_end0:
.L_simem_size_0:
called_computation_lowered:
.L_overlay_start_0:
0x88: {  	s2 =	sld [smem:$0x3FD9]  }
0x89: {  	s3 =	sld [smem:$0x3FFE];
	_ =	sdelay $0x1  }
0x8a: {  	s1 =	srdreg.scid  }
0x8b: {  	s0 =	sand.u32 $0x1, s1  }
0x8c: {  	s17 =	sshll.u32 s0, $0xA;
	s2 =	sadd.s32 s3, s2  }
0x8d: {  	s2 =	sadd.s32 s2, s17  }
0x8e: {  	[smem:$0x3FBC] =	sst s2  }
0x8f: {  	_ = 	snop  }
0x90: {  	s2 =	sld [smem:$0x3FD0];
	(tm) =	ssettm $0x1  }
0x91: {  	s18 =	sld [smem:$0x3FFB];
	_ =	sdelay $0x3  }
0x92: {  	_ =	strace s18  }
0x93: {  	s3 =	sld [smem:$0x3FFC];
	_ =	sdelay $0x3  }
0x94: {  	_ =	strace s3  }
0x95: {  	s3 =	sld [smem:$0x3FFD];
	_ =	sdelay $0x3  }
0x96: {  	_ =	strace s3  }
0x97: {  	_ =	strace $0x8FFFFFFF  }
0x98: {  	s19 =	sld [smem:$0x3FDB];
	_ =	sdelay $0x1  }
0x99: {  	s4 =	simm.s32 $_scs_section_size  }
0x9a: {  	s5 =	simm.s32 $_size__tile_overlayer_lowered;
	s6 =	simm.s32 $_tile_overlayer_lowered  }
0x9b: {  	s22 =	simm.s32 $0x1BFF;
	s21 =	sshll.u32 s6, $0x1;
	s3 =	sadd.s32 s4, s19  }
0x9c: {  	s7 =	simm.s32 $0x0;
	s20 =	sshll.u32 s5, $0x1;
	s5 =	sadd.s32 s21, s3  }
0x9d: {  	[timem:s7], [sflag:s22] =	dma.local [hbm:s5], s20  }
0x9e: {  	_ =	swait.ge [sflag:s22], s20  }
0x9f: {  	s4 =	ssub.s32 $0x0, s20;
	[sflag:s22] =	ssyncset.done $0x0  }
0xa0: {  	[sflag:s22] =	ssyncadd.s32 s4;
	_ =	sdelay $0x1  }
0xa1: {  	s23 =	simm.s32 $0x1B8B  }
0xa2: {  	_ =	swait.ge [sflag:s23], $0x1  }
0xa3: {  	[sflag:s23] =	ssyncset.done $0x0  }
0xa4: {  	s25 =	simm.s32 $0x1B8E;
	s24 =	sld [smem:$0x3FFE];
	[sflag:s23] =	ssyncadd.s32 $0xFFFFFFFF  }
0xa5: {  	s26 =	simm.s32 $execute0_lowered;
	[smem:$0x3FD2] =	sst s25  }
0xa6: {  	s5 =	sshll.u32 s26, $0x1;
	_ =	strace $0x80000046;
	[dreg:$0x1] =	wrdreg $0xFFFFFFFF  }
0xa7: {  	s28 =	simm.s32 $_size_execute0_lowered;
	s3 =	sadd.s32 s3, s5;
	[dreg:$0x0] =	wrdreg $0x0  }
0xa8: {  	s5 =	sshll.u32 s28, $0x1;
	[dreg:$0x2] =	wrdreg s3  }
0xa9: {  	[dreg:$0x3] =	wrdreg s5  }
0xaa: {  	[dreg:$0x4] =	wrdreg $0xC0  }
0xab: {  	_ =	task [dreg:s7], $0x5FFFF  }
0xac: {  	[dreg:$0x1] =	wrdreg $0xFFFFFFFF  }
0xad: {  	[dreg:$0x0] =	wrdreg $0x60  }
0xae: {  	[dreg:$0x2] =	wrdreg s24  }
0xaf: {  	[dreg:$0x3] =	wrdreg s2  }
0xb0: {  	[dreg:$0x4] =	wrdreg $0x113500  }
0xb1: {  	[dreg:$0x5] =	wrdreg $0x9  }
0xb2: {  	_ =	task.clear_ibuf [dreg:s7], $0x6FFFF;
	_ =	strace $0x90000046  }
0xb3: {  	s29 =	simm.s32 $0x9;
	_ =	strace $0x80000048  }
0xb4: {  	_ =	swait.ge [sflag:s29], $0x1  }
0xb5: {  	[sflag:s29] =	ssyncadd.s32 $0xFFFFFFFF  }
0xb6: {  	_ =	strace $0x90000048  }
0xb7: {  	_ =	sfence  }
0xb8: {  	s30 =	sld [smem:$0x0];
	_ =	sdelay $0x2  }
0xb9: {  	s31 =	sshll.u32 s1, $0xD;
	s1 =	sshrl.u32 s1, $0x2  }
0xba: {  	s3 =	sand.u32 $0x4000, s31;
	s1 =	sadd.s32 s1, s30  }
0xbb: {  	s0 =	sor.u32 s3, s0;
	s1 =	sshll.u32 s1, $0x11  }
0xbc: {  	s0 =	sor.u32 s1, s0  }
0xbd: {  	s0 =	sadd.s32 $0x8F2B, s0  }
0xbe: {  	[sflag:s0] =	ssyncadd.remote.s32 $0x1  }
0xbf: {  	_ =	sfence.sel $0xFFFF  }
0xc0: {  	[dreg:$0x0] =	wrdreg $0xFFFFFFFF;
	(pc) =	sbr.abs _section_cstart, $3  }
0xc1: {  	[dreg:$0x1] =	wrdreg $0xFFFFFFFF  }
0xc2: {  	_ =	task.clear_ibuf [dreg:s7], $0x2FFFF;
	_ =	strace $0x9FFFFFFF  }
0xc3: {  	(tm) =	ssettm $0x7FFFFFFF  }
tec
execute0_lowered:
.L_overlay_start_1:
0x0: {  	(tag) =	ssettag $0x1  }
0x1: {  	s0 =	srdreg.scid;
	s1 =	rddreg [dreg:$0x0]  }
0x2: {  	s11 =	stileid.u32;
	s3 =	rddreg [dreg:$0x2]  }
0x3: {  	s4 =	simm.s32 $0x0;
	s10 =	simm.s32 $0xB;
	s14 =	simm.s32 $0x7D  }
0x4: {  	s15 =	simm.s32 $0x5000;
	s17 =	simm.s32 $0x7710;
	s19 =	simm.s32 $0x9E20  }
0x5: {  	s21 =	simm.s32 $0xC530;
	s28 =	simm.s32 $0x3;
	s29 =	simm.s32 $0x8  }
0x6: {  	s30 =	simm.s32 $0x4;
	s31 =	simm.s32 $0x9;
	s16 =	simm.s32 $0x0  }
0x7: {  	s0 =	sand.u32 $0x1, s0;
	[smem:$0x7FF] =	sst s4;
	s7 =	smul.u32 $0x14000, s11  }
0x8: {  	s5 =	sadd.s32 $0x2000, s1;
	s22 =	smul.u32 $0x32000, s11;
	s26 =	sshll.u32 s11, $0x6  }
0x9: {  	s2 =	sshll.u32 s0, $0x4;
	s6 =	smul.u32 $0x140000, s0;
	_ =	strace $0x80000047  }
0xa: {  	s0 =	ssub.s32 $0x2, s0;
	s12 =	sor.u32 $0x1C0B, s26;
	s26 =	simm.s32 $0x7  }
0xb: {  	s2 =	sor.u32 s11, s2;
	s23 =	sshrl.u32 s0, $0x1;
	s8 =	sshrl.u32 s22, $0x2  }
0xc: {  	s22 =	simm.s32 $0xEC40;
	s2 =	smul.u32 $0x2800, s2;
	s6 =	sadd.s32 s7, s6  }
0xd: {  	s0 =	ssub.s32 s0, s23;
	s25 =	sadd.s32 s8, s3;
	s23 =	simm.s32 $0x1  }
0xe: {  	s6 =	sshrl.u32 s6, $0x3;
	s9 =	smax.u32 s0, $0x1;
	s2 =	sshrl.u32 s2, $0x3  }
0xf: {  	s13 =	sshrl.u32 s25, $0x3;
	s25 =	simm.s32 $0x2;
	s2 =	sadd.s32 s2, s1  }
0x10: {  	s0 =	simm.s32 $0xA;
	s1 =	sadd.s32 s6, s1;
	s24 =	sadd.s32 $0x1A800, s2  }
0x11: {  	s2 =	sadd.s32 $0x24800, s2;
	s8 =	sadd.s32 $0x2E800, s1;
	[dreg:$0x4] =	wrdreg s24  }
0x12: {  	s1 =	simm.s32 $0x5;
	[dreg:$0x5] =	wrdreg s2;
	s24 =	simm.s32 $0x6  }
.LBB2_1:
0x13: {  	s2 =	rddreg [dreg:$0x4]  }
0x14: {  	[tilespmem:s4], [sflag:$0xB] =	stream.linear.gather [hbm4b:s2+s4], $0x2800, $0x38;
	[tilespmem:$0x1DB50] =	vst v63  }
0x15: {  	_ =	swait.ge [sflag:s10], $0x2800  }
0x16: {  	[sflag:s10] =	ssyncset.done $0x0  }
0x17: {  	s6 =	simm.s32 $0x2800;
	s7 =	rddreg [dreg:$0x5];
	[sflag:s10] =	ssyncadd.s32 $0xFFFFD800  }
0x18: {  	[tilespmem:s6], [sflag:$0xB] =	stream.linear.gather [hbm4b:s7+s4], $0x2800, $0x38;
	[tilespmem:$0x1DB50] =	vst v63  }
0x19: {  	_ =	swait.ge [sflag:s10], $0x2800  }
0x1a: {  	[sflag:s10] =	ssyncset.done $0x0  }
0x1b: {  	[sflag:s10] =	ssyncadd.s32 $0xFFFFD800  }
0x1c: {  	s11 =	rddreg [dreg:$0x1]  }
0x1d: {  	[spmem:s13], [sflag:s12] =	dma.local [hbm:s11], $0x1900  }
0x1e: {  	_ =	swait.ge [sflag:s10], $0x1900  }
0x1f: {  	[sflag:s10] =	ssyncset.done $0x0  }
0x20: {  	[sflag:s10] =	ssyncadd.s32 $0xFFFFE700  }
0x21: {  	[tilespmem:s15], [sflag:$0x1] =	stream.indirect.gather [hbm4b:s5+s14], $0x50, s4, s14, $0xb8;
	[tilespmem:$0x1DB50] =	vst v63  }
0x22: {  	s18 =	simm.s32 $0x80  }
0x23: {  	[tilespmem:s17], [sflag:$0x2] =	stream.indirect.gather [hbm4b:s5+s14], $0x50, s18, s14, $0xb8;
	[tilespmem:$0x1DB50] =	vst v63  }
0x24: {  	s20 =	simm.s32 $0x100  }
0x25: {  	[tilespmem:s19], [sflag:$0x3] =	stream.indirect.gather [hbm4b:s5+s14], $0x50, s20, s14, $0xb8;
	[tilespmem:$0x1DB50] =	vst v63  }
0x26: {  	p0 =	por $0x1, $0x1;
	s6 =	simm.s32 $0x180  }
0x27: {  	[tilespmem:s21], [sflag:$0x4] =	stream.indirect.gather [hbm4b:s5+s14], $0x50, s6, s14, $0xb8;
	[tilespmem:$0x1DB50] =	vst v63  }
0x28: {  	s2 =	simm.s32 @!p0 $0xA;
	[bflag:$0x0] =	sbarrier.arrive $0xFFFF  }
0x29: {  	_ =	swait.ge @!p0 [sflag:s2], $0x2710  }
0x2a: {  	[sflag:s2] =	ssyncset.done @!p0 $0x0  }
0x2b: {  	s7 =	simm.s32 $0x200;
	[sflag:s2] =	ssyncadd.s32 @!p0 $0xFFFFD8F0  }
0x2c: {  	[tilespmem:s22], [sflag:$0x5] =	stream.indirect.gather [hbm4b:s5+s14], $0x50, s7, s14, $0xb8;
	[tilespmem:$0x1DB50] =	vst v63  }
0x2d: {  	_ =	swait.ge [sflag:s23], $0x2710  }
0x2e: {  	[sflag:s23] =	ssyncset.done $0x0  }
0x2f: {  	s11 =	simm.s32 $0x2800;
	[sflag:s23] =	ssyncadd.s32 $0xFFFFD8F0  }
0x30: {  	[spmem:s3] =	stream.indirect.scatter.add.f32 [tilespmem:s15], [sflag:$0x6], $0x50, s11, s14, $0xb8;
	[tilespmem:$0x1DB50] =	vst v63  }
0x31: {  	_ =	swait.ge [sflag:s24], $0x2710  }
0x32: {  	[sflag:s24] =	ssyncset.done $0x0  }
0x33: {  	s18 =	simm.s32 $0x280;
	[sflag:s24] =	ssyncadd.s32 $0xFFFFD8F0  }
0x34: {  	[tilespmem:s15], [sflag:$0x1] =	stream.indirect.gather [hbm4b:s5+s14], $0x50, s18, s14, $0xb8;
	[tilespmem:$0x1DB50] =	vst v63  }
0x35: {  	_ =	swait.ge [sflag:s25], $0x2710  }
0x36: {  	[sflag:s25] =	ssyncset.done $0x0  }
0x37: {  	s20 =	simm.s32 $0x2880;
	[sflag:s25] =	ssyncadd.s32 $0xFFFFD8F0  }
0x38: {  	[spmem:s3] =	stream.indirect.scatter.add.f32 [tilespmem:s17], [sflag:$0x7], $0x50, s20, s14, $0xb8;
	[tilespmem:$0x1DB50] =	vst v63  }
0x39: {  	_ =	swait.ge [sflag:s26], $0x2710  }
0x3a: {  	[sflag:s26] =	ssyncset.done $0x0  }
0x3b: {  	s6 =	simm.s32 $0x300;
	[sflag:s26] =	ssyncadd.s32 $0xFFFFD8F0  }
0x3c: {  	[tilespmem:s17], [sflag:$0x2] =	stream.indirect.gather [hbm4b:s5+s14], $0x50, s6, s14, $0xb8;
	[tilespmem:$0x1DB50] =	vst v63  }
0x3d: {  	_ =	swait.ge [sflag:s28], $0x2710  }
0x3e: {  	[sflag:s28] =	ssyncset.done $0x0  }
0x3f: {  	s7 =	simm.s32 $0x2900;
	[sflag:s28] =	ssyncadd.s32 $0xFFFFD8F0  }
0x40: {  	[spmem:s3] =	stream.indirect.scatter.add.f32 [tilespmem:s19], [sflag:$0x8], $0x50, s7, s14, $0xb8;
	[tilespmem:$0x1DB50] =	vst v63  }
0x41: {  	_ =	swait.ge [sflag:s29], $0x2710  }
0x42: {  	[sflag:s29] =	ssyncset.done $0x0  }
0x43: {  	s11 =	simm.s32 $0x380;
	[sflag:s29] =	ssyncadd.s32 $0xFFFFD8F0  }
0x44: {  	[tilespmem:s19], [sflag:$0x3] =	stream.indirect.gather [hbm4b:s5+s14], $0x50, s11, s14, $0xb8;
	[tilespmem:$0x1DB50] =	vst v63  }
0x45: {  	_ =	swait.ge [sflag:s30], $0x2710  }
0x46: {  	[sflag:s30] =	ssyncset.done $0x0  }
0x47: {  	s18 =	simm.s32 $0x2980;
	[sflag:s30] =	ssyncadd.s32 $0xFFFFD8F0  }
0x48: {  	[spmem:s3] =	stream.indirect.scatter.add.f32 [tilespmem:s21], [sflag:$0x9], $0x50, s18, s14, $0xb8;
	[tilespmem:$0x1DB50] =	vst v63  }
0x49: {  	_ =	swait.ge [sflag:s31], $0x2710  }
0x4a: {  	[sflag:s31] =	ssyncset.done $0x0  }
0x4b: {  	p1 =	por $0x0, $0x0;
	s20 =	simm.s32 $0x400;
	[sflag:s31] =	ssyncadd.s32 $0xFFFFD8F0  }
0x4c: {  	[tilespmem:s21], [sflag:$0x4] =	stream.indirect.gather [hbm4b:s5+s14], $0x50, s20, s14, $0xb8;
	[tilespmem:$0x1DB50] =	vst v63  }
0x4d: {  	s2 =	simm.s32 $0x4;
	s11 =	simm.s32 $0x2A00;
	_ =	swait.ge [sflag:s1], $0x2710  }
0x4e: {  	s18 =	simm.s32 $0xA00;
	s20 =	simm.s32 $0x1400;
	[sflag:s1] =	ssyncset.done $0x0  }
.LBB2_2:
0x4f: {  	s6 =	simm.s32 @!p1 $0xA  }
0x50: {  	[sflag:s1] =	ssyncadd.s32 $0xFFFFD8F0;
	s7 =	smov.u32 s20;
	s20 =	sadd.s32 $0xA00, s20  }
0x51: {  	[spmem:s3] =	stream.indirect.scatter.add.f32 [tilespmem:s22], [sflag:$0xA], $0x50, s11, s14, $0xb8;
	[tilespmem:$0x1DB50] =	vst v63  }
0x52: {  	p0 =	sne.s32 s20, $0x9600;
	_ =	swait.ge @!p1 [sflag:s6], $0x2710  }
0x53: {  	s11 =	sshra.s32 s18, $0x2;
	s18 =	smov.u32 s7;
	[sflag:s6] =	ssyncset.done @!p1 $0x0  }
0x54: {  	[sflag:s6] =	ssyncadd.s32 @!p1 $0xFFFFD8F0;
	s6 =	sadd.s32 $0x200, s11  }
0x55: {  	[tilespmem:s22], [sflag:$0x5] =	stream.indirect.gather [hbm4b:s5+s14], $0x50, s6, s14, $0xb8;
	[tilespmem:$0x1DB50] =	vst v63  }
0x56: {  	_ =	swait.ge [sflag:s23], $0x2710  }
0x57: {  	[sflag:s23] =	ssyncset.done $0x0  }
0x58: {  	s6 =	sadd.s32 $0x2800, s11;
	[sflag:s23] =	ssyncadd.s32 $0xFFFFD8F0  }
0x59: {  	[spmem:s3] =	stream.indirect.scatter.add.f32 [tilespmem:s15], [sflag:$0x6], $0x50, s6, s14, $0xb8;
	[tilespmem:$0x1DB50] =	vst v63  }
0x5a: {  	_ =	swait.ge [sflag:s24], $0x2710  }
0x5b: {  	[sflag:s24] =	ssyncset.done $0x0  }
0x5c: {  	s6 =	sadd.s32 $0x280, s11;
	[sflag:s24] =	ssyncadd.s32 $0xFFFFD8F0  }
0x5d: {  	[tilespmem:s15], [sflag:$0x1] =	stream.indirect.gather [hbm4b:s5+s14], $0x50, s6, s14, $0xb8;
	[tilespmem:$0x1DB50] =	vst v63  }
0x5e: {  	_ =	swait.ge [sflag:s25], $0x2710  }
0x5f: {  	[sflag:s25] =	ssyncset.done $0x0  }
0x60: {  	s6 =	sadd.s32 $0x2880, s11;
	[sflag:s25] =	ssyncadd.s32 $0xFFFFD8F0  }
0x61: {  	[spmem:s3] =	stream.indirect.scatter.add.f32 [tilespmem:s17], [sflag:$0x7], $0x50, s6, s14, $0xb8;
	[tilespmem:$0x1DB50] =	vst v63  }
0x62: {  	_ =	swait.ge [sflag:s26], $0x2710  }
0x63: {  	[sflag:s26] =	ssyncset.done $0x0  }
0x64: {  	s6 =	sadd.s32 $0x300, s11;
	[sflag:s26] =	ssyncadd.s32 $0xFFFFD8F0  }
0x65: {  	[tilespmem:s17], [sflag:$0x2] =	stream.indirect.gather [hbm4b:s5+s14], $0x50, s6, s14, $0xb8;
	[tilespmem:$0x1DB50] =	vst v63  }
0x66: {  	_ =	swait.ge [sflag:s28], $0x2710  }
0x67: {  	[sflag:s28] =	ssyncset.done $0x0  }
0x68: {  	s6 =	sadd.s32 $0x2900, s11;
	[sflag:s28] =	ssyncadd.s32 $0xFFFFD8F0  }
0x69: {  	[spmem:s3] =	stream.indirect.scatter.add.f32 [tilespmem:s19], [sflag:$0x8], $0x50, s6, s14, $0xb8;
	[tilespmem:$0x1DB50] =	vst v63  }
0x6a: {  	_ =	swait.ge [sflag:s29], $0x2710  }
0x6b: {  	[sflag:s29] =	ssyncset.done $0x0  }
0x6c: {  	s6 =	sadd.s32 $0x380, s11;
	[sflag:s29] =	ssyncadd.s32 $0xFFFFD8F0  }
0x6d: {  	[tilespmem:s19], [sflag:$0x3] =	stream.indirect.gather [hbm4b:s5+s14], $0x50, s6, s14, $0xb8;
	[tilespmem:$0x1DB50] =	vst v63  }
0x6e: {  	_ =	swait.ge [sflag:s30], $0x2710  }
0x6f: {  	[sflag:s30] =	ssyncset.done $0x0  }
0x70: {  	s6 =	sadd.s32 $0x2980, s11;
	[sflag:s30] =	ssyncadd.s32 $0xFFFFD8F0  }
0x71: {  	[spmem:s3] =	stream.indirect.scatter.add.f32 [tilespmem:s21], [sflag:$0x9], $0x50, s6, s14, $0xb8;
	[tilespmem:$0x1DB50] =	vst v63  }
0x72: {  	_ =	swait.ge [sflag:s31], $0x2710  }
.Ltmp0:
0x73: {  	[sflag:s31] =	ssyncset.done $0x0;
	(pc) =	sbr.rel @p0 .LBB2_2-.Ltmp0, $4  }
0x74: {  	s6 =	sadd.s32 $0x400, s11;
	[sflag:s31] =	ssyncadd.s32 $0xFFFFD8F0  }
0x75: {  	[tilespmem:s21], [sflag:$0x4] =	stream.indirect.gather [hbm4b:s5+s14], $0x50, s6, s14, $0xb8;
	[tilespmem:$0x1DB50] =	vst v63  }
0x76: {  	s2 =	sadd.s32 $0x5, s2;
	_ =	swait.ge [sflag:s1], $0x2710  }
0x77: {  	p1 =	sgt.u32 s2, $0x4A;
	s11 =	sadd.s32 $0x2A00, s11;
	[sflag:s1] =	ssyncset.done $0x0  }
0x78: {  	[sflag:s1] =	ssyncadd.s32 $0xFFFFD8F0;
	s2 =	simm.s32 @!p1 $0xA  }
0x79: {  	[spmem:s3] =	stream.indirect.scatter.add.f32 [tilespmem:s22], [sflag:$0xA], $0x50, s11, s14, $0xb8;
	[tilespmem:$0x1DB50] =	vst v63  }
0x7a: {  	_ =	swait.ge @!p1 [sflag:s2], $0x2710  }
0x7b: {  	s6 =	sshra.s32 s18, $0x2;
	[sflag:s2] =	ssyncset.done @!p1 $0x0  }
0x7c: {  	s7 =	sadd.s32 $0x200, s6;
	[sflag:s2] =	ssyncadd.s32 @!p1 $0xFFFFD8F0  }
0x7d: {  	[tilespmem:s22], [sflag:$0x5] =	stream.indirect.gather [hbm4b:s5+s14], $0x50, s7, s14, $0xb8;
	[tilespmem:$0x1DB50] =	vst v63  }
0x7e: {  	_ =	swait.ge [sflag:s23], $0x2710  }
0x7f: {  	[sflag:s23] =	ssyncset.done $0x0  }
0x80: {  	s11 =	sadd.s32 $0x2800, s6;
	[sflag:s23] =	ssyncadd.s32 $0xFFFFD8F0  }
0x81: {  	[spmem:s3] =	stream.indirect.scatter.add.f32 [tilespmem:s15], [sflag:$0x6], $0x50, s11, s14, $0xb8;
	[tilespmem:$0x1DB50] =	vst v63  }
0x82: {  	_ =	swait.ge [sflag:s24], $0x2710  }
0x83: {  	[sflag:s24] =	ssyncset.done $0x0  }
0x84: {  	s18 =	sadd.s32 $0x280, s6;
	[sflag:s24] =	ssyncadd.s32 $0xFFFFD8F0  }
0x85: {  	[tilespmem:s15], [sflag:$0x1] =	stream.indirect.gather [hbm4b:s5+s14], $0x50, s18, s14, $0xb8;
	[tilespmem:$0x1DB50] =	vst v63  }
0x86: {  	_ =	swait.ge [sflag:s25], $0x2710  }
0x87: {  	[sflag:s25] =	ssyncset.done $0x0  }
0x88: {  	s20 =	sadd.s32 $0x2880, s6;
	[sflag:s25] =	ssyncadd.s32 $0xFFFFD8F0  }
0x89: {  	[spmem:s3] =	stream.indirect.scatter.add.f32 [tilespmem:s17], [sflag:$0x7], $0x50, s20, s14, $0xb8;
	[tilespmem:$0x1DB50] =	vst v63  }
0x8a: {  	_ =	swait.ge [sflag:s26], $0x2710  }
0x8b: {  	[sflag:s26] =	ssyncset.done $0x0  }
0x8c: {  	s7 =	sadd.s32 $0x300, s6;
	[sflag:s26] =	ssyncadd.s32 $0xFFFFD8F0  }
0x8d: {  	[tilespmem:s17], [sflag:$0x2] =	stream.indirect.gather [hbm4b:s5+s14], $0x50, s7, s14, $0xb8;
	[tilespmem:$0x1DB50] =	vst v63  }
0x8e: {  	_ =	swait.ge [sflag:s28], $0x2710  }
0x8f: {  	[sflag:s28] =	ssyncset.done $0x0  }
0x90: {  	s11 =	sadd.s32 $0x2900, s6;
	[sflag:s28] =	ssyncadd.s32 $0xFFFFD8F0  }
0x91: {  	[spmem:s3] =	stream.indirect.scatter.add.f32 [tilespmem:s19], [sflag:$0x8], $0x50, s11, s14, $0xb8;
	[tilespmem:$0x1DB50] =	vst v63  }
0x92: {  	_ =	swait.ge [sflag:s29], $0x2710  }
0x93: {  	[sflag:s29] =	ssyncset.done $0x0  }
0x94: {  	s18 =	sadd.s32 $0x380, s6;
	[sflag:s29] =	ssyncadd.s32 $0xFFFFD8F0  }
0x95: {  	[tilespmem:s19], [sflag:$0x3] =	stream.indirect.gather [hbm4b:s5+s14], $0x50, s18, s14, $0xb8;
	[tilespmem:$0x1DB50] =	vst v63  }
0x96: {  	_ =	swait.ge [sflag:s30], $0x2710  }
0x97: {  	[sflag:s30] =	ssyncset.done $0x0  }
0x98: {  	s20 =	sadd.s32 $0x2980, s6;
	[sflag:s30] =	ssyncadd.s32 $0xFFFFD8F0  }
0x99: {  	[spmem:s3] =	stream.indirect.scatter.add.f32 [tilespmem:s21], [sflag:$0x9], $0x50, s20, s14, $0xb8;
	[tilespmem:$0x1DB50] =	vst v63  }
0x9a: {  	_ =	swait.ge [sflag:s31], $0x2710  }
0x9b: {  	[sflag:s31] =	ssyncset.done $0x0  }
0x9c: {  	s7 =	sadd.s32 $0x400, s6;
	[sflag:s31] =	ssyncadd.s32 $0xFFFFD8F0  }
0x9d: {  	[tilespmem:s21], [sflag:$0x4] =	stream.indirect.gather [hbm4b:s5+s14], $0x50, s7, s14, $0xb8;
	[tilespmem:$0x1DB50] =	vst v63  }
0x9e: {  	_ =	swait.ge [sflag:s1], $0x2710  }
0x9f: {  	[sflag:s1] =	ssyncset.done $0x0  }
0xa0: {  	s11 =	sadd.s32 $0x2A00, s6;
	[sflag:s1] =	ssyncadd.s32 $0xFFFFD8F0  }
0xa1: {  	[spmem:s3] =	stream.indirect.scatter.add.f32 [tilespmem:s22], [sflag:$0xA], $0x50, s11, s14, $0xb8;
	[tilespmem:$0x1DB50] =	vst v63  }
0xa2: {  	_ =	swait.ge [sflag:s0], $0x2710  }
0xa3: {  	[sflag:s0] =	ssyncset.done $0x0  }
0xa4: {  	s18 =	simm.s32 $0x2780;
	[sflag:s0] =	ssyncadd.s32 $0xFFFFD8F0  }
0xa5: {  	[tilespmem:s22], [sflag:$0x5] =	stream.indirect.gather [hbm4b:s5+s14], $0x50, s18, s14, $0xb8;
	[tilespmem:$0x1DB50] =	vst v63  }
0xa6: {  	_ =	swait.ge [sflag:s23], $0x2710  }
0xa7: {  	[sflag:s23] =	ssyncset.done $0x0  }
0xa8: {  	s20 =	simm.s32 $0x4D80;
	[sflag:s23] =	ssyncadd.s32 $0xFFFFD8F0  }
0xa9: {  	[spmem:s3] =	stream.indirect.scatter.add.f32 [tilespmem:s15], [sflag:$0x6], $0x50, s20, s14, $0xb8;
	[tilespmem:$0x1DB50] =	vst v63  }
0xaa: {  	_ =	swait.ge [sflag:s25], $0x2710  }
0xab: {  	[sflag:s25] =	ssyncset.done $0x0  }
0xac: {  	s6 =	simm.s32 $0x4E00;
	[sflag:s25] =	ssyncadd.s32 $0xFFFFD8F0  }
0xad: {  	[spmem:s3] =	stream.indirect.scatter.add.f32 [tilespmem:s17], [sflag:$0x7], $0x50, s6, s14, $0xb8;
	[tilespmem:$0x1DB50] =	vst v63  }
0xae: {  	_ =	swait.ge [sflag:s28], $0x2710  }
0xaf: {  	[sflag:s28] =	ssyncset.done $0x0  }
0xb0: {  	s7 =	simm.s32 $0x4E80;
	[sflag:s28] =	ssyncadd.s32 $0xFFFFD8F0  }
0xb1: {  	[spmem:s3] =	stream.indirect.scatter.add.f32 [tilespmem:s19], [sflag:$0x8], $0x50, s7, s14, $0xb8;
	[tilespmem:$0x1DB50] =	vst v63  }
0xb2: {  	_ =	swait.ge [sflag:s30], $0x2710  }
0xb3: {  	[sflag:s30] =	ssyncset.done $0x0  }
0xb4: {  	s11 =	simm.s32 $0x4F00;
	[sflag:s30] =	ssyncadd.s32 $0xFFFFD8F0  }
0xb5: {  	[spmem:s3] =	stream.indirect.scatter.add.f32 [tilespmem:s21], [sflag:$0x9], $0x50, s11, s14, $0xb8;
	[tilespmem:$0x1DB50] =	vst v63  }
0xb6: {  	_ =	swait.ge [sflag:s1], $0x2710  }
0xb7: {  	[sflag:s1] =	ssyncset.done $0x0  }
0xb8: {  	s18 =	simm.s32 $0x4F80;
	[sflag:s1] =	ssyncadd.s32 $0xFFFFD8F0  }
0xb9: {  	[spmem:s3] =	stream.indirect.scatter.add.f32 [tilespmem:s22], [sflag:$0xA], $0x50, s18, s14, $0xb8;
	[tilespmem:$0x1DB50] =	vst v63  }
0xba: {  	_ =	swait.ge [sflag:s24], $0x2710  }
0xbb: {  	[sflag:s24] =	ssyncset.done $0x0  }
0xbc: {  	[sflag:s24] =	ssyncadd.s32 $0xFFFFD8F0  }
0xbd: {  	_ =	swait.ge [sflag:s26], $0x2710  }
0xbe: {  	[sflag:s26] =	ssyncset.done $0x0  }
0xbf: {  	[sflag:s26] =	ssyncadd.s32 $0xFFFFD8F0  }
0xc0: {  	_ =	swait.ge [sflag:s29], $0x2710  }
0xc1: {  	[sflag:s29] =	ssyncset.done $0x0  }
0xc2: {  	[sflag:s29] =	ssyncadd.s32 $0xFFFFD8F0  }
0xc3: {  	_ =	swait.ge [sflag:s31], $0x2710  }
0xc4: {  	[sflag:s31] =	ssyncset.done $0x0  }
0xc5: {  	[sflag:s31] =	ssyncadd.s32 $0xFFFFD8F0  }
0xc6: {  	_ =	swait.ge [sflag:s0], $0x2710  }
0xc7: {  	s16 =	sadd.s32 $0x1, s16;
	[sflag:s0] =	ssyncset.done $0x0  }
0xc8: {  	p0 =	sne.s32 s16, s9;
	[sflag:s0] =	ssyncadd.s32 $0xFFFFD8F0  }
.Ltmp1:
0xc9: {  	s20 =	simm.s32 $0x10;
	[bflag:$0x0] =	sbarrier.arrive $0xFFFF;
	(pc) =	sbr.rel @p0 .LBB2_1-.Ltmp1, $4  }
0xca: {  	[hbm:s8@s20], [sflag:s12] =	dma.strided [spmem:s13@s0], $0x1900, s23, $0xa   }
0xcb: {  	_ =	swait.ge [sflag:s10], $0x1900  }
0xcc: {  	[sflag:s10] =	ssyncset.done $0x0  }
0xcd: {  	[sflag:s10] =	ssyncadd.s32 $0xFFFFE700  }
0xce: {  	_ =	sfence.sel $0x180000  }
0xcf: {  	[bflag:$0x0] =	sbarrier.arrive $0xFFFF  }
0xd0: {  	_ =	strace $0x90000047  }
0xd1: {  	s0 =	stileid.u32;
	[bflag:$0x2] =	sbarrier.arrive $0xFFFF  }
0xd2: {  	p0 =	sne.s32 s0, $0x0;
	s0 =	rddreg [dreg:$0x3]  }
0xd3: {  	s0 =	sadd.s32 @!p0 $0x100000, s0  }
0xd4: {  	[sflag:s0] =	ssyncadd.tile.s32 @!p0 $0x1;
	_ =	shalt  }
.Lfunc_end2:
_tile_overlayer_lowered:
.L_overlay_start_2:
0xd5: {  	(tag) =	ssettag $0x2  }
0xd6: {  	s0 =	rddreg [dreg:$0x0];
	s2 =	stileid.u32  }
0xd7: {  	s1 =	rddreg [dreg:$0x1];
	p0 =	sne.s32 s2, $0x0  }
0xd8: {  	s3 =	rddreg [dreg:$0x2];
	[bflag:$0x3] =	sbarrier.arrive $0xFFFF;
	s2 =	simm.s32 @!p0 $0x1C0B  }
0xd9: {  	[timem:s3], [sflag:s2] =	dma.local @!p0 [hbm:s0], s1  }
0xda: {  	s0 =	simm.s32 @!p0 $0xB  }
0xdb: {  	_ =	swait.ge @!p0 [sflag:s0], s1  }
0xdc: {  	s1 =	ssub.s32 @!p0 $0x0, s1;
	[sflag:s0] =	ssyncset.done @!p0 $0x0  }
0xdd: {  	[sflag:s0] =	ssyncadd.s32 @!p0 s1  }
0xde: {  	[bflag:$0x3] =	sbarrier.arrive $0xFFFF  }
0xdf: {  	_ =	shalt  }

</sc_bundles>
